<compile_context>
chip_gen: v7x
topology: tpu7x:2x2x1
jax: 0.10.2.dev20260603
libtpu: 0.0.44.dev20260713+nightly
codegen_flags: <defaults>
</compile_context>

<pallas_src>
import functools

import jax
import jax.numpy as jnp
from jax import lax
from jax.experimental import pallas as pl
from jax.experimental.pallas import tpu as pltpu
from jax.experimental.pallas import tpu_sc as plsc

K = 5
KPAD = 8
QBLK = 256
SBLK = 2048
IDX_BIG = 2**30


def _topk_body(q_ref, st_ref, out_ref, vals_ref, idxs_ref, q2_ref, s2_ref):
    i = pl.program_id(0)
    j = pl.program_id(1)
    nj = pl.num_programs(1)

    @pl.when(j == 0)
    def _init():
        vals_ref[...] = jnp.full((QBLK, KPAD), jnp.inf, jnp.float32)
        idxs_ref[...] = jnp.full((QBLK, KPAD), IDX_BIG, jnp.int32)
        q = q_ref[...]
        q2_ref[...] = jnp.sum(q * q, axis=1, keepdims=True)

    @pl.when(i == 0)
    def _s2():
        st = st_ref[...]
        s2_ref[j] = jnp.sum(st * st, axis=0, keepdims=True)

    dots = lax.dot_general(q_ref[...], st_ref[...], (((1,), (0,)), ((), ())),
                           preferred_element_type=jnp.float32)
    d2 = (q2_ref[...] + s2_ref[j]) - 2.0 * dots

    col = lax.broadcasted_iota(jnp.int32, (QBLK, SBLK), 1)
    base = j * SBLK
    vals = vals_ref[...]
    idxs = idxs_ref[...]
    for _ in range(K):
        m = jnp.min(d2, axis=1, keepdims=True)
        c = jnp.min(jnp.where(d2 == m, col, IDX_BIG), axis=1, keepdims=True)
        d2 = jnp.where(col == c, jnp.inf, d2)
        gi = c + base
        lt = (m < vals).astype(jnp.int32)
        p = KPAD - jnp.sum(lt, axis=1, keepdims=True)
        kcol = lax.broadcasted_iota(jnp.int32, (QBLK, KPAD), 1)
        sh_vals = jnp.concatenate([vals[:, :1], vals[:, : KPAD - 1]], axis=1)
        sh_idxs = jnp.concatenate([idxs[:, :1], idxs[:, : KPAD - 1]], axis=1)
        vals = jnp.where(kcol < p, vals, jnp.where(kcol == p, m, sh_vals))
        idxs = jnp.where(kcol < p, idxs, jnp.where(kcol == p, gi, sh_idxs))
    vals_ref[...] = vals
    idxs_ref[...] = idxs

    @pl.when(j == nj - 1)
    def _emit():
        out_ref[...] = idxs_ref[...].T


def _topk_tc(q, st):
    Q, D = q.shape
    S = st.shape[1]
    nj = S // SBLK
    return pl.pallas_call(
        _topk_body,
        grid=(Q // QBLK, nj),
        in_specs=[
            pl.BlockSpec((QBLK, D), lambda i, j: (i, 0)),
            pl.BlockSpec((D, SBLK), lambda i, j: (0, j)),
        ],
        out_specs=pl.BlockSpec((KPAD, QBLK), lambda i, j: (0, i)),
        out_shape=jax.ShapeDtypeStruct((KPAD, Q), jnp.int32),
        scratch_shapes=[
            pltpu.VMEM((QBLK, KPAD), jnp.float32),
            pltpu.VMEM((QBLK, KPAD), jnp.int32),
            pltpu.VMEM((QBLK, 1), jnp.float32),
            pltpu.VMEM((nj, 1, SBLK), jnp.float32),
        ],
        compiler_params=pltpu.CompilerParams(
            dimension_semantics=("arbitrary", "arbitrary"),
        ),
    )(q, st)


def _vote_sc(idx_t, support_target, nbr_vec):
    Q = idx_t.shape[1]
    S = support_target.shape[0]
    info = plsc.get_sparse_core_info()
    nw = info.num_cores * info.num_subcores
    qw = Q // nw
    ng = qw // 16

    mesh = plsc.VectorSubcoreMesh(core_axis_name="c", subcore_axis_name="s")

    @functools.partial(
        pl.kernel,
        mesh=mesh,
        out_type=jax.ShapeDtypeStruct((Q,), jnp.float32),
        scratch_types=[
            pltpu.VMEM((K, qw), jnp.int32),
            pltpu.VMEM((S,), jnp.int32),
            pltpu.VMEM((16,), jnp.int32),
            pltpu.VMEM((qw,), jnp.float32),
        ],
        compiler_params=pltpu.CompilerParams(needs_layout_passes=False),
    )
    def vote(idx_hbm, tgt_hbm, nbr_hbm, out_hbm, idx_v, tgt_v, nbr_v, pred_v):
        wid = lax.axis_index("s") * info.num_cores + lax.axis_index("c")
        base = wid * qw
        pltpu.sync_copy(tgt_hbm, tgt_v)
        pltpu.sync_copy(idx_hbm.at[pl.ds(0, K), pl.ds(base, qw)], idx_v)
        pltpu.sync_copy(nbr_hbm, nbr_v)
        nbr = nbr_v[...]
        one = jnp.ones((16,), jnp.int32)
        zero = jnp.zeros((16,), jnp.int32)
        for g in range(ng):
            labs = []
            for jn in range(K):
                iv = idx_v[jn, pl.ds(g * 16, 16)]
                labs.append(plsc.load_gather(tgt_v, [iv]))
            best = jnp.full((16,), -1, jnp.int32)
            for i in range(K):
                cnt = zero
                for jn in range(K):
                    cnt = cnt + jnp.where(
                        (nbr > jn) & (labs[jn] == labs[i]), one, zero)
                key = jnp.where(nbr > i,
                                cnt * 1024 + (1023 - labs[i]),
                                -one)
                best = jnp.maximum(best, key)
            lab = 1023 - (best & (1024 * one - one))
            pred_v[pl.ds(g * 16, 16)] = lab.astype(jnp.float32)
        pltpu.sync_copy(pred_v, out_hbm.at[pl.ds(base, qw)])

    return vote(idx_t, support_target, nbr_vec)


def kernel(query_image, support_image, support_target, neighbors):
    q = query_image.reshape(query_image.shape[0], -1)
    s = support_image.reshape(support_image.shape[0], -1)
    idx_t = _topk_tc(q, s.T)
    nbr_vec = jnp.full((16,), neighbors, jnp.int32)
    return _vote_sc(idx_t, support_target, nbr_vec)

# --- scband reference (transcript-rebuilt; emitter-appended) ---
"""Pipeline reference for scband-knn-net-1760936591493 (READ-ONLY COPY).

The authoritative reference and input builder live on the scoring server;
editing this copy changes nothing except your own understanding.
"""

import jax, jax.numpy as jnp
import numpy as np

NUM_CLASSES = 1000

def setup_inputs(seed: int = 0) -> dict:
    key = jax.random.key(seed)
    k1, k2, k3 = jax.random.split(key, 3)
    return {
        "query_image": jax.random.normal(k1, (4096, 512), dtype=jnp.float32),
        "support_image": jax.random.normal(k2, (16384, 512), dtype=jnp.float32),
        "support_target": jax.random.randint(k3, (16384,), 0, NUM_CLASSES, dtype=jnp.int32),
        "neighbors": 5,
    }

def reference(query_image, support_image, support_target, neighbors):
    # embeddings=False path: flatten images and run brute-force kNN classification
    q = query_image.reshape(query_image.shape[0], -1)
    s = support_image.reshape(support_image.shape[0], -1)
    # squared euclidean distances: |q|^2 + |s|^2 - 2 q.s^T (same metric as sklearn KNeighborsClassifier)
    q2 = jnp.sum(q * q, axis=1, keepdims=True)
    s2 = jnp.sum(s * s, axis=1)
    d2 = q2 + s2[None, :] - 2.0 * (q @ s.T)
    # k nearest neighbors via top_k on negated distances
    K = 5
    _, idx = jax.lax.top_k(-d2, K)  # [Q, k]
    neigh_labels = jnp.take(support_target, idx, axis=0)  # [Q, k]
    # uniform-weight majority vote over neighbor labels
    vote_mask = (jnp.arange(K) < neighbors).astype(jnp.float32)  # [k]
    votes = jax.nn.one_hot(neigh_labels, NUM_CLASSES, dtype=jnp.float32) * vote_mask[None, :, None]
    counts = jnp.sum(votes, axis=1)  # [Q, C]
    pred = jnp.argmax(counts, axis=1).astype(jnp.float32)  # [Q]
    return pred

if __name__ == "__main__":
    import jax
    _d = setup_inputs()
    print(jax.jit(kernel)(*tuple(_d.values())))

</pallas_src>

<mosaic_0001>
#map = affine_map<(d0, d1) -> (0, 0)>
#map1 = affine_map<(d0, d1) -> (0)>
module attributes {stable_mosaic.version = 14 : i64} {
  func.func @vote(%arg0: i32, %arg1: i32, %arg2: memref<8x4096xi32, #tpu.memory_space<hbm>>, %arg3: memref<16384xi32, #tpu.memory_space<hbm>>, %arg4: memref<16xi32, #tpu.memory_space<hbm>>, %arg5: memref<4096xf32, #tpu.memory_space<hbm>>, %arg6: memref<5x128xi32, #tpu.memory_space<vmem>>, %arg7: memref<16384xi32, #tpu.memory_space<vmem>>, %arg8: memref<16xi32, #tpu.memory_space<vmem>>, %arg9: memref<128xf32, #tpu.memory_space<vmem>>) attributes {dimension_semantics = [#tpu.dimension_semantics<core_parallel>, #tpu.dimension_semantics<subcore_parallel>], iteration_bounds = array<i64: 2, 16>, scalar_prefetch = 0 : i64, scratch_operands = 4 : i64, tpu.core_type = #tpu.core_type<sc_vector_subcore>, window_params = [{transform_indices = #map}, {transform_indices = #map1}, {transform_indices = #map1}, {transform_indices = #map1}]} {
    %mul3A = arith.constant 2 : i32
    %mul3A_0 = arith.muli %arg1, %mul3A : i32
    %add3A = arith.addi %mul3A_0, %arg0 : i32
    %mul3A_1 = arith.constant 128 : i32
    %mul3A_2 = arith.muli %add3A, %mul3A_1 : i32
    "tpu.region"() ({
      %run_scoped3A = tpu.sem_alloc : memref<!tpu.dma_semaphore, #tpu.memory_space<semaphore_mem>>
      tpu.enqueue_dma source(%arg3 : memref<16384xi32, #tpu.memory_space<hbm>>) target(%arg7 : memref<16384xi32, #tpu.memory_space<vmem>>) target_semaphore(%run_scoped3A : memref<!tpu.dma_semaphore, #tpu.memory_space<semaphore_mem>>)
      tpu.wait_dma2 semaphore(%run_scoped3A : memref<!tpu.dma_semaphore, #tpu.memory_space<semaphore_mem>>) src(%arg3 : memref<16384xi32, #tpu.memory_space<hbm>>) dst(%arg7 : memref<16384xi32, #tpu.memory_space<vmem>>)
      tpu.yield
    }) : () -> ()
    "tpu.region"() ({
      %run_scoped3A = tpu.sem_alloc : memref<!tpu.dma_semaphore, #tpu.memory_space<semaphore_mem>>
      %dma_start3A = arith.constant 0 : i32
      %dma_start3A_2301 = tpu.memref_slice %arg2[%dma_start3A, %mul3A_2] : memref<8x4096xi32, #tpu.memory_space<hbm>> -> memref<5x128xi32, #tpu.memory_space<hbm>>
      %dma_start3A_2302 = arith.constant 0 : i32
      %dma_start3A_2303 = tpu.memref_slice %arg2[%dma_start3A_2302, %mul3A_2] : memref<8x4096xi32, #tpu.memory_space<hbm>> -> memref<5x128xi32, #tpu.memory_space<hbm>>
      tpu.enqueue_dma source(%dma_start3A_2303 : memref<5x128xi32, #tpu.memory_space<hbm>>) target(%arg6 : memref<5x128xi32, #tpu.memory_space<vmem>>) target_semaphore(%run_scoped3A : memref<!tpu.dma_semaphore, #tpu.memory_space<semaphore_mem>>)
      %dma_wait3A = arith.constant 0 : i32
      %dma_wait3A_2304 = tpu.memref_slice %arg2[%dma_wait3A, %mul3A_2] : memref<8x4096xi32, #tpu.memory_space<hbm>> -> memref<5x128xi32, #tpu.memory_space<hbm>>
      %dma_wait3A_2305 = arith.constant 0 : i32
      %dma_wait3A_2306 = tpu.memref_slice %arg2[%dma_wait3A_2305, %mul3A_2] : memref<8x4096xi32, #tpu.memory_space<hbm>> -> memref<5x128xi32, #tpu.memory_space<hbm>>
      tpu.wait_dma2 semaphore(%run_scoped3A : memref<!tpu.dma_semaphore, #tpu.memory_space<semaphore_mem>>) src(%dma_wait3A_2306 : memref<5x128xi32, #tpu.memory_space<hbm>>) dst(%arg6 : memref<5x128xi32, #tpu.memory_space<vmem>>)
      tpu.yield
    }) : () -> ()
    "tpu.region"() ({
      %run_scoped3A = tpu.sem_alloc : memref<!tpu.dma_semaphore, #tpu.memory_space<semaphore_mem>>
      tpu.enqueue_dma source(%arg4 : memref<16xi32, #tpu.memory_space<hbm>>) target(%arg8 : memref<16xi32, #tpu.memory_space<vmem>>) target_semaphore(%run_scoped3A : memref<!tpu.dma_semaphore, #tpu.memory_space<semaphore_mem>>)
      tpu.wait_dma2 semaphore(%run_scoped3A : memref<!tpu.dma_semaphore, #tpu.memory_space<semaphore_mem>>) src(%arg4 : memref<16xi32, #tpu.memory_space<hbm>>) dst(%arg8 : memref<16xi32, #tpu.memory_space<vmem>>)
      tpu.yield
    }) : () -> ()
    %get3A = arith.constant 0 : index
    %get3A_3 = tpu.vector_load %arg8[%get3A] {strides = array<i32>} : memref<16xi32, #tpu.memory_space<vmem>>, vector<16xi32>,
    %broadcast_in_dim3A = arith.constant 1 : i32
    %broadcast_in_dim3A_4 = vector.broadcast %broadcast_in_dim3A : i32 to vector<16xi32>
    %broadcast_in_dim3A_5 = arith.constant 0 : i32
    %broadcast_in_dim3A_6 = vector.broadcast %broadcast_in_dim3A_5 : i32 to vector<16xi32>
    %get3A_7 = arith.constant 0 : i32
    %get3A_8 = arith.index_cast %get3A_7 : i32 to index
    %get3A_9 = arith.constant 0 : index
    %get3A_10 = tpu.vector_load %arg6[%get3A_8, %get3A_9] {strides = array<i32>} : memref<5x128xi32, #tpu.memory_space<vmem>>, vector<16xi32>,
    %gather3A = tpu.vector_load_idx %arg7[%get3A_10] : memref<16384xi32, #tpu.memory_space<vmem>>[vector<16xi32>], vector<16xi32>,
    %get3A_11 = arith.constant 1 : i32
    %get3A_12 = arith.index_cast %get3A_11 : i32 to index
    %get3A_13 = arith.constant 0 : index
    %get3A_14 = tpu.vector_load %arg6[%get3A_12, %get3A_13] {strides = array<i32>} : memref<5x128xi32, #tpu.memory_space<vmem>>, vector<16xi32>,
    %gather3A_15 = tpu.vector_load_idx %arg7[%get3A_14] : memref<16384xi32, #tpu.memory_space<vmem>>[vector<16xi32>], vector<16xi32>,
    %get3A_16 = arith.constant 2 : i32
    %get3A_17 = arith.index_cast %get3A_16 : i32 to index
    %get3A_18 = arith.constant 0 : index
    %get3A_19 = tpu.vector_load %arg6[%get3A_17, %get3A_18] {strides = array<i32>} : memref<5x128xi32, #tpu.memory_space<vmem>>, vector<16xi32>,
    %gather3A_20 = tpu.vector_load_idx %arg7[%get3A_19] : memref<16384xi32, #tpu.memory_space<vmem>>[vector<16xi32>], vector<16xi32>,
    %get3A_21 = arith.constant 3 : i32
    %get3A_22 = arith.index_cast %get3A_21 : i32 to index
    %get3A_23 = arith.constant 0 : index
    %get3A_24 = tpu.vector_load %arg6[%get3A_22, %get3A_23] {strides = array<i32>} : memref<5x128xi32, #tpu.memory_space<vmem>>, vector<16xi32>,
    %gather3A_25 = tpu.vector_load_idx %arg7[%get3A_24] : memref<16384xi32, #tpu.memory_space<vmem>>[vector<16xi32>], vector<16xi32>,
    %get3A_26 = arith.constant 4 : i32
    %get3A_27 = arith.index_cast %get3A_26 : i32 to index
    %get3A_28 = arith.constant 0 : index
    %get3A_29 = tpu.vector_load %arg6[%get3A_27, %get3A_28] {strides = array<i32>} : memref<5x128xi32, #tpu.memory_space<vmem>>, vector<16xi32>,
    %gather3A_30 = tpu.vector_load_idx %arg7[%get3A_29] : memref<16384xi32, #tpu.memory_space<vmem>>[vector<16xi32>], vector<16xi32>,
    %broadcast_in_dim3A_31 = arith.constant -1 : i32
    %broadcast_in_dim3A_32 = vector.broadcast %broadcast_in_dim3A_31 : i32 to vector<16xi32>
    %gt3A = arith.constant 0 : i32
    %gt3A_33 = vector.broadcast %gt3A : i32 to vector<16xi32>
    %gt3A_34 = arith.cmpi sgt, %get3A_3, %gt3A_33 : vector<16xi32>
    %eq3A = arith.cmpi eq, %gather3A, %gather3A : vector<16xi32>
    %and3A = arith.andi %gt3A_34, %eq3A : vector<16xi1>
    %select_n3A = arith.select %and3A, %broadcast_in_dim3A_4, %broadcast_in_dim3A_6 : vector<16xi1>, vector<16xi32>
    %add3A_35 = arith.addi %broadcast_in_dim3A_6, %select_n3A : vector<16xi32>
    %gt3A_36 = arith.constant 1 : i32
    %gt3A_37 = vector.broadcast %gt3A_36 : i32 to vector<16xi32>
    %gt3A_38 = arith.cmpi sgt, %get3A_3, %gt3A_37 : vector<16xi32>
    %eq3A_39 = arith.cmpi eq, %gather3A_15, %gather3A : vector<16xi32>
    %and3A_40 = arith.andi %gt3A_38, %eq3A_39 : vector<16xi1>
    %select_n3A_41 = arith.select %and3A_40, %broadcast_in_dim3A_4, %broadcast_in_dim3A_6 : vector<16xi1>, vector<16xi32>
    %add3A_42 = arith.addi %add3A_35, %select_n3A_41 : vector<16xi32>
    %gt3A_43 = arith.constant 2 : i32
    %gt3A_44 = vector.broadcast %gt3A_43 : i32 to vector<16xi32>
    %gt3A_45 = arith.cmpi sgt, %get3A_3, %gt3A_44 : vector<16xi32>
    %eq3A_46 = arith.cmpi eq, %gather3A_20, %gather3A : vector<16xi32>
    %and3A_47 = arith.andi %gt3A_45, %eq3A_46 : vector<16xi1>
    %select_n3A_48 = arith.select %and3A_47, %broadcast_in_dim3A_4, %broadcast_in_dim3A_6 : vector<16xi1>, vector<16xi32>
    %add3A_49 = arith.addi %add3A_42, %select_n3A_48 : vector<16xi32>
    %gt3A_50 = arith.constant 3 : i32
    %gt3A_51 = vector.broadcast %gt3A_50 : i32 to vector<16xi32>
    %gt3A_52 = arith.cmpi sgt, %get3A_3, %gt3A_51 : vector<16xi32>
    %eq3A_53 = arith.cmpi eq, %gather3A_25, %gather3A : vector<16xi32>
    %and3A_54 = arith.andi %gt3A_52, %eq3A_53 : vector<16xi1>
    %select_n3A_55 = arith.select %and3A_54, %broadcast_in_dim3A_4, %broadcast_in_dim3A_6 : vector<16xi1>, vector<16xi32>
    %add3A_56 = arith.addi %add3A_49, %select_n3A_55 : vector<16xi32>
    %gt3A_57 = arith.constant 4 : i32
    %gt3A_58 = vector.broadcast %gt3A_57 : i32 to vector<16xi32>
    %gt3A_59 = arith.cmpi sgt, %get3A_3, %gt3A_58 : vector<16xi32>
    %eq3A_60 = arith.cmpi eq, %gather3A_30, %gather3A : vector<16xi32>
    %and3A_61 = arith.andi %gt3A_59, %eq3A_60 : vector<16xi1>
    %select_n3A_62 = arith.select %and3A_61, %broadcast_in_dim3A_4, %broadcast_in_dim3A_6 : vector<16xi1>, vector<16xi32>
    %add3A_63 = arith.addi %add3A_56, %select_n3A_62 : vector<16xi32>
    %gt3A_64 = arith.constant 0 : i32
    %gt3A_65 = vector.broadcast %gt3A_64 : i32 to vector<16xi32>
    %gt3A_66 = arith.cmpi sgt, %get3A_3, %gt3A_65 : vector<16xi32>
    %mul3A_67 = arith.constant 1024 : i32
    %mul3A_68 = vector.broadcast %mul3A_67 : i32 to vector<16xi32>
    %mul3A_69 = arith.muli %add3A_63, %mul3A_68 : vector<16xi32>
    %sub3A = arith.constant 1023 : i32
    %sub3A_70 = vector.broadcast %sub3A : i32 to vector<16xi32>
    %sub3A_71 = arith.subi %sub3A_70, %gather3A : vector<16xi32>
    %add3A_72 = arith.addi %mul3A_69, %sub3A_71 : vector<16xi32>
    %neg3A = arith.constant 0 : i32
    %neg3A_73 = vector.broadcast %neg3A : i32 to vector<16xi32>
    %neg3A_74 = arith.subi %neg3A_73, %broadcast_in_dim3A_4 : vector<16xi32>
    %select_n3A_75 = arith.select %gt3A_66, %add3A_72, %neg3A_74 : vector<16xi1>, vector<16xi32>
    %max3A = arith.maxsi %broadcast_in_dim3A_32, %select_n3A_75 : vector<16xi32>
    %gt3A_76 = arith.constant 0 : i32
    %gt3A_77 = vector.broadcast %gt3A_76 : i32 to vector<16xi32>
    %gt3A_78 = arith.cmpi sgt, %get3A_3, %gt3A_77 : vector<16xi32>
    %eq3A_79 = arith.cmpi eq, %gather3A, %gather3A_15 : vector<16xi32>
    %and3A_80 = arith.andi %gt3A_78, %eq3A_79 : vector<16xi1>
    %select_n3A_81 = arith.select %and3A_80, %broadcast_in_dim3A_4, %broadcast_in_dim3A_6 : vector<16xi1>, vector<16xi32>
    %add3A_82 = arith.addi %broadcast_in_dim3A_6, %select_n3A_81 : vector<16xi32>
    %gt3A_83 = arith.constant 1 : i32
    %gt3A_84 = vector.broadcast %gt3A_83 : i32 to vector<16xi32>
    %gt3A_85 = arith.cmpi sgt, %get3A_3, %gt3A_84 : vector<16xi32>
    %eq3A_86 = arith.cmpi eq, %gather3A_15, %gather3A_15 : vector<16xi32>
    %and3A_87 = arith.andi %gt3A_85, %eq3A_86 : vector<16xi1>
    %select_n3A_88 = arith.select %and3A_87, %broadcast_in_dim3A_4, %broadcast_in_dim3A_6 : vector<16xi1>, vector<16xi32>
    %add3A_89 = arith.addi %add3A_82, %select_n3A_88 : vector<16xi32>
    %gt3A_90 = arith.constant 2 : i32
    %gt3A_91 = vector.broadcast %gt3A_90 : i32 to vector<16xi32>
    %gt3A_92 = arith.cmpi sgt, %get3A_3, %gt3A_91 : vector<16xi32>
    %eq3A_93 = arith.cmpi eq, %gather3A_20, %gather3A_15 : vector<16xi32>
    %and3A_94 = arith.andi %gt3A_92, %eq3A_93 : vector<16xi1>
    %select_n3A_95 = arith.select %and3A_94, %broadcast_in_dim3A_4, %broadcast_in_dim3A_6 : vector<16xi1>, vector<16xi32>
    %add3A_96 = arith.addi %add3A_89, %select_n3A_95 : vector<16xi32>
    %gt3A_97 = arith.constant 3 : i32
    %gt3A_98 = vector.broadcast %gt3A_97 : i32 to vector<16xi32>
    %gt3A_99 = arith.cmpi sgt, %get3A_3, %gt3A_98 : vector<16xi32>
    %eq3A_100 = arith.cmpi eq, %gather3A_25, %gather3A_15 : vector<16xi32>
    %and3A_101 = arith.andi %gt3A_99, %eq3A_100 : vector<16xi1>
    %select_n3A_102 = arith.select %and3A_101, %broadcast_in_dim3A_4, %broadcast_in_dim3A_6 : vector<16xi1>, vector<16xi32>
    %add3A_103 = arith.addi %add3A_96, %select_n3A_102 : vector<16xi32>
    %gt3A_104 = arith.constant 4 : i32
    %gt3A_105 = vector.broadcast %gt3A_104 : i32 to vector<16xi32>
    %gt3A_106 = arith.cmpi sgt, %get3A_3, %gt3A_105 : vector<16xi32>
    %eq3A_107 = arith.cmpi eq, %gather3A_30, %gather3A_15 : vector<16xi32>
    %and3A_108 = arith.andi %gt3A_106, %eq3A_107 : vector<16xi1>
    %select_n3A_109 = arith.select %and3A_108, %broadcast_in_dim3A_4, %broadcast_in_dim3A_6 : vector<16xi1>, vector<16xi32>
    %add3A_110 = arith.addi %add3A_103, %select_n3A_109 : vector<16xi32>
    %gt3A_111 = arith.constant 1 : i32
    %gt3A_112 = vector.broadcast %gt3A_111 : i32 to vector<16xi32>
    %gt3A_113 = arith.cmpi sgt, %get3A_3, %gt3A_112 : vector<16xi32>
    %mul3A_114 = arith.constant 1024 : i32
    %mul3A_115 = vector.broadcast %mul3A_114 : i32 to vector<16xi32>
    %mul3A_116 = arith.muli %add3A_110, %mul3A_115 : vector<16xi32>
    %sub3A_117 = arith.constant 1023 : i32
    %sub3A_118 = vector.broadcast %sub3A_117 : i32 to vector<16xi32>
    %sub3A_119 = arith.subi %sub3A_118, %gather3A_15 : vector<16xi32>
    %add3A_120 = arith.addi %mul3A_116, %sub3A_119 : vector<16xi32>
    %neg3A_121 = arith.constant 0 : i32
    %neg3A_122 = vector.broadcast %neg3A_121 : i32 to vector<16xi32>
    %neg3A_123 = arith.subi %neg3A_122, %broadcast_in_dim3A_4 : vector<16xi32>
    %select_n3A_124 = arith.select %gt3A_113, %add3A_120, %neg3A_123 : vector<16xi1>, vector<16xi32>
    %max3A_125 = arith.maxsi %max3A, %select_n3A_124 : vector<16xi32>
    %gt3A_126 = arith.constant 0 : i32
    %gt3A_127 = vector.broadcast %gt3A_126 : i32 to vector<16xi32>
    %gt3A_128 = arith.cmpi sgt, %get3A_3, %gt3A_127 : vector<16xi32>
    %eq3A_129 = arith.cmpi eq, %gather3A, %gather3A_20 : vector<16xi32>
    %and3A_130 = arith.andi %gt3A_128, %eq3A_129 : vector<16xi1>
    %select_n3A_131 = arith.select %and3A_130, %broadcast_in_dim3A_4, %broadcast_in_dim3A_6 : vector<16xi1>, vector<16xi32>
    %add3A_132 = arith.addi %broadcast_in_dim3A_6, %select_n3A_131 : vector<16xi32>
    %gt3A_133 = arith.constant 1 : i32
    %gt3A_134 = vector.broadcast %gt3A_133 : i32 to vector<16xi32>
    %gt3A_135 = arith.cmpi sgt, %get3A_3, %gt3A_134 : vector<16xi32>
    %eq3A_136 = arith.cmpi eq, %gather3A_15, %gather3A_20 : vector<16xi32>
    %and3A_137 = arith.andi %gt3A_135, %eq3A_136 : vector<16xi1>
    %select_n3A_138 = arith.select %and3A_137, %broadcast_in_dim3A_4, %broadcast_in_dim3A_6 : vector<16xi1>, vector<16xi32>
    %add3A_139 = arith.addi %add3A_132, %select_n3A_138 : vector<16xi32>
    %gt3A_140 = arith.constant 2 : i32
    %gt3A_141 = vector.broadcast %gt3A_140 : i32 to vector<16xi32>
    %gt3A_142 = arith.cmpi sgt, %get3A_3, %gt3A_141 : vector<16xi32>
    %eq3A_143 = arith.cmpi eq, %gather3A_20, %gather3A_20 : vector<16xi32>
    %and3A_144 = arith.andi %gt3A_142, %eq3A_143 : vector<16xi1>
    %select_n3A_145 = arith.select %and3A_144, %broadcast_in_dim3A_4, %broadcast_in_dim3A_6 : vector<16xi1>, vector<16xi32>
    %add3A_146 = arith.addi %add3A_139, %select_n3A_145 : vector<16xi32>
    %gt3A_147 = arith.constant 3 : i32
    %gt3A_148 = vector.broadcast %gt3A_147 : i32 to vector<16xi32>
    %gt3A_149 = arith.cmpi sgt, %get3A_3, %gt3A_148 : vector<16xi32>
    %eq3A_150 = arith.cmpi eq, %gather3A_25, %gather3A_20 : vector<16xi32>
    %and3A_151 = arith.andi %gt3A_149, %eq3A_150 : vector<16xi1>
    %select_n3A_152 = arith.select %and3A_151, %broadcast_in_dim3A_4, %broadcast_in_dim3A_6 : vector<16xi1>, vector<16xi32>
    %add3A_153 = arith.addi %add3A_146, %select_n3A_152 : vector<16xi32>
    %gt3A_154 = arith.constant 4 : i32
    %gt3A_155 = vector.broadcast %gt3A_154 : i32 to vector<16xi32>
    %gt3A_156 = arith.cmpi sgt, %get3A_3, %gt3A_155 : vector<16xi32>
    %eq3A_157 = arith.cmpi eq, %gather3A_30, %gather3A_20 : vector<16xi32>
    %and3A_158 = arith.andi %gt3A_156, %eq3A_157 : vector<16xi1>
    %select_n3A_159 = arith.select %and3A_158, %broadcast_in_dim3A_4, %broadcast_in_dim3A_6 : vector<16xi1>, vector<16xi32>
    %add3A_160 = arith.addi %add3A_153, %select_n3A_159 : vector<16xi32>
    %gt3A_161 = arith.constant 2 : i32
    %gt3A_162 = vector.broadcast %gt3A_161 : i32 to vector<16xi32>
    %gt3A_163 = arith.cmpi sgt, %get3A_3, %gt3A_162 : vector<16xi32>
    %mul3A_164 = arith.constant 1024 : i32
    %mul3A_165 = vector.broadcast %mul3A_164 : i32 to vector<16xi32>
    %mul3A_166 = arith.muli %add3A_160, %mul3A_165 : vector<16xi32>
    %sub3A_167 = arith.constant 1023 : i32
    %sub3A_168 = vector.broadcast %sub3A_167 : i32 to vector<16xi32>
    %sub3A_169 = arith.subi %sub3A_168, %gather3A_20 : vector<16xi32>
    %add3A_170 = arith.addi %mul3A_166, %sub3A_169 : vector<16xi32>
    %neg3A_171 = arith.constant 0 : i32
    %neg3A_172 = vector.broadcast %neg3A_171 : i32 to vector<16xi32>
    %neg3A_173 = arith.subi %neg3A_172, %broadcast_in_dim3A_4 : vector<16xi32>
    %select_n3A_174 = arith.select %gt3A_163, %add3A_170, %neg3A_173 : vector<16xi1>, vector<16xi32>
    %max3A_175 = arith.maxsi %max3A_125, %select_n3A_174 : vector<16xi32>
    %gt3A_176 = arith.constant 0 : i32
    %gt3A_177 = vector.broadcast %gt3A_176 : i32 to vector<16xi32>
    %gt3A_178 = arith.cmpi sgt, %get3A_3, %gt3A_177 : vector<16xi32>
    %eq3A_179 = arith.cmpi eq, %gather3A, %gather3A_25 : vector<16xi32>
    %and3A_180 = arith.andi %gt3A_178, %eq3A_179 : vector<16xi1>
    %select_n3A_181 = arith.select %and3A_180, %broadcast_in_dim3A_4, %broadcast_in_dim3A_6 : vector<16xi1>, vector<16xi32>
    %add3A_182 = arith.addi %broadcast_in_dim3A_6, %select_n3A_181 : vector<16xi32>
    %gt3A_183 = arith.constant 1 : i32
    %gt3A_184 = vector.broadcast %gt3A_183 : i32 to vector<16xi32>
    %gt3A_185 = arith.cmpi sgt, %get3A_3, %gt3A_184 : vector<16xi32>
    %eq3A_186 = arith.cmpi eq, %gather3A_15, %gather3A_25 : vector<16xi32>
    %and3A_187 = arith.andi %gt3A_185, %eq3A_186 : vector<16xi1>
    %select_n3A_188 = arith.select %and3A_187, %broadcast_in_dim3A_4, %broadcast_in_dim3A_6 : vector<16xi1>, vector<16xi32>
    %add3A_189 = arith.addi %add3A_182, %select_n3A_188 : vector<16xi32>
    %gt3A_190 = arith.constant 2 : i32
    %gt3A_191 = vector.broadcast %gt3A_190 : i32 to vector<16xi32>
    %gt3A_192 = arith.cmpi sgt, %get3A_3, %gt3A_191 : vector<16xi32>
    %eq3A_193 = arith.cmpi eq, %gather3A_20, %gather3A_25 : vector<16xi32>
    %and3A_194 = arith.andi %gt3A_192, %eq3A_193 : vector<16xi1>
    %select_n3A_195 = arith.select %and3A_194, %broadcast_in_dim3A_4, %broadcast_in_dim3A_6 : vector<16xi1>, vector<16xi32>
    %add3A_196 = arith.addi %add3A_189, %select_n3A_195 : vector<16xi32>
    %gt3A_197 = arith.constant 3 : i32
    %gt3A_198 = vector.broadcast %gt3A_197 : i32 to vector<16xi32>
    %gt3A_199 = arith.cmpi sgt, %get3A_3, %gt3A_198 : vector<16xi32>
    %eq3A_200 = arith.cmpi eq, %gather3A_25, %gather3A_25 : vector<16xi32>
    %and3A_201 = arith.andi %gt3A_199, %eq3A_200 : vector<16xi1>
    %select_n3A_202 = arith.select %and3A_201, %broadcast_in_dim3A_4, %broadcast_in_dim3A_6 : vector<16xi1>, vector<16xi32>
    %add3A_203 = arith.addi %add3A_196, %select_n3A_202 : vector<16xi32>
    %gt3A_204 = arith.constant 4 : i32
    %gt3A_205 = vector.broadcast %gt3A_204 : i32 to vector<16xi32>
    %gt3A_206 = arith.cmpi sgt, %get3A_3, %gt3A_205 : vector<16xi32>
    %eq3A_207 = arith.cmpi eq, %gather3A_30, %gather3A_25 : vector<16xi32>
    %and3A_208 = arith.andi %gt3A_206, %eq3A_207 : vector<16xi1>
    %select_n3A_209 = arith.select %and3A_208, %broadcast_in_dim3A_4, %broadcast_in_dim3A_6 : vector<16xi1>, vector<16xi32>
    %add3A_210 = arith.addi %add3A_203, %select_n3A_209 : vector<16xi32>
    %gt3A_211 = arith.constant 3 : i32
    %gt3A_212 = vector.broadcast %gt3A_211 : i32 to vector<16xi32>
    %gt3A_213 = arith.cmpi sgt, %get3A_3, %gt3A_212 : vector<16xi32>
    %mul3A_214 = arith.constant 1024 : i32
    %mul3A_215 = vector.broadcast %mul3A_214 : i32 to vector<16xi32>
    %mul3A_216 = arith.muli %add3A_210, %mul3A_215 : vector<16xi32>
    %sub3A_217 = arith.constant 1023 : i32
    %sub3A_218 = vector.broadcast %sub3A_217 : i32 to vector<16xi32>
    %sub3A_219 = arith.subi %sub3A_218, %gather3A_25 : vector<16xi32>
    %add3A_220 = arith.addi %mul3A_216, %sub3A_219 : vector<16xi32>
    %neg3A_221 = arith.constant 0 : i32
    %neg3A_222 = vector.broadcast %neg3A_221 : i32 to vector<16xi32>
    %neg3A_223 = arith.subi %neg3A_222, %broadcast_in_dim3A_4 : vector<16xi32>
    %select_n3A_224 = arith.select %gt3A_213, %add3A_220, %neg3A_223 : vector<16xi1>, vector<16xi32>
    %max3A_225 = arith.maxsi %max3A_175, %select_n3A_224 : vector<16xi32>
    %gt3A_226 = arith.constant 0 : i32
    %gt3A_227 = vector.broadcast %gt3A_226 : i32 to vector<16xi32>
    %gt3A_228 = arith.cmpi sgt, %get3A_3, %gt3A_227 : vector<16xi32>
    %eq3A_229 = arith.cmpi eq, %gather3A, %gather3A_30 : vector<16xi32>
    %and3A_230 = arith.andi %gt3A_228, %eq3A_229 : vector<16xi1>
    %select_n3A_231 = arith.select %and3A_230, %broadcast_in_dim3A_4, %broadcast_in_dim3A_6 : vector<16xi1>, vector<16xi32>
    %add3A_232 = arith.addi %broadcast_in_dim3A_6, %select_n3A_231 : vector<16xi32>
    %gt3A_233 = arith.constant 1 : i32
    %gt3A_234 = vector.broadcast %gt3A_233 : i32 to vector<16xi32>
    %gt3A_235 = arith.cmpi sgt, %get3A_3, %gt3A_234 : vector<16xi32>
    %eq3A_236 = arith.cmpi eq, %gather3A_15, %gather3A_30 : vector<16xi32>
    %and3A_237 = arith.andi %gt3A_235, %eq3A_236 : vector<16xi1>
    %select_n3A_238 = arith.select %and3A_237, %broadcast_in_dim3A_4, %broadcast_in_dim3A_6 : vector<16xi1>, vector<16xi32>
    %add3A_239 = arith.addi %add3A_232, %select_n3A_238 : vector<16xi32>
    %gt3A_240 = arith.constant 2 : i32
    %gt3A_241 = vector.broadcast %gt3A_240 : i32 to vector<16xi32>
    %gt3A_242 = arith.cmpi sgt, %get3A_3, %gt3A_241 : vector<16xi32>
    %eq3A_243 = arith.cmpi eq, %gather3A_20, %gather3A_30 : vector<16xi32>
    %and3A_244 = arith.andi %gt3A_242, %eq3A_243 : vector<16xi1>
    %select_n3A_245 = arith.select %and3A_244, %broadcast_in_dim3A_4, %broadcast_in_dim3A_6 : vector<16xi1>, vector<16xi32>
    %add3A_246 = arith.addi %add3A_239, %select_n3A_245 : vector<16xi32>
    %gt3A_247 = arith.constant 3 : i32
    %gt3A_248 = vector.broadcast %gt3A_247 : i32 to vector<16xi32>
    %gt3A_249 = arith.cmpi sgt, %get3A_3, %gt3A_248 : vector<16xi32>
    %eq3A_250 = arith.cmpi eq, %gather3A_25, %gather3A_30 : vector<16xi32>
    %and3A_251 = arith.andi %gt3A_249, %eq3A_250 : vector<16xi1>
    %select_n3A_252 = arith.select %and3A_251, %broadcast_in_dim3A_4, %broadcast_in_dim3A_6 : vector<16xi1>, vector<16xi32>
    %add3A_253 = arith.addi %add3A_246, %select_n3A_252 : vector<16xi32>
    %gt3A_254 = arith.constant 4 : i32
    %gt3A_255 = vector.broadcast %gt3A_254 : i32 to vector<16xi32>
    %gt3A_256 = arith.cmpi sgt, %get3A_3, %gt3A_255 : vector<16xi32>
    %eq3A_257 = arith.cmpi eq, %gather3A_30, %gather3A_30 : vector<16xi32>
    %and3A_258 = arith.andi %gt3A_256, %eq3A_257 : vector<16xi1>
    %select_n3A_259 = arith.select %and3A_258, %broadcast_in_dim3A_4, %broadcast_in_dim3A_6 : vector<16xi1>, vector<16xi32>
    %add3A_260 = arith.addi %add3A_253, %select_n3A_259 : vector<16xi32>
    %gt3A_261 = arith.constant 4 : i32
    %gt3A_262 = vector.broadcast %gt3A_261 : i32 to vector<16xi32>
    %gt3A_263 = arith.cmpi sgt, %get3A_3, %gt3A_262 : vector<16xi32>
    %mul3A_264 = arith.constant 1024 : i32
    %mul3A_265 = vector.broadcast %mul3A_264 : i32 to vector<16xi32>
    %mul3A_266 = arith.muli %add3A_260, %mul3A_265 : vector<16xi32>
    %sub3A_267 = arith.constant 1023 : i32
    %sub3A_268 = vector.broadcast %sub3A_267 : i32 to vector<16xi32>
    %sub3A_269 = arith.subi %sub3A_268, %gather3A_30 : vector<16xi32>
    %add3A_270 = arith.addi %mul3A_266, %sub3A_269 : vector<16xi32>
    %neg3A_271 = arith.constant 0 : i32
    %neg3A_272 = vector.broadcast %neg3A_271 : i32 to vector<16xi32>
    %neg3A_273 = arith.subi %neg3A_272, %broadcast_in_dim3A_4 : vector<16xi32>
    %select_n3A_274 = arith.select %gt3A_263, %add3A_270, %neg3A_273 : vector<16xi1>, vector<16xi32>
    %max3A_275 = arith.maxsi %max3A_225, %select_n3A_274 : vector<16xi32>
    %mul3A_276 = arith.constant 1024 : i32
    %mul3A_277 = vector.broadcast %mul3A_276 : i32 to vector<16xi32>
    %mul3A_278 = arith.muli %mul3A_277, %broadcast_in_dim3A_4 : vector<16xi32>
    %sub3A_279 = arith.subi %mul3A_278, %broadcast_in_dim3A_4 : vector<16xi32>
    %and3A_280 = arith.andi %max3A_275, %sub3A_279 : vector<16xi32>
    %sub3A_281 = arith.constant 1023 : i32
    %sub3A_282 = vector.broadcast %sub3A_281 : i32 to vector<16xi32>
    %sub3A_283 = arith.subi %sub3A_282, %and3A_280 : vector<16xi32>
    %convert_element_type3A = arith.sitofp %sub3A_283 : vector<16xi32> to vector<16xf32>
    %swap3A = arith.constant 0 : index
    %swap3A_284 = tpu.vector_load %arg9[%swap3A] {strides = array<i32>} : memref<128xf32, #tpu.memory_space<vmem>>, vector<16xf32>,
    tpu.vector_store %arg9[%swap3A], %convert_element_type3A {strides = array<i32>} : memref<128xf32, #tpu.memory_space<vmem>>, vector<16xf32>,
    %get3A_285 = arith.constant 0 : i32
    %get3A_286 = arith.index_cast %get3A_285 : i32 to index
    %get3A_287 = arith.constant 16 : index
    %get3A_288 = tpu.vector_load %arg6[%get3A_286, %get3A_287] {strides = array<i32>} : memref<5x128xi32, #tpu.memory_space<vmem>>, vector<16xi32>,
    %gather3A_289 = tpu.vector_load_idx %arg7[%get3A_288] : memref<16384xi32, #tpu.memory_space<vmem>>[vector<16xi32>], vector<16xi32>,
    %get3A_290 = arith.constant 1 : i32
    %get3A_291 = arith.index_cast %get3A_290 : i32 to index
    %get3A_292 = arith.constant 16 : index
    %get3A_293 = tpu.vector_load %arg6[%get3A_291, %get3A_292] {strides = array<i32>} : memref<5x128xi32, #tpu.memory_space<vmem>>, vector<16xi32>,
    %gather3A_294 = tpu.vector_load_idx %arg7[%get3A_293] : memref<16384xi32, #tpu.memory_space<vmem>>[vector<16xi32>], vector<16xi32>,
    %get3A_295 = arith.constant 2 : i32
    %get3A_296 = arith.index_cast %get3A_295 : i32 to index
    %get3A_297 = arith.constant 16 : index
    %get3A_298 = tpu.vector_load %arg6[%get3A_296, %get3A_297] {strides = array<i32>} : memref<5x128xi32, #tpu.memory_space<vmem>>, vector<16xi32>,
    %gather3A_299 = tpu.vector_load_idx %arg7[%get3A_298] : memref<16384xi32, #tpu.memory_space<vmem>>[vector<16xi32>], vector<16xi32>,
    %get3A_300 = arith.constant 3 : i32
    %get3A_301 = arith.index_cast %get3A_300 : i32 to index
    %get3A_302 = arith.constant 16 : index
    %get3A_303 = tpu.vector_load %arg6[%get3A_301, %get3A_302] {strides = array<i32>} : memref<5x128xi32, #tpu.memory_space<vmem>>, vector<16xi32>,
    %gather3A_304 = tpu.vector_load_idx %arg7[%get3A_303] : memref<16384xi32, #tpu.memory_space<vmem>>[vector<16xi32>], vector<16xi32>,
    %get3A_305 = arith.constant 4 : i32
    %get3A_306 = arith.index_cast %get3A_305 : i32 to index
    %get3A_307 = arith.constant 16 : index
    %get3A_308 = tpu.vector_load %arg6[%get3A_306, %get3A_307] {strides = array<i32>} : memref<5x128xi32, #tpu.memory_space<vmem>>, vector<16xi32>,
    %gather3A_309 = tpu.vector_load_idx %arg7[%get3A_308] : memref<16384xi32, #tpu.memory_space<vmem>>[vector<16xi32>], vector<16xi32>,
    %broadcast_in_dim3A_310 = arith.constant -1 : i32
    %broadcast_in_dim3A_311 = vector.broadcast %broadcast_in_dim3A_310 : i32 to vector<16xi32>
    %gt3A_312 = arith.constant 0 : i32
    %gt3A_313 = vector.broadcast %gt3A_312 : i32 to vector<16xi32>
    %gt3A_314 = arith.cmpi sgt, %get3A_3, %gt3A_313 : vector<16xi32>
    %eq3A_315 = arith.cmpi eq, %gather3A_289, %gather3A_289 : vector<16xi32>
    %and3A_316 = arith.andi %gt3A_314, %eq3A_315 : vector<16xi1>
    %select_n3A_317 = arith.select %and3A_316, %broadcast_in_dim3A_4, %broadcast_in_dim3A_6 : vector<16xi1>, vector<16xi32>
    %add3A_318 = arith.addi %broadcast_in_dim3A_6, %select_n3A_317 : vector<16xi32>
    %gt3A_319 = arith.constant 1 : i32
    %gt3A_320 = vector.broadcast %gt3A_319 : i32 to vector<16xi32>
    %gt3A_321 = arith.cmpi sgt, %get3A_3, %gt3A_320 : vector<16xi32>
    %eq3A_322 = arith.cmpi eq, %gather3A_294, %gather3A_289 : vector<16xi32>
    %and3A_323 = arith.andi %gt3A_321, %eq3A_322 : vector<16xi1>
    %select_n3A_324 = arith.select %and3A_323, %broadcast_in_dim3A_4, %broadcast_in_dim3A_6 : vector<16xi1>, vector<16xi32>
    %add3A_325 = arith.addi %add3A_318, %select_n3A_324 : vector<16xi32>
    %gt3A_326 = arith.constant 2 : i32
    %gt3A_327 = vector.broadcast %gt3A_326 : i32 to vector<16xi32>
    %gt3A_328 = arith.cmpi sgt, %get3A_3, %gt3A_327 : vector<16xi32>
    %eq3A_329 = arith.cmpi eq, %gather3A_299, %gather3A_289 : vector<16xi32>
    %and3A_330 = arith.andi %gt3A_328, %eq3A_329 : vector<16xi1>
    %select_n3A_331 = arith.select %and3A_330, %broadcast_in_dim3A_4, %broadcast_in_dim3A_6 : vector<16xi1>, vector<16xi32>
    %add3A_332 = arith.addi %add3A_325, %select_n3A_331 : vector<16xi32>
    %gt3A_333 = arith.constant 3 : i32
    %gt3A_334 = vector.broadcast %gt3A_333 : i32 to vector<16xi32>
    %gt3A_335 = arith.cmpi sgt, %get3A_3, %gt3A_334 : vector<16xi32>
    %eq3A_336 = arith.cmpi eq, %gather3A_304, %gather3A_289 : vector<16xi32>
    %and3A_337 = arith.andi %gt3A_335, %eq3A_336 : vector<16xi1>
    %select_n3A_338 = arith.select %and3A_337, %broadcast_in_dim3A_4, %broadcast_in_dim3A_6 : vector<16xi1>, vector<16xi32>
    %add3A_339 = arith.addi %add3A_332, %select_n3A_338 : vector<16xi32>
    %gt3A_340 = arith.constant 4 : i32
    %gt3A_341 = vector.broadcast %gt3A_340 : i32 to vector<16xi32>
    %gt3A_342 = arith.cmpi sgt, %get3A_3, %gt3A_341 : vector<16xi32>
    %eq3A_343 = arith.cmpi eq, %gather3A_309, %gather3A_289 : vector<16xi32>
    %and3A_344 = arith.andi %gt3A_342, %eq3A_343 : vector<16xi1>
    %select_n3A_345 = arith.select %and3A_344, %broadcast_in_dim3A_4, %broadcast_in_dim3A_6 : vector<16xi1>, vector<16xi32>
    %add3A_346 = arith.addi %add3A_339, %select_n3A_345 : vector<16xi32>
    %gt3A_347 = arith.constant 0 : i32
    %gt3A_348 = vector.broadcast %gt3A_347 : i32 to vector<16xi32>
    %gt3A_349 = arith.cmpi sgt, %get3A_3, %gt3A_348 : vector<16xi32>
    %mul3A_350 = arith.constant 1024 : i32
    %mul3A_351 = vector.broadcast %mul3A_350 : i32 to vector<16xi32>
    %mul3A_352 = arith.muli %add3A_346, %mul3A_351 : vector<16xi32>
    %sub3A_353 = arith.constant 1023 : i32
    %sub3A_354 = vector.broadcast %sub3A_353 : i32 to vector<16xi32>
    %sub3A_355 = arith.subi %sub3A_354, %gather3A_289 : vector<16xi32>
    %add3A_356 = arith.addi %mul3A_352, %sub3A_355 : vector<16xi32>
    %neg3A_357 = arith.constant 0 : i32
    %neg3A_358 = vector.broadcast %neg3A_357 : i32 to vector<16xi32>
    %neg3A_359 = arith.subi %neg3A_358, %broadcast_in_dim3A_4 : vector<16xi32>
    %select_n3A_360 = arith.select %gt3A_349, %add3A_356, %neg3A_359 : vector<16xi1>, vector<16xi32>
    %max3A_361 = arith.maxsi %broadcast_in_dim3A_311, %select_n3A_360 : vector<16xi32>
    %gt3A_362 = arith.constant 0 : i32
    %gt3A_363 = vector.broadcast %gt3A_362 : i32 to vector<16xi32>
    %gt3A_364 = arith.cmpi sgt, %get3A_3, %gt3A_363 : vector<16xi32>
    %eq3A_365 = arith.cmpi eq, %gather3A_289, %gather3A_294 : vector<16xi32>
    %and3A_366 = arith.andi %gt3A_364, %eq3A_365 : vector<16xi1>
    %select_n3A_367 = arith.select %and3A_366, %broadcast_in_dim3A_4, %broadcast_in_dim3A_6 : vector<16xi1>, vector<16xi32>
    %add3A_368 = arith.addi %broadcast_in_dim3A_6, %select_n3A_367 : vector<16xi32>
    %gt3A_369 = arith.constant 1 : i32
    %gt3A_370 = vector.broadcast %gt3A_369 : i32 to vector<16xi32>
    %gt3A_371 = arith.cmpi sgt, %get3A_3, %gt3A_370 : vector<16xi32>
    %eq3A_372 = arith.cmpi eq, %gather3A_294, %gather3A_294 : vector<16xi32>
    %and3A_373 = arith.andi %gt3A_371, %eq3A_372 : vector<16xi1>
    %select_n3A_374 = arith.select %and3A_373, %broadcast_in_dim3A_4, %broadcast_in_dim3A_6 : vector<16xi1>, vector<16xi32>
    %add3A_375 = arith.addi %add3A_368, %select_n3A_374 : vector<16xi32>
    %gt3A_376 = arith.constant 2 : i32
    %gt3A_377 = vector.broadcast %gt3A_376 : i32 to vector<16xi32>
    %gt3A_378 = arith.cmpi sgt, %get3A_3, %gt3A_377 : vector<16xi32>
    %eq3A_379 = arith.cmpi eq, %gather3A_299, %gather3A_294 : vector<16xi32>
    %and3A_380 = arith.andi %gt3A_378, %eq3A_379 : vector<16xi1>
    %select_n3A_381 = arith.select %and3A_380, %broadcast_in_dim3A_4, %broadcast_in_dim3A_6 : vector<16xi1>, vector<16xi32>
    %add3A_382 = arith.addi %add3A_375, %select_n3A_381 : vector<16xi32>
    %gt3A_383 = arith.constant 3 : i32
    %gt3A_384 = vector.broadcast %gt3A_383 : i32 to vector<16xi32>
    %gt3A_385 = arith.cmpi sgt, %get3A_3, %gt3A_384 : vector<16xi32>
    %eq3A_386 = arith.cmpi eq, %gather3A_304, %gather3A_294 : vector<16xi32>
    %and3A_387 = arith.andi %gt3A_385, %eq3A_386 : vector<16xi1>
    %select_n3A_388 = arith.select %and3A_387, %broadcast_in_dim3A_4, %broadcast_in_dim3A_6 : vector<16xi1>, vector<16xi32>
    %add3A_389 = arith.addi %add3A_382, %select_n3A_388 : vector<16xi32>
    %gt3A_390 = arith.constant 4 : i32
    %gt3A_391 = vector.broadcast %gt3A_390 : i32 to vector<16xi32>
    %gt3A_392 = arith.cmpi sgt, %get3A_3, %gt3A_391 : vector<16xi32>
    %eq3A_393 = arith.cmpi eq, %gather3A_309, %gather3A_294 : vector<16xi32>
    %and3A_394 = arith.andi %gt3A_392, %eq3A_393 : vector<16xi1>
    %select_n3A_395 = arith.select %and3A_394, %broadcast_in_dim3A_4, %broadcast_in_dim3A_6 : vector<16xi1>, vector<16xi32>
    %add3A_396 = arith.addi %add3A_389, %select_n3A_395 : vector<16xi32>
    %gt3A_397 = arith.constant 1 : i32
    %gt3A_398 = vector.broadcast %gt3A_397 : i32 to vector<16xi32>
    %gt3A_399 = arith.cmpi sgt, %get3A_3, %gt3A_398 : vector<16xi32>
    %mul3A_400 = arith.constant 1024 : i32
    %mul3A_401 = vector.broadcast %mul3A_400 : i32 to vector<16xi32>
    %mul3A_402 = arith.muli %add3A_396, %mul3A_401 : vector<16xi32>
    %sub3A_403 = arith.constant 1023 : i32
    %sub3A_404 = vector.broadcast %sub3A_403 : i32 to vector<16xi32>
    %sub3A_405 = arith.subi %sub3A_404, %gather3A_294 : vector<16xi32>
    %add3A_406 = arith.addi %mul3A_402, %sub3A_405 : vector<16xi32>
    %neg3A_407 = arith.constant 0 : i32
    %neg3A_408 = vector.broadcast %neg3A_407 : i32 to vector<16xi32>
    %neg3A_409 = arith.subi %neg3A_408, %broadcast_in_dim3A_4 : vector<16xi32>
    %select_n3A_410 = arith.select %gt3A_399, %add3A_406, %neg3A_409 : vector<16xi1>, vector<16xi32>
    %max3A_411 = arith.maxsi %max3A_361, %select_n3A_410 : vector<16xi32>
    %gt3A_412 = arith.constant 0 : i32
    %gt3A_413 = vector.broadcast %gt3A_412 : i32 to vector<16xi32>
    %gt3A_414 = arith.cmpi sgt, %get3A_3, %gt3A_413 : vector<16xi32>
    %eq3A_415 = arith.cmpi eq, %gather3A_289, %gather3A_299 : vector<16xi32>
    %and3A_416 = arith.andi %gt3A_414, %eq3A_415 : vector<16xi1>
    %select_n3A_417 = arith.select %and3A_416, %broadcast_in_dim3A_4, %broadcast_in_dim3A_6 : vector<16xi1>, vector<16xi32>
    %add3A_418 = arith.addi %broadcast_in_dim3A_6, %select_n3A_417 : vector<16xi32>
    %gt3A_419 = arith.constant 1 : i32
    %gt3A_420 = vector.broadcast %gt3A_419 : i32 to vector<16xi32>
    %gt3A_421 = arith.cmpi sgt, %get3A_3, %gt3A_420 : vector<16xi32>
    %eq3A_422 = arith.cmpi eq, %gather3A_294, %gather3A_299 : vector<16xi32>
    %and3A_423 = arith.andi %gt3A_421, %eq3A_422 : vector<16xi1>
    %select_n3A_424 = arith.select %and3A_423, %broadcast_in_dim3A_4, %broadcast_in_dim3A_6 : vector<16xi1>, vector<16xi32>
    %add3A_425 = arith.addi %add3A_418, %select_n3A_424 : vector<16xi32>
    %gt3A_426 = arith.constant 2 : i32
    %gt3A_427 = vector.broadcast %gt3A_426 : i32 to vector<16xi32>
    %gt3A_428 = arith.cmpi sgt, %get3A_3, %gt3A_427 : vector<16xi32>
    %eq3A_429 = arith.cmpi eq, %gather3A_299, %gather3A_299 : vector<16xi32>
    %and3A_430 = arith.andi %gt3A_428, %eq3A_429 : vector<16xi1>
    %select_n3A_431 = arith.select %and3A_430, %broadcast_in_dim3A_4, %broadcast_in_dim3A_6 : vector<16xi1>, vector<16xi32>
    %add3A_432 = arith.addi %add3A_425, %select_n3A_431 : vector<16xi32>
    %gt3A_433 = arith.constant 3 : i32
    %gt3A_434 = vector.broadcast %gt3A_433 : i32 to vector<16xi32>
    %gt3A_435 = arith.cmpi sgt, %get3A_3, %gt3A_434 : vector<16xi32>
    %eq3A_436 = arith.cmpi eq, %gather3A_304, %gather3A_299 : vector<16xi32>
    %and3A_437 = arith.andi %gt3A_435, %eq3A_436 : vector<16xi1>
    %select_n3A_438 = arith.select %and3A_437, %broadcast_in_dim3A_4, %broadcast_in_dim3A_6 : vector<16xi1>, vector<16xi32>
    %add3A_439 = arith.addi %add3A_432, %select_n3A_438 : vector<16xi32>
    %gt3A_440 = arith.constant 4 : i32
    %gt3A_441 = vector.broadcast %gt3A_440 : i32 to vector<16xi32>
    %gt3A_442 = arith.cmpi sgt, %get3A_3, %gt3A_441 : vector<16xi32>
    %eq3A_443 = arith.cmpi eq, %gather3A_309, %gather3A_299 : vector<16xi32>
    %and3A_444 = arith.andi %gt3A_442, %eq3A_443 : vector<16xi1>
    %select_n3A_445 = arith.select %and3A_444, %broadcast_in_dim3A_4, %broadcast_in_dim3A_6 : vector<16xi1>, vector<16xi32>
    %add3A_446 = arith.addi %add3A_439, %select_n3A_445 : vector<16xi32>
    %gt3A_447 = arith.constant 2 : i32
    %gt3A_448 = vector.broadcast %gt3A_447 : i32 to vector<16xi32>
    %gt3A_449 = arith.cmpi sgt, %get3A_3, %gt3A_448 : vector<16xi32>
    %mul3A_450 = arith.constant 1024 : i32
    %mul3A_451 = vector.broadcast %mul3A_450 : i32 to vector<16xi32>
    %mul3A_452 = arith.muli %add3A_446, %mul3A_451 : vector<16xi32>
    %sub3A_453 = arith.constant 1023 : i32
    %sub3A_454 = vector.broadcast %sub3A_453 : i32 to vector<16xi32>
    %sub3A_455 = arith.subi %sub3A_454, %gather3A_299 : vector<16xi32>
    %add3A_456 = arith.addi %mul3A_452, %sub3A_455 : vector<16xi32>
    %neg3A_457 = arith.constant 0 : i32
    %neg3A_458 = vector.broadcast %neg3A_457 : i32 to vector<16xi32>
    %neg3A_459 = arith.subi %neg3A_458, %broadcast_in_dim3A_4 : vector<16xi32>
    %select_n3A_460 = arith.select %gt3A_449, %add3A_456, %neg3A_459 : vector<16xi1>, vector<16xi32>
    %max3A_461 = arith.maxsi %max3A_411, %select_n3A_460 : vector<16xi32>
    %gt3A_462 = arith.constant 0 : i32
    %gt3A_463 = vector.broadcast %gt3A_462 : i32 to vector<16xi32>
    %gt3A_464 = arith.cmpi sgt, %get3A_3, %gt3A_463 : vector<16xi32>
    %eq3A_465 = arith.cmpi eq, %gather3A_289, %gather3A_304 : vector<16xi32>
    %and3A_466 = arith.andi %gt3A_464, %eq3A_465 : vector<16xi1>
    %select_n3A_467 = arith.select %and3A_466, %broadcast_in_dim3A_4, %broadcast_in_dim3A_6 : vector<16xi1>, vector<16xi32>
    %add3A_468 = arith.addi %broadcast_in_dim3A_6, %select_n3A_467 : vector<16xi32>
    %gt3A_469 = arith.constant 1 : i32
    %gt3A_470 = vector.broadcast %gt3A_469 : i32 to vector<16xi32>
    %gt3A_471 = arith.cmpi sgt, %get3A_3, %gt3A_470 : vector<16xi32>
    %eq3A_472 = arith.cmpi eq, %gather3A_294, %gather3A_304 : vector<16xi32>
    %and3A_473 = arith.andi %gt3A_471, %eq3A_472 : vector<16xi1>
    %select_n3A_474 = arith.select %and3A_473, %broadcast_in_dim3A_4, %broadcast_in_dim3A_6 : vector<16xi1>, vector<16xi32>
    %add3A_475 = arith.addi %add3A_468, %select_n3A_474 : vector<16xi32>
    %gt3A_476 = arith.constant 2 : i32
    %gt3A_477 = vector.broadcast %gt3A_476 : i32 to vector<16xi32>
    %gt3A_478 = arith.cmpi sgt, %get3A_3, %gt3A_477 : vector<16xi32>
    %eq3A_479 = arith.cmpi eq, %gather3A_299, %gather3A_304 : vector<16xi32>
    %and3A_480 = arith.andi %gt3A_478, %eq3A_479 : vector<16xi1>
    %select_n3A_481 = arith.select %and3A_480, %broadcast_in_dim3A_4, %broadcast_in_dim3A_6 : vector<16xi1>, vector<16xi32>
    %add3A_482 = arith.addi %add3A_475, %select_n3A_481 : vector<16xi32>
    %gt3A_483 = arith.constant 3 : i32
    %gt3A_484 = vector.broadcast %gt3A_483 : i32 to vector<16xi32>
    %gt3A_485 = arith.cmpi sgt, %get3A_3, %gt3A_484 : vector<16xi32>
    %eq3A_486 = arith.cmpi eq, %gather3A_304, %gather3A_304 : vector<16xi32>
    %and3A_487 = arith.andi %gt3A_485, %eq3A_486 : vector<16xi1>
    %select_n3A_488 = arith.select %and3A_487, %broadcast_in_dim3A_4, %broadcast_in_dim3A_6 : vector<16xi1>, vector<16xi32>
    %add3A_489 = arith.addi %add3A_482, %select_n3A_488 : vector<16xi32>
    %gt3A_490 = arith.constant 4 : i32
    %gt3A_491 = vector.broadcast %gt3A_490 : i32 to vector<16xi32>
    %gt3A_492 = arith.cmpi sgt, %get3A_3, %gt3A_491 : vector<16xi32>
    %eq3A_493 = arith.cmpi eq, %gather3A_309, %gather3A_304 : vector<16xi32>
    %and3A_494 = arith.andi %gt3A_492, %eq3A_493 : vector<16xi1>
    %select_n3A_495 = arith.select %and3A_494, %broadcast_in_dim3A_4, %broadcast_in_dim3A_6 : vector<16xi1>, vector<16xi32>
    %add3A_496 = arith.addi %add3A_489, %select_n3A_495 : vector<16xi32>
    %gt3A_497 = arith.constant 3 : i32
    %gt3A_498 = vector.broadcast %gt3A_497 : i32 to vector<16xi32>
    %gt3A_499 = arith.cmpi sgt, %get3A_3, %gt3A_498 : vector<16xi32>
    %mul3A_500 = arith.constant 1024 : i32
    %mul3A_501 = vector.broadcast %mul3A_500 : i32 to vector<16xi32>
    %mul3A_502 = arith.muli %add3A_496, %mul3A_501 : vector<16xi32>
    %sub3A_503 = arith.constant 1023 : i32
    %sub3A_504 = vector.broadcast %sub3A_503 : i32 to vector<16xi32>
    %sub3A_505 = arith.subi %sub3A_504, %gather3A_304 : vector<16xi32>
    %add3A_506 = arith.addi %mul3A_502, %sub3A_505 : vector<16xi32>
    %neg3A_507 = arith.constant 0 : i32
    %neg3A_508 = vector.broadcast %neg3A_507 : i32 to vector<16xi32>
    %neg3A_509 = arith.subi %neg3A_508, %broadcast_in_dim3A_4 : vector<16xi32>
    %select_n3A_510 = arith.select %gt3A_499, %add3A_506, %neg3A_509 : vector<16xi1>, vector<16xi32>
    %max3A_511 = arith.maxsi %max3A_461, %select_n3A_510 : vector<16xi32>
    %gt3A_512 = arith.constant 0 : i32
    %gt3A_513 = vector.broadcast %gt3A_512 : i32 to vector<16xi32>
    %gt3A_514 = arith.cmpi sgt, %get3A_3, %gt3A_513 : vector<16xi32>
    %eq3A_515 = arith.cmpi eq, %gather3A_289, %gather3A_309 : vector<16xi32>
    %and3A_516 = arith.andi %gt3A_514, %eq3A_515 : vector<16xi1>
    %select_n3A_517 = arith.select %and3A_516, %broadcast_in_dim3A_4, %broadcast_in_dim3A_6 : vector<16xi1>, vector<16xi32>
    %add3A_518 = arith.addi %broadcast_in_dim3A_6, %select_n3A_517 : vector<16xi32>
    %gt3A_519 = arith.constant 1 : i32
    %gt3A_520 = vector.broadcast %gt3A_519 : i32 to vector<16xi32>
    %gt3A_521 = arith.cmpi sgt, %get3A_3, %gt3A_520 : vector<16xi32>
    %eq3A_522 = arith.cmpi eq, %gather3A_294, %gather3A_309 : vector<16xi32>
    %and3A_523 = arith.andi %gt3A_521, %eq3A_522 : vector<16xi1>
    %select_n3A_524 = arith.select %and3A_523, %broadcast_in_dim3A_4, %broadcast_in_dim3A_6 : vector<16xi1>, vector<16xi32>
    %add3A_525 = arith.addi %add3A_518, %select_n3A_524 : vector<16xi32>
    %gt3A_526 = arith.constant 2 : i32
    %gt3A_527 = vector.broadcast %gt3A_526 : i32 to vector<16xi32>
    %gt3A_528 = arith.cmpi sgt, %get3A_3, %gt3A_527 : vector<16xi32>
    %eq3A_529 = arith.cmpi eq, %gather3A_299, %gather3A_309 : vector<16xi32>
    %and3A_530 = arith.andi %gt3A_528, %eq3A_529 : vector<16xi1>
    %select_n3A_531 = arith.select %and3A_530, %broadcast_in_dim3A_4, %broadcast_in_dim3A_6 : vector<16xi1>, vector<16xi32>
    %add3A_532 = arith.addi %add3A_525, %select_n3A_531 : vector<16xi32>
    %gt3A_533 = arith.constant 3 : i32
    %gt3A_534 = vector.broadcast %gt3A_533 : i32 to vector<16xi32>
    %gt3A_535 = arith.cmpi sgt, %get3A_3, %gt3A_534 : vector<16xi32>
    %eq3A_536 = arith.cmpi eq, %gather3A_304, %gather3A_309 : vector<16xi32>
    %and3A_537 = arith.andi %gt3A_535, %eq3A_536 : vector<16xi1>
    %select_n3A_538 = arith.select %and3A_537, %broadcast_in_dim3A_4, %broadcast_in_dim3A_6 : vector<16xi1>, vector<16xi32>
    %add3A_539 = arith.addi %add3A_532, %select_n3A_538 : vector<16xi32>
    %gt3A_540 = arith.constant 4 : i32
    %gt3A_541 = vector.broadcast %gt3A_540 : i32 to vector<16xi32>
    %gt3A_542 = arith.cmpi sgt, %get3A_3, %gt3A_541 : vector<16xi32>
    %eq3A_543 = arith.cmpi eq, %gather3A_309, %gather3A_309 : vector<16xi32>
    %and3A_544 = arith.andi %gt3A_542, %eq3A_543 : vector<16xi1>
    %select_n3A_545 = arith.select %and3A_544, %broadcast_in_dim3A_4, %broadcast_in_dim3A_6 : vector<16xi1>, vector<16xi32>
    %add3A_546 = arith.addi %add3A_539, %select_n3A_545 : vector<16xi32>
    %gt3A_547 = arith.constant 4 : i32
    %gt3A_548 = vector.broadcast %gt3A_547 : i32 to vector<16xi32>
    %gt3A_549 = arith.cmpi sgt, %get3A_3, %gt3A_548 : vector<16xi32>
    %mul3A_550 = arith.constant 1024 : i32
    %mul3A_551 = vector.broadcast %mul3A_550 : i32 to vector<16xi32>
    %mul3A_552 = arith.muli %add3A_546, %mul3A_551 : vector<16xi32>
    %sub3A_553 = arith.constant 1023 : i32
    %sub3A_554 = vector.broadcast %sub3A_553 : i32 to vector<16xi32>
    %sub3A_555 = arith.subi %sub3A_554, %gather3A_309 : vector<16xi32>
    %add3A_556 = arith.addi %mul3A_552, %sub3A_555 : vector<16xi32>
    %neg3A_557 = arith.constant 0 : i32
    %neg3A_558 = vector.broadcast %neg3A_557 : i32 to vector<16xi32>
    %neg3A_559 = arith.subi %neg3A_558, %broadcast_in_dim3A_4 : vector<16xi32>
    %select_n3A_560 = arith.select %gt3A_549, %add3A_556, %neg3A_559 : vector<16xi1>, vector<16xi32>
    %max3A_561 = arith.maxsi %max3A_511, %select_n3A_560 : vector<16xi32>
    %mul3A_562 = arith.constant 1024 : i32
    %mul3A_563 = vector.broadcast %mul3A_562 : i32 to vector<16xi32>
    %mul3A_564 = arith.muli %mul3A_563, %broadcast_in_dim3A_4 : vector<16xi32>
    %sub3A_565 = arith.subi %mul3A_564, %broadcast_in_dim3A_4 : vector<16xi32>
    %and3A_566 = arith.andi %max3A_561, %sub3A_565 : vector<16xi32>
    %sub3A_567 = arith.constant 1023 : i32
    %sub3A_568 = vector.broadcast %sub3A_567 : i32 to vector<16xi32>
    %sub3A_569 = arith.subi %sub3A_568, %and3A_566 : vector<16xi32>
    %convert_element_type3A_570 = arith.sitofp %sub3A_569 : vector<16xi32> to vector<16xf32>
    %swap3A_571 = arith.constant 16 : index
    %swap3A_572 = tpu.vector_load %arg9[%swap3A_571] {strides = array<i32>} : memref<128xf32, #tpu.memory_space<vmem>>, vector<16xf32>,
    tpu.vector_store %arg9[%swap3A_571], %convert_element_type3A_570 {strides = array<i32>} : memref<128xf32, #tpu.memory_space<vmem>>, vector<16xf32>,
    %get3A_573 = arith.constant 0 : i32
    %get3A_574 = arith.index_cast %get3A_573 : i32 to index
    %get3A_575 = arith.constant 32 : index
    %get3A_576 = tpu.vector_load %arg6[%get3A_574, %get3A_575] {strides = array<i32>} : memref<5x128xi32, #tpu.memory_space<vmem>>, vector<16xi32>,
    %gather3A_577 = tpu.vector_load_idx %arg7[%get3A_576] : memref<16384xi32, #tpu.memory_space<vmem>>[vector<16xi32>], vector<16xi32>,
    %get3A_578 = arith.constant 1 : i32
    %get3A_579 = arith.index_cast %get3A_578 : i32 to index
    %get3A_580 = arith.constant 32 : index
    %get3A_581 = tpu.vector_load %arg6[%get3A_579, %get3A_580] {strides = array<i32>} : memref<5x128xi32, #tpu.memory_space<vmem>>, vector<16xi32>,
    %gather3A_582 = tpu.vector_load_idx %arg7[%get3A_581] : memref<16384xi32, #tpu.memory_space<vmem>>[vector<16xi32>], vector<16xi32>,
    %get3A_583 = arith.constant 2 : i32
    %get3A_584 = arith.index_cast %get3A_583 : i32 to index
    %get3A_585 = arith.constant 32 : index
    %get3A_586 = tpu.vector_load %arg6[%get3A_584, %get3A_585] {strides = array<i32>} : memref<5x128xi32, #tpu.memory_space<vmem>>, vector<16xi32>,
    %gather3A_587 = tpu.vector_load_idx %arg7[%get3A_586] : memref<16384xi32, #tpu.memory_space<vmem>>[vector<16xi32>], vector<16xi32>,
    %get3A_588 = arith.constant 3 : i32
    %get3A_589 = arith.index_cast %get3A_588 : i32 to index
    %get3A_590 = arith.constant 32 : index
    %get3A_591 = tpu.vector_load %arg6[%get3A_589, %get3A_590] {strides = array<i32>} : memref<5x128xi32, #tpu.memory_space<vmem>>, vector<16xi32>,
    %gather3A_592 = tpu.vector_load_idx %arg7[%get3A_591] : memref<16384xi32, #tpu.memory_space<vmem>>[vector<16xi32>], vector<16xi32>,
    %get3A_593 = arith.constant 4 : i32
    %get3A_594 = arith.index_cast %get3A_593 : i32 to index
    %get3A_595 = arith.constant 32 : index
    %get3A_596 = tpu.vector_load %arg6[%get3A_594, %get3A_595] {strides = array<i32>} : memref<5x128xi32, #tpu.memory_space<vmem>>, vector<16xi32>,
    %gather3A_597 = tpu.vector_load_idx %arg7[%get3A_596] : memref<16384xi32, #tpu.memory_space<vmem>>[vector<16xi32>], vector<16xi32>,
    %broadcast_in_dim3A_598 = arith.constant -1 : i32
    %broadcast_in_dim3A_599 = vector.broadcast %broadcast_in_dim3A_598 : i32 to vector<16xi32>
    %gt3A_600 = arith.constant 0 : i32
    %gt3A_601 = vector.broadcast %gt3A_600 : i32 to vector<16xi32>
    %gt3A_602 = arith.cmpi sgt, %get3A_3, %gt3A_601 : vector<16xi32>
    %eq3A_603 = arith.cmpi eq, %gather3A_577, %gather3A_577 : vector<16xi32>
    %and3A_604 = arith.andi %gt3A_602, %eq3A_603 : vector<16xi1>
    %select_n3A_605 = arith.select %and3A_604, %broadcast_in_dim3A_4, %broadcast_in_dim3A_6 : vector<16xi1>, vector<16xi32>
    %add3A_606 = arith.addi %broadcast_in_dim3A_6, %select_n3A_605 : vector<16xi32>
    %gt3A_607 = arith.constant 1 : i32
    %gt3A_608 = vector.broadcast %gt3A_607 : i32 to vector<16xi32>
    %gt3A_609 = arith.cmpi sgt, %get3A_3, %gt3A_608 : vector<16xi32>
    %eq3A_610 = arith.cmpi eq, %gather3A_582, %gather3A_577 : vector<16xi32>
    %and3A_611 = arith.andi %gt3A_609, %eq3A_610 : vector<16xi1>
    %select_n3A_612 = arith.select %and3A_611, %broadcast_in_dim3A_4, %broadcast_in_dim3A_6 : vector<16xi1>, vector<16xi32>
    %add3A_613 = arith.addi %add3A_606, %select_n3A_612 : vector<16xi32>
    %gt3A_614 = arith.constant 2 : i32
    %gt3A_615 = vector.broadcast %gt3A_614 : i32 to vector<16xi32>
    %gt3A_616 = arith.cmpi sgt, %get3A_3, %gt3A_615 : vector<16xi32>
    %eq3A_617 = arith.cmpi eq, %gather3A_587, %gather3A_577 : vector<16xi32>
    %and3A_618 = arith.andi %gt3A_616, %eq3A_617 : vector<16xi1>
    %select_n3A_619 = arith.select %and3A_618, %broadcast_in_dim3A_4, %broadcast_in_dim3A_6 : vector<16xi1>, vector<16xi32>
    %add3A_620 = arith.addi %add3A_613, %select_n3A_619 : vector<16xi32>
    %gt3A_621 = arith.constant 3 : i32
    %gt3A_622 = vector.broadcast %gt3A_621 : i32 to vector<16xi32>
    %gt3A_623 = arith.cmpi sgt, %get3A_3, %gt3A_622 : vector<16xi32>
    %eq3A_624 = arith.cmpi eq, %gather3A_592, %gather3A_577 : vector<16xi32>
    %and3A_625 = arith.andi %gt3A_623, %eq3A_624 : vector<16xi1>
    %select_n3A_626 = arith.select %and3A_625, %broadcast_in_dim3A_4, %broadcast_in_dim3A_6 : vector<16xi1>, vector<16xi32>
    %add3A_627 = arith.addi %add3A_620, %select_n3A_626 : vector<16xi32>
    %gt3A_628 = arith.constant 4 : i32
    %gt3A_629 = vector.broadcast %gt3A_628 : i32 to vector<16xi32>
    %gt3A_630 = arith.cmpi sgt, %get3A_3, %gt3A_629 : vector<16xi32>
    %eq3A_631 = arith.cmpi eq, %gather3A_597, %gather3A_577 : vector<16xi32>
    %and3A_632 = arith.andi %gt3A_630, %eq3A_631 : vector<16xi1>
    %select_n3A_633 = arith.select %and3A_632, %broadcast_in_dim3A_4, %broadcast_in_dim3A_6 : vector<16xi1>, vector<16xi32>
    %add3A_634 = arith.addi %add3A_627, %select_n3A_633 : vector<16xi32>
    %gt3A_635 = arith.constant 0 : i32
    %gt3A_636 = vector.broadcast %gt3A_635 : i32 to vector<16xi32>
    %gt3A_637 = arith.cmpi sgt, %get3A_3, %gt3A_636 : vector<16xi32>
    %mul3A_638 = arith.constant 1024 : i32
    %mul3A_639 = vector.broadcast %mul3A_638 : i32 to vector<16xi32>
    %mul3A_640 = arith.muli %add3A_634, %mul3A_639 : vector<16xi32>
    %sub3A_641 = arith.constant 1023 : i32
    %sub3A_642 = vector.broadcast %sub3A_641 : i32 to vector<16xi32>
    %sub3A_643 = arith.subi %sub3A_642, %gather3A_577 : vector<16xi32>
    %add3A_644 = arith.addi %mul3A_640, %sub3A_643 : vector<16xi32>
    %neg3A_645 = arith.constant 0 : i32
    %neg3A_646 = vector.broadcast %neg3A_645 : i32 to vector<16xi32>
    %neg3A_647 = arith.subi %neg3A_646, %broadcast_in_dim3A_4 : vector<16xi32>
    %select_n3A_648 = arith.select %gt3A_637, %add3A_644, %neg3A_647 : vector<16xi1>, vector<16xi32>
    %max3A_649 = arith.maxsi %broadcast_in_dim3A_599, %select_n3A_648 : vector<16xi32>
    %gt3A_650 = arith.constant 0 : i32
    %gt3A_651 = vector.broadcast %gt3A_650 : i32 to vector<16xi32>
    %gt3A_652 = arith.cmpi sgt, %get3A_3, %gt3A_651 : vector<16xi32>
    %eq3A_653 = arith.cmpi eq, %gather3A_577, %gather3A_582 : vector<16xi32>
    %and3A_654 = arith.andi %gt3A_652, %eq3A_653 : vector<16xi1>
    %select_n3A_655 = arith.select %and3A_654, %broadcast_in_dim3A_4, %broadcast_in_dim3A_6 : vector<16xi1>, vector<16xi32>
    %add3A_656 = arith.addi %broadcast_in_dim3A_6, %select_n3A_655 : vector<16xi32>
    %gt3A_657 = arith.constant 1 : i32
    %gt3A_658 = vector.broadcast %gt3A_657 : i32 to vector<16xi32>
    %gt3A_659 = arith.cmpi sgt, %get3A_3, %gt3A_658 : vector<16xi32>
    %eq3A_660 = arith.cmpi eq, %gather3A_582, %gather3A_582 : vector<16xi32>
    %and3A_661 = arith.andi %gt3A_659, %eq3A_660 : vector<16xi1>
    %select_n3A_662 = arith.select %and3A_661, %broadcast_in_dim3A_4, %broadcast_in_dim3A_6 : vector<16xi1>, vector<16xi32>
    %add3A_663 = arith.addi %add3A_656, %select_n3A_662 : vector<16xi32>
    %gt3A_664 = arith.constant 2 : i32
    %gt3A_665 = vector.broadcast %gt3A_664 : i32 to vector<16xi32>
    %gt3A_666 = arith.cmpi sgt, %get3A_3, %gt3A_665 : vector<16xi32>
    %eq3A_667 = arith.cmpi eq, %gather3A_587, %gather3A_582 : vector<16xi32>
    %and3A_668 = arith.andi %gt3A_666, %eq3A_667 : vector<16xi1>
    %select_n3A_669 = arith.select %and3A_668, %broadcast_in_dim3A_4, %broadcast_in_dim3A_6 : vector<16xi1>, vector<16xi32>
    %add3A_670 = arith.addi %add3A_663, %select_n3A_669 : vector<16xi32>
    %gt3A_671 = arith.constant 3 : i32
    %gt3A_672 = vector.broadcast %gt3A_671 : i32 to vector<16xi32>
    %gt3A_673 = arith.cmpi sgt, %get3A_3, %gt3A_672 : vector<16xi32>
    %eq3A_674 = arith.cmpi eq, %gather3A_592, %gather3A_582 : vector<16xi32>
    %and3A_675 = arith.andi %gt3A_673, %eq3A_674 : vector<16xi1>
    %select_n3A_676 = arith.select %and3A_675, %broadcast_in_dim3A_4, %broadcast_in_dim3A_6 : vector<16xi1>, vector<16xi32>
    %add3A_677 = arith.addi %add3A_670, %select_n3A_676 : vector<16xi32>
    %gt3A_678 = arith.constant 4 : i32
    %gt3A_679 = vector.broadcast %gt3A_678 : i32 to vector<16xi32>
    %gt3A_680 = arith.cmpi sgt, %get3A_3, %gt3A_679 : vector<16xi32>
    %eq3A_681 = arith.cmpi eq, %gather3A_597, %gather3A_582 : vector<16xi32>
    %and3A_682 = arith.andi %gt3A_680, %eq3A_681 : vector<16xi1>
    %select_n3A_683 = arith.select %and3A_682, %broadcast_in_dim3A_4, %broadcast_in_dim3A_6 : vector<16xi1>, vector<16xi32>
    %add3A_684 = arith.addi %add3A_677, %select_n3A_683 : vector<16xi32>
    %gt3A_685 = arith.constant 1 : i32
    %gt3A_686 = vector.broadcast %gt3A_685 : i32 to vector<16xi32>
    %gt3A_687 = arith.cmpi sgt, %get3A_3, %gt3A_686 : vector<16xi32>
    %mul3A_688 = arith.constant 1024 : i32
    %mul3A_689 = vector.broadcast %mul3A_688 : i32 to vector<16xi32>
    %mul3A_690 = arith.muli %add3A_684, %mul3A_689 : vector<16xi32>
    %sub3A_691 = arith.constant 1023 : i32
    %sub3A_692 = vector.broadcast %sub3A_691 : i32 to vector<16xi32>
    %sub3A_693 = arith.subi %sub3A_692, %gather3A_582 : vector<16xi32>
    %add3A_694 = arith.addi %mul3A_690, %sub3A_693 : vector<16xi32>
    %neg3A_695 = arith.constant 0 : i32
    %neg3A_696 = vector.broadcast %neg3A_695 : i32 to vector<16xi32>
    %neg3A_697 = arith.subi %neg3A_696, %broadcast_in_dim3A_4 : vector<16xi32>
    %select_n3A_698 = arith.select %gt3A_687, %add3A_694, %neg3A_697 : vector<16xi1>, vector<16xi32>
    %max3A_699 = arith.maxsi %max3A_649, %select_n3A_698 : vector<16xi32>
    %gt3A_700 = arith.constant 0 : i32
    %gt3A_701 = vector.broadcast %gt3A_700 : i32 to vector<16xi32>
    %gt3A_702 = arith.cmpi sgt, %get3A_3, %gt3A_701 : vector<16xi32>
    %eq3A_703 = arith.cmpi eq, %gather3A_577, %gather3A_587 : vector<16xi32>
    %and3A_704 = arith.andi %gt3A_702, %eq3A_703 : vector<16xi1>
    %select_n3A_705 = arith.select %and3A_704, %broadcast_in_dim3A_4, %broadcast_in_dim3A_6 : vector<16xi1>, vector<16xi32>
    %add3A_706 = arith.addi %broadcast_in_dim3A_6, %select_n3A_705 : vector<16xi32>
    %gt3A_707 = arith.constant 1 : i32
    %gt3A_708 = vector.broadcast %gt3A_707 : i32 to vector<16xi32>
    %gt3A_709 = arith.cmpi sgt, %get3A_3, %gt3A_708 : vector<16xi32>
    %eq3A_710 = arith.cmpi eq, %gather3A_582, %gather3A_587 : vector<16xi32>
    %and3A_711 = arith.andi %gt3A_709, %eq3A_710 : vector<16xi1>
    %select_n3A_712 = arith.select %and3A_711, %broadcast_in_dim3A_4, %broadcast_in_dim3A_6 : vector<16xi1>, vector<16xi32>
    %add3A_713 = arith.addi %add3A_706, %select_n3A_712 : vector<16xi32>
    %gt3A_714 = arith.constant 2 : i32
    %gt3A_715 = vector.broadcast %gt3A_714 : i32 to vector<16xi32>
    %gt3A_716 = arith.cmpi sgt, %get3A_3, %gt3A_715 : vector<16xi32>
    %eq3A_717 = arith.cmpi eq, %gather3A_587, %gather3A_587 : vector<16xi32>
    %and3A_718 = arith.andi %gt3A_716, %eq3A_717 : vector<16xi1>
    %select_n3A_719 = arith.select %and3A_718, %broadcast_in_dim3A_4, %broadcast_in_dim3A_6 : vector<16xi1>, vector<16xi32>
    %add3A_720 = arith.addi %add3A_713, %select_n3A_719 : vector<16xi32>
    %gt3A_721 = arith.constant 3 : i32
    %gt3A_722 = vector.broadcast %gt3A_721 : i32 to vector<16xi32>
    %gt3A_723 = arith.cmpi sgt, %get3A_3, %gt3A_722 : vector<16xi32>
    %eq3A_724 = arith.cmpi eq, %gather3A_592, %gather3A_587 : vector<16xi32>
    %and3A_725 = arith.andi %gt3A_723, %eq3A_724 : vector<16xi1>
    %select_n3A_726 = arith.select %and3A_725, %broadcast_in_dim3A_4, %broadcast_in_dim3A_6 : vector<16xi1>, vector<16xi32>
    %add3A_727 = arith.addi %add3A_720, %select_n3A_726 : vector<16xi32>
    %gt3A_728 = arith.constant 4 : i32
    %gt3A_729 = vector.broadcast %gt3A_728 : i32 to vector<16xi32>
    %gt3A_730 = arith.cmpi sgt, %get3A_3, %gt3A_729 : vector<16xi32>
    %eq3A_731 = arith.cmpi eq, %gather3A_597, %gather3A_587 : vector<16xi32>
    %and3A_732 = arith.andi %gt3A_730, %eq3A_731 : vector<16xi1>
    %select_n3A_733 = arith.select %and3A_732, %broadcast_in_dim3A_4, %broadcast_in_dim3A_6 : vector<16xi1>, vector<16xi32>
    %add3A_734 = arith.addi %add3A_727, %select_n3A_733 : vector<16xi32>
    %gt3A_735 = arith.constant 2 : i32
    %gt3A_736 = vector.broadcast %gt3A_735 : i32 to vector<16xi32>
    %gt3A_737 = arith.cmpi sgt, %get3A_3, %gt3A_736 : vector<16xi32>
    %mul3A_738 = arith.constant 1024 : i32
    %mul3A_739 = vector.broadcast %mul3A_738 : i32 to vector<16xi32>
    %mul3A_740 = arith.muli %add3A_734, %mul3A_739 : vector<16xi32>
    %sub3A_741 = arith.constant 1023 : i32
    %sub3A_742 = vector.broadcast %sub3A_741 : i32 to vector<16xi32>
    %sub3A_743 = arith.subi %sub3A_742, %gather3A_587 : vector<16xi32>
    %add3A_744 = arith.addi %mul3A_740, %sub3A_743 : vector<16xi32>
    %neg3A_745 = arith.constant 0 : i32
    %neg3A_746 = vector.broadcast %neg3A_745 : i32 to vector<16xi32>
    %neg3A_747 = arith.subi %neg3A_746, %broadcast_in_dim3A_4 : vector<16xi32>
    %select_n3A_748 = arith.select %gt3A_737, %add3A_744, %neg3A_747 : vector<16xi1>, vector<16xi32>
    %max3A_749 = arith.maxsi %max3A_699, %select_n3A_748 : vector<16xi32>
    %gt3A_750 = arith.constant 0 : i32
    %gt3A_751 = vector.broadcast %gt3A_750 : i32 to vector<16xi32>
    %gt3A_752 = arith.cmpi sgt, %get3A_3, %gt3A_751 : vector<16xi32>
    %eq3A_753 = arith.cmpi eq, %gather3A_577, %gather3A_592 : vector<16xi32>
    %and3A_754 = arith.andi %gt3A_752, %eq3A_753 : vector<16xi1>
    %select_n3A_755 = arith.select %and3A_754, %broadcast_in_dim3A_4, %broadcast_in_dim3A_6 : vector<16xi1>, vector<16xi32>
    %add3A_756 = arith.addi %broadcast_in_dim3A_6, %select_n3A_755 : vector<16xi32>
    %gt3A_757 = arith.constant 1 : i32
    %gt3A_758 = vector.broadcast %gt3A_757 : i32 to vector<16xi32>
    %gt3A_759 = arith.cmpi sgt, %get3A_3, %gt3A_758 : vector<16xi32>
    %eq3A_760 = arith.cmpi eq, %gather3A_582, %gather3A_592 : vector<16xi32>
    %and3A_761 = arith.andi %gt3A_759, %eq3A_760 : vector<16xi1>
    %select_n3A_762 = arith.select %and3A_761, %broadcast_in_dim3A_4, %broadcast_in_dim3A_6 : vector<16xi1>, vector<16xi32>
    %add3A_763 = arith.addi %add3A_756, %select_n3A_762 : vector<16xi32>
    %gt3A_764 = arith.constant 2 : i32
    %gt3A_765 = vector.broadcast %gt3A_764 : i32 to vector<16xi32>
    %gt3A_766 = arith.cmpi sgt, %get3A_3, %gt3A_765 : vector<16xi32>
    %eq3A_767 = arith.cmpi eq, %gather3A_587, %gather3A_592 : vector<16xi32>
    %and3A_768 = arith.andi %gt3A_766, %eq3A_767 : vector<16xi1>
    %select_n3A_769 = arith.select %and3A_768, %broadcast_in_dim3A_4, %broadcast_in_dim3A_6 : vector<16xi1>, vector<16xi32>
    %add3A_770 = arith.addi %add3A_763, %select_n3A_769 : vector<16xi32>
    %gt3A_771 = arith.constant 3 : i32
    %gt3A_772 = vector.broadcast %gt3A_771 : i32 to vector<16xi32>
    %gt3A_773 = arith.cmpi sgt, %get3A_3, %gt3A_772 : vector<16xi32>
    %eq3A_774 = arith.cmpi eq, %gather3A_592, %gather3A_592 : vector<16xi32>
    %and3A_775 = arith.andi %gt3A_773, %eq3A_774 : vector<16xi1>
    %select_n3A_776 = arith.select %and3A_775, %broadcast_in_dim3A_4, %broadcast_in_dim3A_6 : vector<16xi1>, vector<16xi32>
    %add3A_777 = arith.addi %add3A_770, %select_n3A_776 : vector<16xi32>
    %gt3A_778 = arith.constant 4 : i32
    %gt3A_779 = vector.broadcast %gt3A_778 : i32 to vector<16xi32>
    %gt3A_780 = arith.cmpi sgt, %get3A_3, %gt3A_779 : vector<16xi32>
    %eq3A_781 = arith.cmpi eq, %gather3A_597, %gather3A_592 : vector<16xi32>
    %and3A_782 = arith.andi %gt3A_780, %eq3A_781 : vector<16xi1>
    %select_n3A_783 = arith.select %and3A_782, %broadcast_in_dim3A_4, %broadcast_in_dim3A_6 : vector<16xi1>, vector<16xi32>
    %add3A_784 = arith.addi %add3A_777, %select_n3A_783 : vector<16xi32>
    %gt3A_785 = arith.constant 3 : i32
    %gt3A_786 = vector.broadcast %gt3A_785 : i32 to vector<16xi32>
    %gt3A_787 = arith.cmpi sgt, %get3A_3, %gt3A_786 : vector<16xi32>
    %mul3A_788 = arith.constant 1024 : i32
    %mul3A_789 = vector.broadcast %mul3A_788 : i32 to vector<16xi32>
    %mul3A_790 = arith.muli %add3A_784, %mul3A_789 : vector<16xi32>
    %sub3A_791 = arith.constant 1023 : i32
    %sub3A_792 = vector.broadcast %sub3A_791 : i32 to vector<16xi32>
    %sub3A_793 = arith.subi %sub3A_792, %gather3A_592 : vector<16xi32>
    %add3A_794 = arith.addi %mul3A_790, %sub3A_793 : vector<16xi32>
    %neg3A_795 = arith.constant 0 : i32
    %neg3A_796 = vector.broadcast %neg3A_795 : i32 to vector<16xi32>
    %neg3A_797 = arith.subi %neg3A_796, %broadcast_in_dim3A_4 : vector<16xi32>
    %select_n3A_798 = arith.select %gt3A_787, %add3A_794, %neg3A_797 : vector<16xi1>, vector<16xi32>
    %max3A_799 = arith.maxsi %max3A_749, %select_n3A_798 : vector<16xi32>
    %gt3A_800 = arith.constant 0 : i32
    %gt3A_801 = vector.broadcast %gt3A_800 : i32 to vector<16xi32>
    %gt3A_802 = arith.cmpi sgt, %get3A_3, %gt3A_801 : vector<16xi32>
    %eq3A_803 = arith.cmpi eq, %gather3A_577, %gather3A_597 : vector<16xi32>
    %and3A_804 = arith.andi %gt3A_802, %eq3A_803 : vector<16xi1>
    %select_n3A_805 = arith.select %and3A_804, %broadcast_in_dim3A_4, %broadcast_in_dim3A_6 : vector<16xi1>, vector<16xi32>
    %add3A_806 = arith.addi %broadcast_in_dim3A_6, %select_n3A_805 : vector<16xi32>
    %gt3A_807 = arith.constant 1 : i32
    %gt3A_808 = vector.broadcast %gt3A_807 : i32 to vector<16xi32>
    %gt3A_809 = arith.cmpi sgt, %get3A_3, %gt3A_808 : vector<16xi32>
    %eq3A_810 = arith.cmpi eq, %gather3A_582, %gather3A_597 : vector<16xi32>
    %and3A_811 = arith.andi %gt3A_809, %eq3A_810 : vector<16xi1>
    %select_n3A_812 = arith.select %and3A_811, %broadcast_in_dim3A_4, %broadcast_in_dim3A_6 : vector<16xi1>, vector<16xi32>
    %add3A_813 = arith.addi %add3A_806, %select_n3A_812 : vector<16xi32>
    %gt3A_814 = arith.constant 2 : i32
    %gt3A_815 = vector.broadcast %gt3A_814 : i32 to vector<16xi32>
    %gt3A_816 = arith.cmpi sgt, %get3A_3, %gt3A_815 : vector<16xi32>
    %eq3A_817 = arith.cmpi eq, %gather3A_587, %gather3A_597 : vector<16xi32>
    %and3A_818 = arith.andi %gt3A_816, %eq3A_817 : vector<16xi1>
    %select_n3A_819 = arith.select %and3A_818, %broadcast_in_dim3A_4, %broadcast_in_dim3A_6 : vector<16xi1>, vector<16xi32>
    %add3A_820 = arith.addi %add3A_813, %select_n3A_819 : vector<16xi32>
    %gt3A_821 = arith.constant 3 : i32
    %gt3A_822 = vector.broadcast %gt3A_821 : i32 to vector<16xi32>
    %gt3A_823 = arith.cmpi sgt, %get3A_3, %gt3A_822 : vector<16xi32>
    %eq3A_824 = arith.cmpi eq, %gather3A_592, %gather3A_597 : vector<16xi32>
    %and3A_825 = arith.andi %gt3A_823, %eq3A_824 : vector<16xi1>
    %select_n3A_826 = arith.select %and3A_825, %broadcast_in_dim3A_4, %broadcast_in_dim3A_6 : vector<16xi1>, vector<16xi32>
    %add3A_827 = arith.addi %add3A_820, %select_n3A_826 : vector<16xi32>
    %gt3A_828 = arith.constant 4 : i32
    %gt3A_829 = vector.broadcast %gt3A_828 : i32 to vector<16xi32>
    %gt3A_830 = arith.cmpi sgt, %get3A_3, %gt3A_829 : vector<16xi32>
    %eq3A_831 = arith.cmpi eq, %gather3A_597, %gather3A_597 : vector<16xi32>
    %and3A_832 = arith.andi %gt3A_830, %eq3A_831 : vector<16xi1>
    %select_n3A_833 = arith.select %and3A_832, %broadcast_in_dim3A_4, %broadcast_in_dim3A_6 : vector<16xi1>, vector<16xi32>
    %add3A_834 = arith.addi %add3A_827, %select_n3A_833 : vector<16xi32>
    %gt3A_835 = arith.constant 4 : i32
    %gt3A_836 = vector.broadcast %gt3A_835 : i32 to vector<16xi32>
    %gt3A_837 = arith.cmpi sgt, %get3A_3, %gt3A_836 : vector<16xi32>
    %mul3A_838 = arith.constant 1024 : i32
    %mul3A_839 = vector.broadcast %mul3A_838 : i32 to vector<16xi32>
    %mul3A_840 = arith.muli %add3A_834, %mul3A_839 : vector<16xi32>
    %sub3A_841 = arith.constant 1023 : i32
    %sub3A_842 = vector.broadcast %sub3A_841 : i32 to vector<16xi32>
    %sub3A_843 = arith.subi %sub3A_842, %gather3A_597 : vector<16xi32>
    %add3A_844 = arith.addi %mul3A_840, %sub3A_843 : vector<16xi32>
    %neg3A_845 = arith.constant 0 : i32
    %neg3A_846 = vector.broadcast %neg3A_845 : i32 to vector<16xi32>
    %neg3A_847 = arith.subi %neg3A_846, %broadcast_in_dim3A_4 : vector<16xi32>
    %select_n3A_848 = arith.select %gt3A_837, %add3A_844, %neg3A_847 : vector<16xi1>, vector<16xi32>
    %max3A_849 = arith.maxsi %max3A_799, %select_n3A_848 : vector<16xi32>
    %mul3A_850 = arith.constant 1024 : i32
    %mul3A_851 = vector.broadcast %mul3A_850 : i32 to vector<16xi32>
    %mul3A_852 = arith.muli %mul3A_851, %broadcast_in_dim3A_4 : vector<16xi32>
    %sub3A_853 = arith.subi %mul3A_852, %broadcast_in_dim3A_4 : vector<16xi32>
    %and3A_854 = arith.andi %max3A_849, %sub3A_853 : vector<16xi32>
    %sub3A_855 = arith.constant 1023 : i32
    %sub3A_856 = vector.broadcast %sub3A_855 : i32 to vector<16xi32>
    %sub3A_857 = arith.subi %sub3A_856, %and3A_854 : vector<16xi32>
    %convert_element_type3A_858 = arith.sitofp %sub3A_857 : vector<16xi32> to vector<16xf32>
    %swap3A_859 = arith.constant 32 : index
    %swap3A_860 = tpu.vector_load %arg9[%swap3A_859] {strides = array<i32>} : memref<128xf32, #tpu.memory_space<vmem>>, vector<16xf32>,
    tpu.vector_store %arg9[%swap3A_859], %convert_element_type3A_858 {strides = array<i32>} : memref<128xf32, #tpu.memory_space<vmem>>, vector<16xf32>,
    %get3A_861 = arith.constant 0 : i32
    %get3A_862 = arith.index_cast %get3A_861 : i32 to index
    %get3A_863 = arith.constant 48 : index
    %get3A_864 = tpu.vector_load %arg6[%get3A_862, %get3A_863] {strides = array<i32>} : memref<5x128xi32, #tpu.memory_space<vmem>>, vector<16xi32>,
    %gather3A_865 = tpu.vector_load_idx %arg7[%get3A_864] : memref<16384xi32, #tpu.memory_space<vmem>>[vector<16xi32>], vector<16xi32>,
    %get3A_866 = arith.constant 1 : i32
    %get3A_867 = arith.index_cast %get3A_866 : i32 to index
    %get3A_868 = arith.constant 48 : index
    %get3A_869 = tpu.vector_load %arg6[%get3A_867, %get3A_868] {strides = array<i32>} : memref<5x128xi32, #tpu.memory_space<vmem>>, vector<16xi32>,
    %gather3A_870 = tpu.vector_load_idx %arg7[%get3A_869] : memref<16384xi32, #tpu.memory_space<vmem>>[vector<16xi32>], vector<16xi32>,
    %get3A_871 = arith.constant 2 : i32
    %get3A_872 = arith.index_cast %get3A_871 : i32 to index
    %get3A_873 = arith.constant 48 : index
    %get3A_874 = tpu.vector_load %arg6[%get3A_872, %get3A_873] {strides = array<i32>} : memref<5x128xi32, #tpu.memory_space<vmem>>, vector<16xi32>,
    %gather3A_875 = tpu.vector_load_idx %arg7[%get3A_874] : memref<16384xi32, #tpu.memory_space<vmem>>[vector<16xi32>], vector<16xi32>,
    %get3A_876 = arith.constant 3 : i32
    %get3A_877 = arith.index_cast %get3A_876 : i32 to index
    %get3A_878 = arith.constant 48 : index
    %get3A_879 = tpu.vector_load %arg6[%get3A_877, %get3A_878] {strides = array<i32>} : memref<5x128xi32, #tpu.memory_space<vmem>>, vector<16xi32>,
    %gather3A_880 = tpu.vector_load_idx %arg7[%get3A_879] : memref<16384xi32, #tpu.memory_space<vmem>>[vector<16xi32>], vector<16xi32>,
    %get3A_881 = arith.constant 4 : i32
    %get3A_882 = arith.index_cast %get3A_881 : i32 to index
    %get3A_883 = arith.constant 48 : index
    %get3A_884 = tpu.vector_load %arg6[%get3A_882, %get3A_883] {strides = array<i32>} : memref<5x128xi32, #tpu.memory_space<vmem>>, vector<16xi32>,
    %gather3A_885 = tpu.vector_load_idx %arg7[%get3A_884] : memref<16384xi32, #tpu.memory_space<vmem>>[vector<16xi32>], vector<16xi32>,
    %broadcast_in_dim3A_886 = arith.constant -1 : i32
    %broadcast_in_dim3A_887 = vector.broadcast %broadcast_in_dim3A_886 : i32 to vector<16xi32>
    %gt3A_888 = arith.constant 0 : i32
    %gt3A_889 = vector.broadcast %gt3A_888 : i32 to vector<16xi32>
    %gt3A_890 = arith.cmpi sgt, %get3A_3, %gt3A_889 : vector<16xi32>
    %eq3A_891 = arith.cmpi eq, %gather3A_865, %gather3A_865 : vector<16xi32>
    %and3A_892 = arith.andi %gt3A_890, %eq3A_891 : vector<16xi1>
    %select_n3A_893 = arith.select %and3A_892, %broadcast_in_dim3A_4, %broadcast_in_dim3A_6 : vector<16xi1>, vector<16xi32>
    %add3A_894 = arith.addi %broadcast_in_dim3A_6, %select_n3A_893 : vector<16xi32>
    %gt3A_895 = arith.constant 1 : i32
    %gt3A_896 = vector.broadcast %gt3A_895 : i32 to vector<16xi32>
    %gt3A_897 = arith.cmpi sgt, %get3A_3, %gt3A_896 : vector<16xi32>
    %eq3A_898 = arith.cmpi eq, %gather3A_870, %gather3A_865 : vector<16xi32>
    %and3A_899 = arith.andi %gt3A_897, %eq3A_898 : vector<16xi1>
    %select_n3A_900 = arith.select %and3A_899, %broadcast_in_dim3A_4, %broadcast_in_dim3A_6 : vector<16xi1>, vector<16xi32>
    %add3A_901 = arith.addi %add3A_894, %select_n3A_900 : vector<16xi32>
    %gt3A_902 = arith.constant 2 : i32
    %gt3A_903 = vector.broadcast %gt3A_902 : i32 to vector<16xi32>
    %gt3A_904 = arith.cmpi sgt, %get3A_3, %gt3A_903 : vector<16xi32>
    %eq3A_905 = arith.cmpi eq, %gather3A_875, %gather3A_865 : vector<16xi32>
    %and3A_906 = arith.andi %gt3A_904, %eq3A_905 : vector<16xi1>
    %select_n3A_907 = arith.select %and3A_906, %broadcast_in_dim3A_4, %broadcast_in_dim3A_6 : vector<16xi1>, vector<16xi32>
    %add3A_908 = arith.addi %add3A_901, %select_n3A_907 : vector<16xi32>
    %gt3A_909 = arith.constant 3 : i32
    %gt3A_910 = vector.broadcast %gt3A_909 : i32 to vector<16xi32>
    %gt3A_911 = arith.cmpi sgt, %get3A_3, %gt3A_910 : vector<16xi32>
    %eq3A_912 = arith.cmpi eq, %gather3A_880, %gather3A_865 : vector<16xi32>
    %and3A_913 = arith.andi %gt3A_911, %eq3A_912 : vector<16xi1>
    %select_n3A_914 = arith.select %and3A_913, %broadcast_in_dim3A_4, %broadcast_in_dim3A_6 : vector<16xi1>, vector<16xi32>
    %add3A_915 = arith.addi %add3A_908, %select_n3A_914 : vector<16xi32>
    %gt3A_916 = arith.constant 4 : i32
    %gt3A_917 = vector.broadcast %gt3A_916 : i32 to vector<16xi32>
    %gt3A_918 = arith.cmpi sgt, %get3A_3, %gt3A_917 : vector<16xi32>
    %eq3A_919 = arith.cmpi eq, %gather3A_885, %gather3A_865 : vector<16xi32>
    %and3A_920 = arith.andi %gt3A_918, %eq3A_919 : vector<16xi1>
    %select_n3A_921 = arith.select %and3A_920, %broadcast_in_dim3A_4, %broadcast_in_dim3A_6 : vector<16xi1>, vector<16xi32>
    %add3A_922 = arith.addi %add3A_915, %select_n3A_921 : vector<16xi32>
    %gt3A_923 = arith.constant 0 : i32
    %gt3A_924 = vector.broadcast %gt3A_923 : i32 to vector<16xi32>
    %gt3A_925 = arith.cmpi sgt, %get3A_3, %gt3A_924 : vector<16xi32>
    %mul3A_926 = arith.constant 1024 : i32
    %mul3A_927 = vector.broadcast %mul3A_926 : i32 to vector<16xi32>
    %mul3A_928 = arith.muli %add3A_922, %mul3A_927 : vector<16xi32>
    %sub3A_929 = arith.constant 1023 : i32
    %sub3A_930 = vector.broadcast %sub3A_929 : i32 to vector<16xi32>
    %sub3A_931 = arith.subi %sub3A_930, %gather3A_865 : vector<16xi32>
    %add3A_932 = arith.addi %mul3A_928, %sub3A_931 : vector<16xi32>
    %neg3A_933 = arith.constant 0 : i32
    %neg3A_934 = vector.broadcast %neg3A_933 : i32 to vector<16xi32>
    %neg3A_935 = arith.subi %neg3A_934, %broadcast_in_dim3A_4 : vector<16xi32>
    %select_n3A_936 = arith.select %gt3A_925, %add3A_932, %neg3A_935 : vector<16xi1>, vector<16xi32>
    %max3A_937 = arith.maxsi %broadcast_in_dim3A_887, %select_n3A_936 : vector<16xi32>
    %gt3A_938 = arith.constant 0 : i32
    %gt3A_939 = vector.broadcast %gt3A_938 : i32 to vector<16xi32>
    %gt3A_940 = arith.cmpi sgt, %get3A_3, %gt3A_939 : vector<16xi32>
    %eq3A_941 = arith.cmpi eq, %gather3A_865, %gather3A_870 : vector<16xi32>
    %and3A_942 = arith.andi %gt3A_940, %eq3A_941 : vector<16xi1>
    %select_n3A_943 = arith.select %and3A_942, %broadcast_in_dim3A_4, %broadcast_in_dim3A_6 : vector<16xi1>, vector<16xi32>
    %add3A_944 = arith.addi %broadcast_in_dim3A_6, %select_n3A_943 : vector<16xi32>
    %gt3A_945 = arith.constant 1 : i32
    %gt3A_946 = vector.broadcast %gt3A_945 : i32 to vector<16xi32>
    %gt3A_947 = arith.cmpi sgt, %get3A_3, %gt3A_946 : vector<16xi32>
    %eq3A_948 = arith.cmpi eq, %gather3A_870, %gather3A_870 : vector<16xi32>
    %and3A_949 = arith.andi %gt3A_947, %eq3A_948 : vector<16xi1>
    %select_n3A_950 = arith.select %and3A_949, %broadcast_in_dim3A_4, %broadcast_in_dim3A_6 : vector<16xi1>, vector<16xi32>
    %add3A_951 = arith.addi %add3A_944, %select_n3A_950 : vector<16xi32>
    %gt3A_952 = arith.constant 2 : i32
    %gt3A_953 = vector.broadcast %gt3A_952 : i32 to vector<16xi32>
    %gt3A_954 = arith.cmpi sgt, %get3A_3, %gt3A_953 : vector<16xi32>
    %eq3A_955 = arith.cmpi eq, %gather3A_875, %gather3A_870 : vector<16xi32>
    %and3A_956 = arith.andi %gt3A_954, %eq3A_955 : vector<16xi1>
    %select_n3A_957 = arith.select %and3A_956, %broadcast_in_dim3A_4, %broadcast_in_dim3A_6 : vector<16xi1>, vector<16xi32>
    %add3A_958 = arith.addi %add3A_951, %select_n3A_957 : vector<16xi32>
    %gt3A_959 = arith.constant 3 : i32
    %gt3A_960 = vector.broadcast %gt3A_959 : i32 to vector<16xi32>
    %gt3A_961 = arith.cmpi sgt, %get3A_3, %gt3A_960 : vector<16xi32>
    %eq3A_962 = arith.cmpi eq, %gather3A_880, %gather3A_870 : vector<16xi32>
    %and3A_963 = arith.andi %gt3A_961, %eq3A_962 : vector<16xi1>
    %select_n3A_964 = arith.select %and3A_963, %broadcast_in_dim3A_4, %broadcast_in_dim3A_6 : vector<16xi1>, vector<16xi32>
    %add3A_965 = arith.addi %add3A_958, %select_n3A_964 : vector<16xi32>
    %gt3A_966 = arith.constant 4 : i32
    %gt3A_967 = vector.broadcast %gt3A_966 : i32 to vector<16xi32>
    %gt3A_968 = arith.cmpi sgt, %get3A_3, %gt3A_967 : vector<16xi32>
    %eq3A_969 = arith.cmpi eq, %gather3A_885, %gather3A_870 : vector<16xi32>
    %and3A_970 = arith.andi %gt3A_968, %eq3A_969 : vector<16xi1>
    %select_n3A_971 = arith.select %and3A_970, %broadcast_in_dim3A_4, %broadcast_in_dim3A_6 : vector<16xi1>, vector<16xi32>
    %add3A_972 = arith.addi %add3A_965, %select_n3A_971 : vector<16xi32>
    %gt3A_973 = arith.constant 1 : i32
    %gt3A_974 = vector.broadcast %gt3A_973 : i32 to vector<16xi32>
    %gt3A_975 = arith.cmpi sgt, %get3A_3, %gt3A_974 : vector<16xi32>
    %mul3A_976 = arith.constant 1024 : i32
    %mul3A_977 = vector.broadcast %mul3A_976 : i32 to vector<16xi32>
    %mul3A_978 = arith.muli %add3A_972, %mul3A_977 : vector<16xi32>
    %sub3A_979 = arith.constant 1023 : i32
    %sub3A_980 = vector.broadcast %sub3A_979 : i32 to vector<16xi32>
    %sub3A_981 = arith.subi %sub3A_980, %gather3A_870 : vector<16xi32>
    %add3A_982 = arith.addi %mul3A_978, %sub3A_981 : vector<16xi32>
    %neg3A_983 = arith.constant 0 : i32
    %neg3A_984 = vector.broadcast %neg3A_983 : i32 to vector<16xi32>
    %neg3A_985 = arith.subi %neg3A_984, %broadcast_in_dim3A_4 : vector<16xi32>
    %select_n3A_986 = arith.select %gt3A_975, %add3A_982, %neg3A_985 : vector<16xi1>, vector<16xi32>
    %max3A_987 = arith.maxsi %max3A_937, %select_n3A_986 : vector<16xi32>
    %gt3A_988 = arith.constant 0 : i32
    %gt3A_989 = vector.broadcast %gt3A_988 : i32 to vector<16xi32>
    %gt3A_990 = arith.cmpi sgt, %get3A_3, %gt3A_989 : vector<16xi32>
    %eq3A_991 = arith.cmpi eq, %gather3A_865, %gather3A_875 : vector<16xi32>
    %and3A_992 = arith.andi %gt3A_990, %eq3A_991 : vector<16xi1>
    %select_n3A_993 = arith.select %and3A_992, %broadcast_in_dim3A_4, %broadcast_in_dim3A_6 : vector<16xi1>, vector<16xi32>
    %add3A_994 = arith.addi %broadcast_in_dim3A_6, %select_n3A_993 : vector<16xi32>
    %gt3A_995 = arith.constant 1 : i32
    %gt3A_996 = vector.broadcast %gt3A_995 : i32 to vector<16xi32>
    %gt3A_997 = arith.cmpi sgt, %get3A_3, %gt3A_996 : vector<16xi32>
    %eq3A_998 = arith.cmpi eq, %gather3A_870, %gather3A_875 : vector<16xi32>
    %and3A_999 = arith.andi %gt3A_997, %eq3A_998 : vector<16xi1>
    %select_n3A_1000 = arith.select %and3A_999, %broadcast_in_dim3A_4, %broadcast_in_dim3A_6 : vector<16xi1>, vector<16xi32>
    %add3A_1001 = arith.addi %add3A_994, %select_n3A_1000 : vector<16xi32>
    %gt3A_1002 = arith.constant 2 : i32
    %gt3A_1003 = vector.broadcast %gt3A_1002 : i32 to vector<16xi32>
    %gt3A_1004 = arith.cmpi sgt, %get3A_3, %gt3A_1003 : vector<16xi32>
    %eq3A_1005 = arith.cmpi eq, %gather3A_875, %gather3A_875 : vector<16xi32>
    %and3A_1006 = arith.andi %gt3A_1004, %eq3A_1005 : vector<16xi1>
    %select_n3A_1007 = arith.select %and3A_1006, %broadcast_in_dim3A_4, %broadcast_in_dim3A_6 : vector<16xi1>, vector<16xi32>
    %add3A_1008 = arith.addi %add3A_1001, %select_n3A_1007 : vector<16xi32>
    %gt3A_1009 = arith.constant 3 : i32
    %gt3A_1010 = vector.broadcast %gt3A_1009 : i32 to vector<16xi32>
    %gt3A_1011 = arith.cmpi sgt, %get3A_3, %gt3A_1010 : vector<16xi32>
    %eq3A_1012 = arith.cmpi eq, %gather3A_880, %gather3A_875 : vector<16xi32>
    %and3A_1013 = arith.andi %gt3A_1011, %eq3A_1012 : vector<16xi1>
    %select_n3A_1014 = arith.select %and3A_1013, %broadcast_in_dim3A_4, %broadcast_in_dim3A_6 : vector<16xi1>, vector<16xi32>
    %add3A_1015 = arith.addi %add3A_1008, %select_n3A_1014 : vector<16xi32>
    %gt3A_1016 = arith.constant 4 : i32
    %gt3A_1017 = vector.broadcast %gt3A_1016 : i32 to vector<16xi32>
    %gt3A_1018 = arith.cmpi sgt, %get3A_3, %gt3A_1017 : vector<16xi32>
    %eq3A_1019 = arith.cmpi eq, %gather3A_885, %gather3A_875 : vector<16xi32>
    %and3A_1020 = arith.andi %gt3A_1018, %eq3A_1019 : vector<16xi1>
    %select_n3A_1021 = arith.select %and3A_1020, %broadcast_in_dim3A_4, %broadcast_in_dim3A_6 : vector<16xi1>, vector<16xi32>
    %add3A_1022 = arith.addi %add3A_1015, %select_n3A_1021 : vector<16xi32>
    %gt3A_1023 = arith.constant 2 : i32
    %gt3A_1024 = vector.broadcast %gt3A_1023 : i32 to vector<16xi32>
    %gt3A_1025 = arith.cmpi sgt, %get3A_3, %gt3A_1024 : vector<16xi32>
    %mul3A_1026 = arith.constant 1024 : i32
    %mul3A_1027 = vector.broadcast %mul3A_1026 : i32 to vector<16xi32>
    %mul3A_1028 = arith.muli %add3A_1022, %mul3A_1027 : vector<16xi32>
    %sub3A_1029 = arith.constant 1023 : i32
    %sub3A_1030 = vector.broadcast %sub3A_1029 : i32 to vector<16xi32>
    %sub3A_1031 = arith.subi %sub3A_1030, %gather3A_875 : vector<16xi32>
    %add3A_1032 = arith.addi %mul3A_1028, %sub3A_1031 : vector<16xi32>
    %neg3A_1033 = arith.constant 0 : i32
    %neg3A_1034 = vector.broadcast %neg3A_1033 : i32 to vector<16xi32>
    %neg3A_1035 = arith.subi %neg3A_1034, %broadcast_in_dim3A_4 : vector<16xi32>
    %select_n3A_1036 = arith.select %gt3A_1025, %add3A_1032, %neg3A_1035 : vector<16xi1>, vector<16xi32>
    %max3A_1037 = arith.maxsi %max3A_987, %select_n3A_1036 : vector<16xi32>
    %gt3A_1038 = arith.constant 0 : i32
    %gt3A_1039 = vector.broadcast %gt3A_1038 : i32 to vector<16xi32>
    %gt3A_1040 = arith.cmpi sgt, %get3A_3, %gt3A_1039 : vector<16xi32>
    %eq3A_1041 = arith.cmpi eq, %gather3A_865, %gather3A_880 : vector<16xi32>
    %and3A_1042 = arith.andi %gt3A_1040, %eq3A_1041 : vector<16xi1>
    %select_n3A_1043 = arith.select %and3A_1042, %broadcast_in_dim3A_4, %broadcast_in_dim3A_6 : vector<16xi1>, vector<16xi32>
    %add3A_1044 = arith.addi %broadcast_in_dim3A_6, %select_n3A_1043 : vector<16xi32>
    %gt3A_1045 = arith.constant 1 : i32
    %gt3A_1046 = vector.broadcast %gt3A_1045 : i32 to vector<16xi32>
    %gt3A_1047 = arith.cmpi sgt, %get3A_3, %gt3A_1046 : vector<16xi32>
    %eq3A_1048 = arith.cmpi eq, %gather3A_870, %gather3A_880 : vector<16xi32>
    %and3A_1049 = arith.andi %gt3A_1047, %eq3A_1048 : vector<16xi1>
    %select_n3A_1050 = arith.select %and3A_1049, %broadcast_in_dim3A_4, %broadcast_in_dim3A_6 : vector<16xi1>, vector<16xi32>
    %add3A_1051 = arith.addi %add3A_1044, %select_n3A_1050 : vector<16xi32>
    %gt3A_1052 = arith.constant 2 : i32
    %gt3A_1053 = vector.broadcast %gt3A_1052 : i32 to vector<16xi32>
    %gt3A_1054 = arith.cmpi sgt, %get3A_3, %gt3A_1053 : vector<16xi32>
    %eq3A_1055 = arith.cmpi eq, %gather3A_875, %gather3A_880 : vector<16xi32>
    %and3A_1056 = arith.andi %gt3A_1054, %eq3A_1055 : vector<16xi1>
    %select_n3A_1057 = arith.select %and3A_1056, %broadcast_in_dim3A_4, %broadcast_in_dim3A_6 : vector<16xi1>, vector<16xi32>
    %add3A_1058 = arith.addi %add3A_1051, %select_n3A_1057 : vector<16xi32>
    %gt3A_1059 = arith.constant 3 : i32
    %gt3A_1060 = vector.broadcast %gt3A_1059 : i32 to vector<16xi32>
    %gt3A_1061 = arith.cmpi sgt, %get3A_3, %gt3A_1060 : vector<16xi32>
    %eq3A_1062 = arith.cmpi eq, %gather3A_880, %gather3A_880 : vector<16xi32>
    %and3A_1063 = arith.andi %gt3A_1061, %eq3A_1062 : vector<16xi1>
    %select_n3A_1064 = arith.select %and3A_1063, %broadcast_in_dim3A_4, %broadcast_in_dim3A_6 : vector<16xi1>, vector<16xi32>
    %add3A_1065 = arith.addi %add3A_1058, %select_n3A_1064 : vector<16xi32>
    %gt3A_1066 = arith.constant 4 : i32
    %gt3A_1067 = vector.broadcast %gt3A_1066 : i32 to vector<16xi32>
    %gt3A_1068 = arith.cmpi sgt, %get3A_3, %gt3A_1067 : vector<16xi32>
    %eq3A_1069 = arith.cmpi eq, %gather3A_885, %gather3A_880 : vector<16xi32>
    %and3A_1070 = arith.andi %gt3A_1068, %eq3A_1069 : vector<16xi1>
    %select_n3A_1071 = arith.select %and3A_1070, %broadcast_in_dim3A_4, %broadcast_in_dim3A_6 : vector<16xi1>, vector<16xi32>
    %add3A_1072 = arith.addi %add3A_1065, %select_n3A_1071 : vector<16xi32>
    %gt3A_1073 = arith.constant 3 : i32
    %gt3A_1074 = vector.broadcast %gt3A_1073 : i32 to vector<16xi32>
    %gt3A_1075 = arith.cmpi sgt, %get3A_3, %gt3A_1074 : vector<16xi32>
    %mul3A_1076 = arith.constant 1024 : i32
    %mul3A_1077 = vector.broadcast %mul3A_1076 : i32 to vector<16xi32>
    %mul3A_1078 = arith.muli %add3A_1072, %mul3A_1077 : vector<16xi32>
    %sub3A_1079 = arith.constant 1023 : i32
    %sub3A_1080 = vector.broadcast %sub3A_1079 : i32 to vector<16xi32>
    %sub3A_1081 = arith.subi %sub3A_1080, %gather3A_880 : vector<16xi32>
    %add3A_1082 = arith.addi %mul3A_1078, %sub3A_1081 : vector<16xi32>
    %neg3A_1083 = arith.constant 0 : i32
    %neg3A_1084 = vector.broadcast %neg3A_1083 : i32 to vector<16xi32>
    %neg3A_1085 = arith.subi %neg3A_1084, %broadcast_in_dim3A_4 : vector<16xi32>
    %select_n3A_1086 = arith.select %gt3A_1075, %add3A_1082, %neg3A_1085 : vector<16xi1>, vector<16xi32>
    %max3A_1087 = arith.maxsi %max3A_1037, %select_n3A_1086 : vector<16xi32>
    %gt3A_1088 = arith.constant 0 : i32
    %gt3A_1089 = vector.broadcast %gt3A_1088 : i32 to vector<16xi32>
    %gt3A_1090 = arith.cmpi sgt, %get3A_3, %gt3A_1089 : vector<16xi32>
    %eq3A_1091 = arith.cmpi eq, %gather3A_865, %gather3A_885 : vector<16xi32>
    %and3A_1092 = arith.andi %gt3A_1090, %eq3A_1091 : vector<16xi1>
    %select_n3A_1093 = arith.select %and3A_1092, %broadcast_in_dim3A_4, %broadcast_in_dim3A_6 : vector<16xi1>, vector<16xi32>
    %add3A_1094 = arith.addi %broadcast_in_dim3A_6, %select_n3A_1093 : vector<16xi32>
    %gt3A_1095 = arith.constant 1 : i32
    %gt3A_1096 = vector.broadcast %gt3A_1095 : i32 to vector<16xi32>
    %gt3A_1097 = arith.cmpi sgt, %get3A_3, %gt3A_1096 : vector<16xi32>
    %eq3A_1098 = arith.cmpi eq, %gather3A_870, %gather3A_885 : vector<16xi32>
    %and3A_1099 = arith.andi %gt3A_1097, %eq3A_1098 : vector<16xi1>
    %select_n3A_1100 = arith.select %and3A_1099, %broadcast_in_dim3A_4, %broadcast_in_dim3A_6 : vector<16xi1>, vector<16xi32>
    %add3A_1101 = arith.addi %add3A_1094, %select_n3A_1100 : vector<16xi32>
    %gt3A_1102 = arith.constant 2 : i32
    %gt3A_1103 = vector.broadcast %gt3A_1102 : i32 to vector<16xi32>
    %gt3A_1104 = arith.cmpi sgt, %get3A_3, %gt3A_1103 : vector<16xi32>
    %eq3A_1105 = arith.cmpi eq, %gather3A_875, %gather3A_885 : vector<16xi32>
    %and3A_1106 = arith.andi %gt3A_1104, %eq3A_1105 : vector<16xi1>
    %select_n3A_1107 = arith.select %and3A_1106, %broadcast_in_dim3A_4, %broadcast_in_dim3A_6 : vector<16xi1>, vector<16xi32>
    %add3A_1108 = arith.addi %add3A_1101, %select_n3A_1107 : vector<16xi32>
    %gt3A_1109 = arith.constant 3 : i32
    %gt3A_1110 = vector.broadcast %gt3A_1109 : i32 to vector<16xi32>
    %gt3A_1111 = arith.cmpi sgt, %get3A_3, %gt3A_1110 : vector<16xi32>
    %eq3A_1112 = arith.cmpi eq, %gather3A_880, %gather3A_885 : vector<16xi32>
    %and3A_1113 = arith.andi %gt3A_1111, %eq3A_1112 : vector<16xi1>
    %select_n3A_1114 = arith.select %and3A_1113, %broadcast_in_dim3A_4, %broadcast_in_dim3A_6 : vector<16xi1>, vector<16xi32>
    %add3A_1115 = arith.addi %add3A_1108, %select_n3A_1114 : vector<16xi32>
    %gt3A_1116 = arith.constant 4 : i32
    %gt3A_1117 = vector.broadcast %gt3A_1116 : i32 to vector<16xi32>
    %gt3A_1118 = arith.cmpi sgt, %get3A_3, %gt3A_1117 : vector<16xi32>
    %eq3A_1119 = arith.cmpi eq, %gather3A_885, %gather3A_885 : vector<16xi32>
    %and3A_1120 = arith.andi %gt3A_1118, %eq3A_1119 : vector<16xi1>
    %select_n3A_1121 = arith.select %and3A_1120, %broadcast_in_dim3A_4, %broadcast_in_dim3A_6 : vector<16xi1>, vector<16xi32>
    %add3A_1122 = arith.addi %add3A_1115, %select_n3A_1121 : vector<16xi32>
    %gt3A_1123 = arith.constant 4 : i32
    %gt3A_1124 = vector.broadcast %gt3A_1123 : i32 to vector<16xi32>
    %gt3A_1125 = arith.cmpi sgt, %get3A_3, %gt3A_1124 : vector<16xi32>
    %mul3A_1126 = arith.constant 1024 : i32
    %mul3A_1127 = vector.broadcast %mul3A_1126 : i32 to vector<16xi32>
    %mul3A_1128 = arith.muli %add3A_1122, %mul3A_1127 : vector<16xi32>
    %sub3A_1129 = arith.constant 1023 : i32
    %sub3A_1130 = vector.broadcast %sub3A_1129 : i32 to vector<16xi32>
    %sub3A_1131 = arith.subi %sub3A_1130, %gather3A_885 : vector<16xi32>
    %add3A_1132 = arith.addi %mul3A_1128, %sub3A_1131 : vector<16xi32>
    %neg3A_1133 = arith.constant 0 : i32
    %neg3A_1134 = vector.broadcast %neg3A_1133 : i32 to vector<16xi32>
    %neg3A_1135 = arith.subi %neg3A_1134, %broadcast_in_dim3A_4 : vector<16xi32>
    %select_n3A_1136 = arith.select %gt3A_1125, %add3A_1132, %neg3A_1135 : vector<16xi1>, vector<16xi32>
    %max3A_1137 = arith.maxsi %max3A_1087, %select_n3A_1136 : vector<16xi32>
    %mul3A_1138 = arith.constant 1024 : i32
    %mul3A_1139 = vector.broadcast %mul3A_1138 : i32 to vector<16xi32>
    %mul3A_1140 = arith.muli %mul3A_1139, %broadcast_in_dim3A_4 : vector<16xi32>
    %sub3A_1141 = arith.subi %mul3A_1140, %broadcast_in_dim3A_4 : vector<16xi32>
    %and3A_1142 = arith.andi %max3A_1137, %sub3A_1141 : vector<16xi32>
    %sub3A_1143 = arith.constant 1023 : i32
    %sub3A_1144 = vector.broadcast %sub3A_1143 : i32 to vector<16xi32>
    %sub3A_1145 = arith.subi %sub3A_1144, %and3A_1142 : vector<16xi32>
    %convert_element_type3A_1146 = arith.sitofp %sub3A_1145 : vector<16xi32> to vector<16xf32>
    %swap3A_1147 = arith.constant 48 : index
    %swap3A_1148 = tpu.vector_load %arg9[%swap3A_1147] {strides = array<i32>} : memref<128xf32, #tpu.memory_space<vmem>>, vector<16xf32>,
    tpu.vector_store %arg9[%swap3A_1147], %convert_element_type3A_1146 {strides = array<i32>} : memref<128xf32, #tpu.memory_space<vmem>>, vector<16xf32>,
    %get3A_1149 = arith.constant 0 : i32
    %get3A_1150 = arith.index_cast %get3A_1149 : i32 to index
    %get3A_1151 = arith.constant 64 : index
    %get3A_1152 = tpu.vector_load %arg6[%get3A_1150, %get3A_1151] {strides = array<i32>} : memref<5x128xi32, #tpu.memory_space<vmem>>, vector<16xi32>,
    %gather3A_1153 = tpu.vector_load_idx %arg7[%get3A_1152] : memref<16384xi32, #tpu.memory_space<vmem>>[vector<16xi32>], vector<16xi32>,
    %get3A_1154 = arith.constant 1 : i32
    %get3A_1155 = arith.index_cast %get3A_1154 : i32 to index
    %get3A_1156 = arith.constant 64 : index
    %get3A_1157 = tpu.vector_load %arg6[%get3A_1155, %get3A_1156] {strides = array<i32>} : memref<5x128xi32, #tpu.memory_space<vmem>>, vector<16xi32>,
    %gather3A_1158 = tpu.vector_load_idx %arg7[%get3A_1157] : memref<16384xi32, #tpu.memory_space<vmem>>[vector<16xi32>], vector<16xi32>,
    %get3A_1159 = arith.constant 2 : i32
    %get3A_1160 = arith.index_cast %get3A_1159 : i32 to index
    %get3A_1161 = arith.constant 64 : index
    %get3A_1162 = tpu.vector_load %arg6[%get3A_1160, %get3A_1161] {strides = array<i32>} : memref<5x128xi32, #tpu.memory_space<vmem>>, vector<16xi32>,
    %gather3A_1163 = tpu.vector_load_idx %arg7[%get3A_1162] : memref<16384xi32, #tpu.memory_space<vmem>>[vector<16xi32>], vector<16xi32>,
    %get3A_1164 = arith.constant 3 : i32
    %get3A_1165 = arith.index_cast %get3A_1164 : i32 to index
    %get3A_1166 = arith.constant 64 : index
    %get3A_1167 = tpu.vector_load %arg6[%get3A_1165, %get3A_1166] {strides = array<i32>} : memref<5x128xi32, #tpu.memory_space<vmem>>, vector<16xi32>,
    %gather3A_1168 = tpu.vector_load_idx %arg7[%get3A_1167] : memref<16384xi32, #tpu.memory_space<vmem>>[vector<16xi32>], vector<16xi32>,
    %get3A_1169 = arith.constant 4 : i32
    %get3A_1170 = arith.index_cast %get3A_1169 : i32 to index
    %get3A_1171 = arith.constant 64 : index
    %get3A_1172 = tpu.vector_load %arg6[%get3A_1170, %get3A_1171] {strides = array<i32>} : memref<5x128xi32, #tpu.memory_space<vmem>>, vector<16xi32>,
    %gather3A_1173 = tpu.vector_load_idx %arg7[%get3A_1172] : memref<16384xi32, #tpu.memory_space<vmem>>[vector<16xi32>], vector<16xi32>,
    %broadcast_in_dim3A_1174 = arith.constant -1 : i32
    %broadcast_in_dim3A_1175 = vector.broadcast %broadcast_in_dim3A_1174 : i32 to vector<16xi32>
    %gt3A_1176 = arith.constant 0 : i32
    %gt3A_1177 = vector.broadcast %gt3A_1176 : i32 to vector<16xi32>
    %gt3A_1178 = arith.cmpi sgt, %get3A_3, %gt3A_1177 : vector<16xi32>
    %eq3A_1179 = arith.cmpi eq, %gather3A_1153, %gather3A_1153 : vector<16xi32>
    %and3A_1180 = arith.andi %gt3A_1178, %eq3A_1179 : vector<16xi1>
    %select_n3A_1181 = arith.select %and3A_1180, %broadcast_in_dim3A_4, %broadcast_in_dim3A_6 : vector<16xi1>, vector<16xi32>
    %add3A_1182 = arith.addi %broadcast_in_dim3A_6, %select_n3A_1181 : vector<16xi32>
    %gt3A_1183 = arith.constant 1 : i32
    %gt3A_1184 = vector.broadcast %gt3A_1183 : i32 to vector<16xi32>
    %gt3A_1185 = arith.cmpi sgt, %get3A_3, %gt3A_1184 : vector<16xi32>
    %eq3A_1186 = arith.cmpi eq, %gather3A_1158, %gather3A_1153 : vector<16xi32>
    %and3A_1187 = arith.andi %gt3A_1185, %eq3A_1186 : vector<16xi1>
    %select_n3A_1188 = arith.select %and3A_1187, %broadcast_in_dim3A_4, %broadcast_in_dim3A_6 : vector<16xi1>, vector<16xi32>
    %add3A_1189 = arith.addi %add3A_1182, %select_n3A_1188 : vector<16xi32>
    %gt3A_1190 = arith.constant 2 : i32
    %gt3A_1191 = vector.broadcast %gt3A_1190 : i32 to vector<16xi32>
    %gt3A_1192 = arith.cmpi sgt, %get3A_3, %gt3A_1191 : vector<16xi32>
    %eq3A_1193 = arith.cmpi eq, %gather3A_1163, %gather3A_1153 : vector<16xi32>
    %and3A_1194 = arith.andi %gt3A_1192, %eq3A_1193 : vector<16xi1>
    %select_n3A_1195 = arith.select %and3A_1194, %broadcast_in_dim3A_4, %broadcast_in_dim3A_6 : vector<16xi1>, vector<16xi32>
    %add3A_1196 = arith.addi %add3A_1189, %select_n3A_1195 : vector<16xi32>
    %gt3A_1197 = arith.constant 3 : i32
    %gt3A_1198 = vector.broadcast %gt3A_1197 : i32 to vector<16xi32>
    %gt3A_1199 = arith.cmpi sgt, %get3A_3, %gt3A_1198 : vector<16xi32>
    %eq3A_1200 = arith.cmpi eq, %gather3A_1168, %gather3A_1153 : vector<16xi32>
    %and3A_1201 = arith.andi %gt3A_1199, %eq3A_1200 : vector<16xi1>
    %select_n3A_1202 = arith.select %and3A_1201, %broadcast_in_dim3A_4, %broadcast_in_dim3A_6 : vector<16xi1>, vector<16xi32>
    %add3A_1203 = arith.addi %add3A_1196, %select_n3A_1202 : vector<16xi32>
    %gt3A_1204 = arith.constant 4 : i32
    %gt3A_1205 = vector.broadcast %gt3A_1204 : i32 to vector<16xi32>
    %gt3A_1206 = arith.cmpi sgt, %get3A_3, %gt3A_1205 : vector<16xi32>
    %eq3A_1207 = arith.cmpi eq, %gather3A_1173, %gather3A_1153 : vector<16xi32>
    %and3A_1208 = arith.andi %gt3A_1206, %eq3A_1207 : vector<16xi1>
    %select_n3A_1209 = arith.select %and3A_1208, %broadcast_in_dim3A_4, %broadcast_in_dim3A_6 : vector<16xi1>, vector<16xi32>
    %add3A_1210 = arith.addi %add3A_1203, %select_n3A_1209 : vector<16xi32>
    %gt3A_1211 = arith.constant 0 : i32
    %gt3A_1212 = vector.broadcast %gt3A_1211 : i32 to vector<16xi32>
    %gt3A_1213 = arith.cmpi sgt, %get3A_3, %gt3A_1212 : vector<16xi32>
    %mul3A_1214 = arith.constant 1024 : i32
    %mul3A_1215 = vector.broadcast %mul3A_1214 : i32 to vector<16xi32>
    %mul3A_1216 = arith.muli %add3A_1210, %mul3A_1215 : vector<16xi32>
    %sub3A_1217 = arith.constant 1023 : i32
    %sub3A_1218 = vector.broadcast %sub3A_1217 : i32 to vector<16xi32>
    %sub3A_1219 = arith.subi %sub3A_1218, %gather3A_1153 : vector<16xi32>
    %add3A_1220 = arith.addi %mul3A_1216, %sub3A_1219 : vector<16xi32>
    %neg3A_1221 = arith.constant 0 : i32
    %neg3A_1222 = vector.broadcast %neg3A_1221 : i32 to vector<16xi32>
    %neg3A_1223 = arith.subi %neg3A_1222, %broadcast_in_dim3A_4 : vector<16xi32>
    %select_n3A_1224 = arith.select %gt3A_1213, %add3A_1220, %neg3A_1223 : vector<16xi1>, vector<16xi32>
    %max3A_1225 = arith.maxsi %broadcast_in_dim3A_1175, %select_n3A_1224 : vector<16xi32>
    %gt3A_1226 = arith.constant 0 : i32
    %gt3A_1227 = vector.broadcast %gt3A_1226 : i32 to vector<16xi32>
    %gt3A_1228 = arith.cmpi sgt, %get3A_3, %gt3A_1227 : vector<16xi32>
    %eq3A_1229 = arith.cmpi eq, %gather3A_1153, %gather3A_1158 : vector<16xi32>
    %and3A_1230 = arith.andi %gt3A_1228, %eq3A_1229 : vector<16xi1>
    %select_n3A_1231 = arith.select %and3A_1230, %broadcast_in_dim3A_4, %broadcast_in_dim3A_6 : vector<16xi1>, vector<16xi32>
    %add3A_1232 = arith.addi %broadcast_in_dim3A_6, %select_n3A_1231 : vector<16xi32>
    %gt3A_1233 = arith.constant 1 : i32
    %gt3A_1234 = vector.broadcast %gt3A_1233 : i32 to vector<16xi32>
    %gt3A_1235 = arith.cmpi sgt, %get3A_3, %gt3A_1234 : vector<16xi32>
    %eq3A_1236 = arith.cmpi eq, %gather3A_1158, %gather3A_1158 : vector<16xi32>
    %and3A_1237 = arith.andi %gt3A_1235, %eq3A_1236 : vector<16xi1>
    %select_n3A_1238 = arith.select %and3A_1237, %broadcast_in_dim3A_4, %broadcast_in_dim3A_6 : vector<16xi1>, vector<16xi32>
    %add3A_1239 = arith.addi %add3A_1232, %select_n3A_1238 : vector<16xi32>
    %gt3A_1240 = arith.constant 2 : i32
    %gt3A_1241 = vector.broadcast %gt3A_1240 : i32 to vector<16xi32>
    %gt3A_1242 = arith.cmpi sgt, %get3A_3, %gt3A_1241 : vector<16xi32>
    %eq3A_1243 = arith.cmpi eq, %gather3A_1163, %gather3A_1158 : vector<16xi32>
    %and3A_1244 = arith.andi %gt3A_1242, %eq3A_1243 : vector<16xi1>
    %select_n3A_1245 = arith.select %and3A_1244, %broadcast_in_dim3A_4, %broadcast_in_dim3A_6 : vector<16xi1>, vector<16xi32>
    %add3A_1246 = arith.addi %add3A_1239, %select_n3A_1245 : vector<16xi32>
    %gt3A_1247 = arith.constant 3 : i32
    %gt3A_1248 = vector.broadcast %gt3A_1247 : i32 to vector<16xi32>
    %gt3A_1249 = arith.cmpi sgt, %get3A_3, %gt3A_1248 : vector<16xi32>
    %eq3A_1250 = arith.cmpi eq, %gather3A_1168, %gather3A_1158 : vector<16xi32>
    %and3A_1251 = arith.andi %gt3A_1249, %eq3A_1250 : vector<16xi1>
    %select_n3A_1252 = arith.select %and3A_1251, %broadcast_in_dim3A_4, %broadcast_in_dim3A_6 : vector<16xi1>, vector<16xi32>
    %add3A_1253 = arith.addi %add3A_1246, %select_n3A_1252 : vector<16xi32>
    %gt3A_1254 = arith.constant 4 : i32
    %gt3A_1255 = vector.broadcast %gt3A_1254 : i32 to vector<16xi32>
    %gt3A_1256 = arith.cmpi sgt, %get3A_3, %gt3A_1255 : vector<16xi32>
    %eq3A_1257 = arith.cmpi eq, %gather3A_1173, %gather3A_1158 : vector<16xi32>
    %and3A_1258 = arith.andi %gt3A_1256, %eq3A_1257 : vector<16xi1>
    %select_n3A_1259 = arith.select %and3A_1258, %broadcast_in_dim3A_4, %broadcast_in_dim3A_6 : vector<16xi1>, vector<16xi32>
    %add3A_1260 = arith.addi %add3A_1253, %select_n3A_1259 : vector<16xi32>
    %gt3A_1261 = arith.constant 1 : i32
    %gt3A_1262 = vector.broadcast %gt3A_1261 : i32 to vector<16xi32>
    %gt3A_1263 = arith.cmpi sgt, %get3A_3, %gt3A_1262 : vector<16xi32>
    %mul3A_1264 = arith.constant 1024 : i32
    %mul3A_1265 = vector.broadcast %mul3A_1264 : i32 to vector<16xi32>
    %mul3A_1266 = arith.muli %add3A_1260, %mul3A_1265 : vector<16xi32>
    %sub3A_1267 = arith.constant 1023 : i32
    %sub3A_1268 = vector.broadcast %sub3A_1267 : i32 to vector<16xi32>
    %sub3A_1269 = arith.subi %sub3A_1268, %gather3A_1158 : vector<16xi32>
    %add3A_1270 = arith.addi %mul3A_1266, %sub3A_1269 : vector<16xi32>
    %neg3A_1271 = arith.constant 0 : i32
    %neg3A_1272 = vector.broadcast %neg3A_1271 : i32 to vector<16xi32>
    %neg3A_1273 = arith.subi %neg3A_1272, %broadcast_in_dim3A_4 : vector<16xi32>
    %select_n3A_1274 = arith.select %gt3A_1263, %add3A_1270, %neg3A_1273 : vector<16xi1>, vector<16xi32>
    %max3A_1275 = arith.maxsi %max3A_1225, %select_n3A_1274 : vector<16xi32>
    %gt3A_1276 = arith.constant 0 : i32
    %gt3A_1277 = vector.broadcast %gt3A_1276 : i32 to vector<16xi32>
    %gt3A_1278 = arith.cmpi sgt, %get3A_3, %gt3A_1277 : vector<16xi32>
    %eq3A_1279 = arith.cmpi eq, %gather3A_1153, %gather3A_1163 : vector<16xi32>
    %and3A_1280 = arith.andi %gt3A_1278, %eq3A_1279 : vector<16xi1>
    %select_n3A_1281 = arith.select %and3A_1280, %broadcast_in_dim3A_4, %broadcast_in_dim3A_6 : vector<16xi1>, vector<16xi32>
    %add3A_1282 = arith.addi %broadcast_in_dim3A_6, %select_n3A_1281 : vector<16xi32>
    %gt3A_1283 = arith.constant 1 : i32
    %gt3A_1284 = vector.broadcast %gt3A_1283 : i32 to vector<16xi32>
    %gt3A_1285 = arith.cmpi sgt, %get3A_3, %gt3A_1284 : vector<16xi32>
    %eq3A_1286 = arith.cmpi eq, %gather3A_1158, %gather3A_1163 : vector<16xi32>
    %and3A_1287 = arith.andi %gt3A_1285, %eq3A_1286 : vector<16xi1>
    %select_n3A_1288 = arith.select %and3A_1287, %broadcast_in_dim3A_4, %broadcast_in_dim3A_6 : vector<16xi1>, vector<16xi32>
    %add3A_1289 = arith.addi %add3A_1282, %select_n3A_1288 : vector<16xi32>
    %gt3A_1290 = arith.constant 2 : i32
    %gt3A_1291 = vector.broadcast %gt3A_1290 : i32 to vector<16xi32>
    %gt3A_1292 = arith.cmpi sgt, %get3A_3, %gt3A_1291 : vector<16xi32>
    %eq3A_1293 = arith.cmpi eq, %gather3A_1163, %gather3A_1163 : vector<16xi32>
    %and3A_1294 = arith.andi %gt3A_1292, %eq3A_1293 : vector<16xi1>
    %select_n3A_1295 = arith.select %and3A_1294, %broadcast_in_dim3A_4, %broadcast_in_dim3A_6 : vector<16xi1>, vector<16xi32>
    %add3A_1296 = arith.addi %add3A_1289, %select_n3A_1295 : vector<16xi32>
    %gt3A_1297 = arith.constant 3 : i32
    %gt3A_1298 = vector.broadcast %gt3A_1297 : i32 to vector<16xi32>
    %gt3A_1299 = arith.cmpi sgt, %get3A_3, %gt3A_1298 : vector<16xi32>
    %eq3A_1300 = arith.cmpi eq, %gather3A_1168, %gather3A_1163 : vector<16xi32>
    %and3A_1301 = arith.andi %gt3A_1299, %eq3A_1300 : vector<16xi1>
    %select_n3A_1302 = arith.select %and3A_1301, %broadcast_in_dim3A_4, %broadcast_in_dim3A_6 : vector<16xi1>, vector<16xi32>
    %add3A_1303 = arith.addi %add3A_1296, %select_n3A_1302 : vector<16xi32>
    %gt3A_1304 = arith.constant 4 : i32
    %gt3A_1305 = vector.broadcast %gt3A_1304 : i32 to vector<16xi32>
    %gt3A_1306 = arith.cmpi sgt, %get3A_3, %gt3A_1305 : vector<16xi32>
    %eq3A_1307 = arith.cmpi eq, %gather3A_1173, %gather3A_1163 : vector<16xi32>
    %and3A_1308 = arith.andi %gt3A_1306, %eq3A_1307 : vector<16xi1>
    %select_n3A_1309 = arith.select %and3A_1308, %broadcast_in_dim3A_4, %broadcast_in_dim3A_6 : vector<16xi1>, vector<16xi32>
    %add3A_1310 = arith.addi %add3A_1303, %select_n3A_1309 : vector<16xi32>
    %gt3A_1311 = arith.constant 2 : i32
    %gt3A_1312 = vector.broadcast %gt3A_1311 : i32 to vector<16xi32>
    %gt3A_1313 = arith.cmpi sgt, %get3A_3, %gt3A_1312 : vector<16xi32>
    %mul3A_1314 = arith.constant 1024 : i32
    %mul3A_1315 = vector.broadcast %mul3A_1314 : i32 to vector<16xi32>
    %mul3A_1316 = arith.muli %add3A_1310, %mul3A_1315 : vector<16xi32>
    %sub3A_1317 = arith.constant 1023 : i32
    %sub3A_1318 = vector.broadcast %sub3A_1317 : i32 to vector<16xi32>
    %sub3A_1319 = arith.subi %sub3A_1318, %gather3A_1163 : vector<16xi32>
    %add3A_1320 = arith.addi %mul3A_1316, %sub3A_1319 : vector<16xi32>
    %neg3A_1321 = arith.constant 0 : i32
    %neg3A_1322 = vector.broadcast %neg3A_1321 : i32 to vector<16xi32>
    %neg3A_1323 = arith.subi %neg3A_1322, %broadcast_in_dim3A_4 : vector<16xi32>
    %select_n3A_1324 = arith.select %gt3A_1313, %add3A_1320, %neg3A_1323 : vector<16xi1>, vector<16xi32>
    %max3A_1325 = arith.maxsi %max3A_1275, %select_n3A_1324 : vector<16xi32>
    %gt3A_1326 = arith.constant 0 : i32
    %gt3A_1327 = vector.broadcast %gt3A_1326 : i32 to vector<16xi32>
    %gt3A_1328 = arith.cmpi sgt, %get3A_3, %gt3A_1327 : vector<16xi32>
    %eq3A_1329 = arith.cmpi eq, %gather3A_1153, %gather3A_1168 : vector<16xi32>
    %and3A_1330 = arith.andi %gt3A_1328, %eq3A_1329 : vector<16xi1>
    %select_n3A_1331 = arith.select %and3A_1330, %broadcast_in_dim3A_4, %broadcast_in_dim3A_6 : vector<16xi1>, vector<16xi32>
    %add3A_1332 = arith.addi %broadcast_in_dim3A_6, %select_n3A_1331 : vector<16xi32>
    %gt3A_1333 = arith.constant 1 : i32
    %gt3A_1334 = vector.broadcast %gt3A_1333 : i32 to vector<16xi32>
    %gt3A_1335 = arith.cmpi sgt, %get3A_3, %gt3A_1334 : vector<16xi32>
    %eq3A_1336 = arith.cmpi eq, %gather3A_1158, %gather3A_1168 : vector<16xi32>
    %and3A_1337 = arith.andi %gt3A_1335, %eq3A_1336 : vector<16xi1>
    %select_n3A_1338 = arith.select %and3A_1337, %broadcast_in_dim3A_4, %broadcast_in_dim3A_6 : vector<16xi1>, vector<16xi32>
    %add3A_1339 = arith.addi %add3A_1332, %select_n3A_1338 : vector<16xi32>
    %gt3A_1340 = arith.constant 2 : i32
    %gt3A_1341 = vector.broadcast %gt3A_1340 : i32 to vector<16xi32>
    %gt3A_1342 = arith.cmpi sgt, %get3A_3, %gt3A_1341 : vector<16xi32>
    %eq3A_1343 = arith.cmpi eq, %gather3A_1163, %gather3A_1168 : vector<16xi32>
    %and3A_1344 = arith.andi %gt3A_1342, %eq3A_1343 : vector<16xi1>
    %select_n3A_1345 = arith.select %and3A_1344, %broadcast_in_dim3A_4, %broadcast_in_dim3A_6 : vector<16xi1>, vector<16xi32>
    %add3A_1346 = arith.addi %add3A_1339, %select_n3A_1345 : vector<16xi32>
    %gt3A_1347 = arith.constant 3 : i32
    %gt3A_1348 = vector.broadcast %gt3A_1347 : i32 to vector<16xi32>
    %gt3A_1349 = arith.cmpi sgt, %get3A_3, %gt3A_1348 : vector<16xi32>
    %eq3A_1350 = arith.cmpi eq, %gather3A_1168, %gather3A_1168 : vector<16xi32>
    %and3A_1351 = arith.andi %gt3A_1349, %eq3A_1350 : vector<16xi1>
    %select_n3A_1352 = arith.select %and3A_1351, %broadcast_in_dim3A_4, %broadcast_in_dim3A_6 : vector<16xi1>, vector<16xi32>
    %add3A_1353 = arith.addi %add3A_1346, %select_n3A_1352 : vector<16xi32>
    %gt3A_1354 = arith.constant 4 : i32
    %gt3A_1355 = vector.broadcast %gt3A_1354 : i32 to vector<16xi32>
    %gt3A_1356 = arith.cmpi sgt, %get3A_3, %gt3A_1355 : vector<16xi32>
    %eq3A_1357 = arith.cmpi eq, %gather3A_1173, %gather3A_1168 : vector<16xi32>
    %and3A_1358 = arith.andi %gt3A_1356, %eq3A_1357 : vector<16xi1>
    %select_n3A_1359 = arith.select %and3A_1358, %broadcast_in_dim3A_4, %broadcast_in_dim3A_6 : vector<16xi1>, vector<16xi32>
    %add3A_1360 = arith.addi %add3A_1353, %select_n3A_1359 : vector<16xi32>
    %gt3A_1361 = arith.constant 3 : i32
    %gt3A_1362 = vector.broadcast %gt3A_1361 : i32 to vector<16xi32>
    %gt3A_1363 = arith.cmpi sgt, %get3A_3, %gt3A_1362 : vector<16xi32>
    %mul3A_1364 = arith.constant 1024 : i32
    %mul3A_1365 = vector.broadcast %mul3A_1364 : i32 to vector<16xi32>
    %mul3A_1366 = arith.muli %add3A_1360, %mul3A_1365 : vector<16xi32>
    %sub3A_1367 = arith.constant 1023 : i32
    %sub3A_1368 = vector.broadcast %sub3A_1367 : i32 to vector<16xi32>
    %sub3A_1369 = arith.subi %sub3A_1368, %gather3A_1168 : vector<16xi32>
    %add3A_1370 = arith.addi %mul3A_1366, %sub3A_1369 : vector<16xi32>
    %neg3A_1371 = arith.constant 0 : i32
    %neg3A_1372 = vector.broadcast %neg3A_1371 : i32 to vector<16xi32>
    %neg3A_1373 = arith.subi %neg3A_1372, %broadcast_in_dim3A_4 : vector<16xi32>
    %select_n3A_1374 = arith.select %gt3A_1363, %add3A_1370, %neg3A_1373 : vector<16xi1>, vector<16xi32>
    %max3A_1375 = arith.maxsi %max3A_1325, %select_n3A_1374 : vector<16xi32>
    %gt3A_1376 = arith.constant 0 : i32
    %gt3A_1377 = vector.broadcast %gt3A_1376 : i32 to vector<16xi32>
    %gt3A_1378 = arith.cmpi sgt, %get3A_3, %gt3A_1377 : vector<16xi32>
    %eq3A_1379 = arith.cmpi eq, %gather3A_1153, %gather3A_1173 : vector<16xi32>
    %and3A_1380 = arith.andi %gt3A_1378, %eq3A_1379 : vector<16xi1>
    %select_n3A_1381 = arith.select %and3A_1380, %broadcast_in_dim3A_4, %broadcast_in_dim3A_6 : vector<16xi1>, vector<16xi32>
    %add3A_1382 = arith.addi %broadcast_in_dim3A_6, %select_n3A_1381 : vector<16xi32>
    %gt3A_1383 = arith.constant 1 : i32
    %gt3A_1384 = vector.broadcast %gt3A_1383 : i32 to vector<16xi32>
    %gt3A_1385 = arith.cmpi sgt, %get3A_3, %gt3A_1384 : vector<16xi32>
    %eq3A_1386 = arith.cmpi eq, %gather3A_1158, %gather3A_1173 : vector<16xi32>
    %and3A_1387 = arith.andi %gt3A_1385, %eq3A_1386 : vector<16xi1>
    %select_n3A_1388 = arith.select %and3A_1387, %broadcast_in_dim3A_4, %broadcast_in_dim3A_6 : vector<16xi1>, vector<16xi32>
    %add3A_1389 = arith.addi %add3A_1382, %select_n3A_1388 : vector<16xi32>
    %gt3A_1390 = arith.constant 2 : i32
    %gt3A_1391 = vector.broadcast %gt3A_1390 : i32 to vector<16xi32>
    %gt3A_1392 = arith.cmpi sgt, %get3A_3, %gt3A_1391 : vector<16xi32>
    %eq3A_1393 = arith.cmpi eq, %gather3A_1163, %gather3A_1173 : vector<16xi32>
    %and3A_1394 = arith.andi %gt3A_1392, %eq3A_1393 : vector<16xi1>
    %select_n3A_1395 = arith.select %and3A_1394, %broadcast_in_dim3A_4, %broadcast_in_dim3A_6 : vector<16xi1>, vector<16xi32>
    %add3A_1396 = arith.addi %add3A_1389, %select_n3A_1395 : vector<16xi32>
    %gt3A_1397 = arith.constant 3 : i32
    %gt3A_1398 = vector.broadcast %gt3A_1397 : i32 to vector<16xi32>
    %gt3A_1399 = arith.cmpi sgt, %get3A_3, %gt3A_1398 : vector<16xi32>
    %eq3A_1400 = arith.cmpi eq, %gather3A_1168, %gather3A_1173 : vector<16xi32>
    %and3A_1401 = arith.andi %gt3A_1399, %eq3A_1400 : vector<16xi1>
    %select_n3A_1402 = arith.select %and3A_1401, %broadcast_in_dim3A_4, %broadcast_in_dim3A_6 : vector<16xi1>, vector<16xi32>
    %add3A_1403 = arith.addi %add3A_1396, %select_n3A_1402 : vector<16xi32>
    %gt3A_1404 = arith.constant 4 : i32
    %gt3A_1405 = vector.broadcast %gt3A_1404 : i32 to vector<16xi32>
    %gt3A_1406 = arith.cmpi sgt, %get3A_3, %gt3A_1405 : vector<16xi32>
    %eq3A_1407 = arith.cmpi eq, %gather3A_1173, %gather3A_1173 : vector<16xi32>
    %and3A_1408 = arith.andi %gt3A_1406, %eq3A_1407 : vector<16xi1>
    %select_n3A_1409 = arith.select %and3A_1408, %broadcast_in_dim3A_4, %broadcast_in_dim3A_6 : vector<16xi1>, vector<16xi32>
    %add3A_1410 = arith.addi %add3A_1403, %select_n3A_1409 : vector<16xi32>
    %gt3A_1411 = arith.constant 4 : i32
    %gt3A_1412 = vector.broadcast %gt3A_1411 : i32 to vector<16xi32>
    %gt3A_1413 = arith.cmpi sgt, %get3A_3, %gt3A_1412 : vector<16xi32>
    %mul3A_1414 = arith.constant 1024 : i32
    %mul3A_1415 = vector.broadcast %mul3A_1414 : i32 to vector<16xi32>
    %mul3A_1416 = arith.muli %add3A_1410, %mul3A_1415 : vector<16xi32>
    %sub3A_1417 = arith.constant 1023 : i32
    %sub3A_1418 = vector.broadcast %sub3A_1417 : i32 to vector<16xi32>
    %sub3A_1419 = arith.subi %sub3A_1418, %gather3A_1173 : vector<16xi32>
    %add3A_1420 = arith.addi %mul3A_1416, %sub3A_1419 : vector<16xi32>
    %neg3A_1421 = arith.constant 0 : i32
    %neg3A_1422 = vector.broadcast %neg3A_1421 : i32 to vector<16xi32>
    %neg3A_1423 = arith.subi %neg3A_1422, %broadcast_in_dim3A_4 : vector<16xi32>
    %select_n3A_1424 = arith.select %gt3A_1413, %add3A_1420, %neg3A_1423 : vector<16xi1>, vector<16xi32>
    %max3A_1425 = arith.maxsi %max3A_1375, %select_n3A_1424 : vector<16xi32>
    %mul3A_1426 = arith.constant 1024 : i32
    %mul3A_1427 = vector.broadcast %mul3A_1426 : i32 to vector<16xi32>
    %mul3A_1428 = arith.muli %mul3A_1427, %broadcast_in_dim3A_4 : vector<16xi32>
    %sub3A_1429 = arith.subi %mul3A_1428, %broadcast_in_dim3A_4 : vector<16xi32>
    %and3A_1430 = arith.andi %max3A_1425, %sub3A_1429 : vector<16xi32>
    %sub3A_1431 = arith.constant 1023 : i32
    %sub3A_1432 = vector.broadcast %sub3A_1431 : i32 to vector<16xi32>
    %sub3A_1433 = arith.subi %sub3A_1432, %and3A_1430 : vector<16xi32>
    %convert_element_type3A_1434 = arith.sitofp %sub3A_1433 : vector<16xi32> to vector<16xf32>
    %swap3A_1435 = arith.constant 64 : index
    %swap3A_1436 = tpu.vector_load %arg9[%swap3A_1435] {strides = array<i32>} : memref<128xf32, #tpu.memory_space<vmem>>, vector<16xf32>,
    tpu.vector_store %arg9[%swap3A_1435], %convert_element_type3A_1434 {strides = array<i32>} : memref<128xf32, #tpu.memory_space<vmem>>, vector<16xf32>,
    %get3A_1437 = arith.constant 0 : i32
    %get3A_1438 = arith.index_cast %get3A_1437 : i32 to index
    %get3A_1439 = arith.constant 80 : index
    %get3A_1440 = tpu.vector_load %arg6[%get3A_1438, %get3A_1439] {strides = array<i32>} : memref<5x128xi32, #tpu.memory_space<vmem>>, vector<16xi32>,
    %gather3A_1441 = tpu.vector_load_idx %arg7[%get3A_1440] : memref<16384xi32, #tpu.memory_space<vmem>>[vector<16xi32>], vector<16xi32>,
    %get3A_1442 = arith.constant 1 : i32
    %get3A_1443 = arith.index_cast %get3A_1442 : i32 to index
    %get3A_1444 = arith.constant 80 : index
    %get3A_1445 = tpu.vector_load %arg6[%get3A_1443, %get3A_1444] {strides = array<i32>} : memref<5x128xi32, #tpu.memory_space<vmem>>, vector<16xi32>,
    %gather3A_1446 = tpu.vector_load_idx %arg7[%get3A_1445] : memref<16384xi32, #tpu.memory_space<vmem>>[vector<16xi32>], vector<16xi32>,
    %get3A_1447 = arith.constant 2 : i32
    %get3A_1448 = arith.index_cast %get3A_1447 : i32 to index
    %get3A_1449 = arith.constant 80 : index
    %get3A_1450 = tpu.vector_load %arg6[%get3A_1448, %get3A_1449] {strides = array<i32>} : memref<5x128xi32, #tpu.memory_space<vmem>>, vector<16xi32>,
    %gather3A_1451 = tpu.vector_load_idx %arg7[%get3A_1450] : memref<16384xi32, #tpu.memory_space<vmem>>[vector<16xi32>], vector<16xi32>,
    %get3A_1452 = arith.constant 3 : i32
    %get3A_1453 = arith.index_cast %get3A_1452 : i32 to index
    %get3A_1454 = arith.constant 80 : index
    %get3A_1455 = tpu.vector_load %arg6[%get3A_1453, %get3A_1454] {strides = array<i32>} : memref<5x128xi32, #tpu.memory_space<vmem>>, vector<16xi32>,
    %gather3A_1456 = tpu.vector_load_idx %arg7[%get3A_1455] : memref<16384xi32, #tpu.memory_space<vmem>>[vector<16xi32>], vector<16xi32>,
    %get3A_1457 = arith.constant 4 : i32
    %get3A_1458 = arith.index_cast %get3A_1457 : i32 to index
    %get3A_1459 = arith.constant 80 : index
    %get3A_1460 = tpu.vector_load %arg6[%get3A_1458, %get3A_1459] {strides = array<i32>} : memref<5x128xi32, #tpu.memory_space<vmem>>, vector<16xi32>,
    %gather3A_1461 = tpu.vector_load_idx %arg7[%get3A_1460] : memref<16384xi32, #tpu.memory_space<vmem>>[vector<16xi32>], vector<16xi32>,
    %broadcast_in_dim3A_1462 = arith.constant -1 : i32
    %broadcast_in_dim3A_1463 = vector.broadcast %broadcast_in_dim3A_1462 : i32 to vector<16xi32>
    %gt3A_1464 = arith.constant 0 : i32
    %gt3A_1465 = vector.broadcast %gt3A_1464 : i32 to vector<16xi32>
    %gt3A_1466 = arith.cmpi sgt, %get3A_3, %gt3A_1465 : vector<16xi32>
    %eq3A_1467 = arith.cmpi eq, %gather3A_1441, %gather3A_1441 : vector<16xi32>
    %and3A_1468 = arith.andi %gt3A_1466, %eq3A_1467 : vector<16xi1>
    %select_n3A_1469 = arith.select %and3A_1468, %broadcast_in_dim3A_4, %broadcast_in_dim3A_6 : vector<16xi1>, vector<16xi32>
    %add3A_1470 = arith.addi %broadcast_in_dim3A_6, %select_n3A_1469 : vector<16xi32>
    %gt3A_1471 = arith.constant 1 : i32
    %gt3A_1472 = vector.broadcast %gt3A_1471 : i32 to vector<16xi32>
    %gt3A_1473 = arith.cmpi sgt, %get3A_3, %gt3A_1472 : vector<16xi32>
    %eq3A_1474 = arith.cmpi eq, %gather3A_1446, %gather3A_1441 : vector<16xi32>
    %and3A_1475 = arith.andi %gt3A_1473, %eq3A_1474 : vector<16xi1>
    %select_n3A_1476 = arith.select %and3A_1475, %broadcast_in_dim3A_4, %broadcast_in_dim3A_6 : vector<16xi1>, vector<16xi32>
    %add3A_1477 = arith.addi %add3A_1470, %select_n3A_1476 : vector<16xi32>
    %gt3A_1478 = arith.constant 2 : i32
    %gt3A_1479 = vector.broadcast %gt3A_1478 : i32 to vector<16xi32>
    %gt3A_1480 = arith.cmpi sgt, %get3A_3, %gt3A_1479 : vector<16xi32>
    %eq3A_1481 = arith.cmpi eq, %gather3A_1451, %gather3A_1441 : vector<16xi32>
    %and3A_1482 = arith.andi %gt3A_1480, %eq3A_1481 : vector<16xi1>
    %select_n3A_1483 = arith.select %and3A_1482, %broadcast_in_dim3A_4, %broadcast_in_dim3A_6 : vector<16xi1>, vector<16xi32>
    %add3A_1484 = arith.addi %add3A_1477, %select_n3A_1483 : vector<16xi32>
    %gt3A_1485 = arith.constant 3 : i32
    %gt3A_1486 = vector.broadcast %gt3A_1485 : i32 to vector<16xi32>
    %gt3A_1487 = arith.cmpi sgt, %get3A_3, %gt3A_1486 : vector<16xi32>
    %eq3A_1488 = arith.cmpi eq, %gather3A_1456, %gather3A_1441 : vector<16xi32>
    %and3A_1489 = arith.andi %gt3A_1487, %eq3A_1488 : vector<16xi1>
    %select_n3A_1490 = arith.select %and3A_1489, %broadcast_in_dim3A_4, %broadcast_in_dim3A_6 : vector<16xi1>, vector<16xi32>
    %add3A_1491 = arith.addi %add3A_1484, %select_n3A_1490 : vector<16xi32>
    %gt3A_1492 = arith.constant 4 : i32
    %gt3A_1493 = vector.broadcast %gt3A_1492 : i32 to vector<16xi32>
    %gt3A_1494 = arith.cmpi sgt, %get3A_3, %gt3A_1493 : vector<16xi32>
    %eq3A_1495 = arith.cmpi eq, %gather3A_1461, %gather3A_1441 : vector<16xi32>
    %and3A_1496 = arith.andi %gt3A_1494, %eq3A_1495 : vector<16xi1>
    %select_n3A_1497 = arith.select %and3A_1496, %broadcast_in_dim3A_4, %broadcast_in_dim3A_6 : vector<16xi1>, vector<16xi32>
    %add3A_1498 = arith.addi %add3A_1491, %select_n3A_1497 : vector<16xi32>
    %gt3A_1499 = arith.constant 0 : i32
    %gt3A_1500 = vector.broadcast %gt3A_1499 : i32 to vector<16xi32>
    %gt3A_1501 = arith.cmpi sgt, %get3A_3, %gt3A_1500 : vector<16xi32>
    %mul3A_1502 = arith.constant 1024 : i32
    %mul3A_1503 = vector.broadcast %mul3A_1502 : i32 to vector<16xi32>
    %mul3A_1504 = arith.muli %add3A_1498, %mul3A_1503 : vector<16xi32>
    %sub3A_1505 = arith.constant 1023 : i32
    %sub3A_1506 = vector.broadcast %sub3A_1505 : i32 to vector<16xi32>
    %sub3A_1507 = arith.subi %sub3A_1506, %gather3A_1441 : vector<16xi32>
    %add3A_1508 = arith.addi %mul3A_1504, %sub3A_1507 : vector<16xi32>
    %neg3A_1509 = arith.constant 0 : i32
    %neg3A_1510 = vector.broadcast %neg3A_1509 : i32 to vector<16xi32>
    %neg3A_1511 = arith.subi %neg3A_1510, %broadcast_in_dim3A_4 : vector<16xi32>
    %select_n3A_1512 = arith.select %gt3A_1501, %add3A_1508, %neg3A_1511 : vector<16xi1>, vector<16xi32>
    %max3A_1513 = arith.maxsi %broadcast_in_dim3A_1463, %select_n3A_1512 : vector<16xi32>
    %gt3A_1514 = arith.constant 0 : i32
    %gt3A_1515 = vector.broadcast %gt3A_1514 : i32 to vector<16xi32>
    %gt3A_1516 = arith.cmpi sgt, %get3A_3, %gt3A_1515 : vector<16xi32>
    %eq3A_1517 = arith.cmpi eq, %gather3A_1441, %gather3A_1446 : vector<16xi32>
    %and3A_1518 = arith.andi %gt3A_1516, %eq3A_1517 : vector<16xi1>
    %select_n3A_1519 = arith.select %and3A_1518, %broadcast_in_dim3A_4, %broadcast_in_dim3A_6 : vector<16xi1>, vector<16xi32>
    %add3A_1520 = arith.addi %broadcast_in_dim3A_6, %select_n3A_1519 : vector<16xi32>
    %gt3A_1521 = arith.constant 1 : i32
    %gt3A_1522 = vector.broadcast %gt3A_1521 : i32 to vector<16xi32>
    %gt3A_1523 = arith.cmpi sgt, %get3A_3, %gt3A_1522 : vector<16xi32>
    %eq3A_1524 = arith.cmpi eq, %gather3A_1446, %gather3A_1446 : vector<16xi32>
    %and3A_1525 = arith.andi %gt3A_1523, %eq3A_1524 : vector<16xi1>
    %select_n3A_1526 = arith.select %and3A_1525, %broadcast_in_dim3A_4, %broadcast_in_dim3A_6 : vector<16xi1>, vector<16xi32>
    %add3A_1527 = arith.addi %add3A_1520, %select_n3A_1526 : vector<16xi32>
    %gt3A_1528 = arith.constant 2 : i32
    %gt3A_1529 = vector.broadcast %gt3A_1528 : i32 to vector<16xi32>
    %gt3A_1530 = arith.cmpi sgt, %get3A_3, %gt3A_1529 : vector<16xi32>
    %eq3A_1531 = arith.cmpi eq, %gather3A_1451, %gather3A_1446 : vector<16xi32>
    %and3A_1532 = arith.andi %gt3A_1530, %eq3A_1531 : vector<16xi1>
    %select_n3A_1533 = arith.select %and3A_1532, %broadcast_in_dim3A_4, %broadcast_in_dim3A_6 : vector<16xi1>, vector<16xi32>
    %add3A_1534 = arith.addi %add3A_1527, %select_n3A_1533 : vector<16xi32>
    %gt3A_1535 = arith.constant 3 : i32
    %gt3A_1536 = vector.broadcast %gt3A_1535 : i32 to vector<16xi32>
    %gt3A_1537 = arith.cmpi sgt, %get3A_3, %gt3A_1536 : vector<16xi32>
    %eq3A_1538 = arith.cmpi eq, %gather3A_1456, %gather3A_1446 : vector<16xi32>
    %and3A_1539 = arith.andi %gt3A_1537, %eq3A_1538 : vector<16xi1>
    %select_n3A_1540 = arith.select %and3A_1539, %broadcast_in_dim3A_4, %broadcast_in_dim3A_6 : vector<16xi1>, vector<16xi32>
    %add3A_1541 = arith.addi %add3A_1534, %select_n3A_1540 : vector<16xi32>
    %gt3A_1542 = arith.constant 4 : i32
    %gt3A_1543 = vector.broadcast %gt3A_1542 : i32 to vector<16xi32>
    %gt3A_1544 = arith.cmpi sgt, %get3A_3, %gt3A_1543 : vector<16xi32>
    %eq3A_1545 = arith.cmpi eq, %gather3A_1461, %gather3A_1446 : vector<16xi32>
    %and3A_1546 = arith.andi %gt3A_1544, %eq3A_1545 : vector<16xi1>
    %select_n3A_1547 = arith.select %and3A_1546, %broadcast_in_dim3A_4, %broadcast_in_dim3A_6 : vector<16xi1>, vector<16xi32>
    %add3A_1548 = arith.addi %add3A_1541, %select_n3A_1547 : vector<16xi32>
    %gt3A_1549 = arith.constant 1 : i32
    %gt3A_1550 = vector.broadcast %gt3A_1549 : i32 to vector<16xi32>
    %gt3A_1551 = arith.cmpi sgt, %get3A_3, %gt3A_1550 : vector<16xi32>
    %mul3A_1552 = arith.constant 1024 : i32
    %mul3A_1553 = vector.broadcast %mul3A_1552 : i32 to vector<16xi32>
    %mul3A_1554 = arith.muli %add3A_1548, %mul3A_1553 : vector<16xi32>
    %sub3A_1555 = arith.constant 1023 : i32
    %sub3A_1556 = vector.broadcast %sub3A_1555 : i32 to vector<16xi32>
    %sub3A_1557 = arith.subi %sub3A_1556, %gather3A_1446 : vector<16xi32>
    %add3A_1558 = arith.addi %mul3A_1554, %sub3A_1557 : vector<16xi32>
    %neg3A_1559 = arith.constant 0 : i32
    %neg3A_1560 = vector.broadcast %neg3A_1559 : i32 to vector<16xi32>
    %neg3A_1561 = arith.subi %neg3A_1560, %broadcast_in_dim3A_4 : vector<16xi32>
    %select_n3A_1562 = arith.select %gt3A_1551, %add3A_1558, %neg3A_1561 : vector<16xi1>, vector<16xi32>
    %max3A_1563 = arith.maxsi %max3A_1513, %select_n3A_1562 : vector<16xi32>
    %gt3A_1564 = arith.constant 0 : i32
    %gt3A_1565 = vector.broadcast %gt3A_1564 : i32 to vector<16xi32>
    %gt3A_1566 = arith.cmpi sgt, %get3A_3, %gt3A_1565 : vector<16xi32>
    %eq3A_1567 = arith.cmpi eq, %gather3A_1441, %gather3A_1451 : vector<16xi32>
    %and3A_1568 = arith.andi %gt3A_1566, %eq3A_1567 : vector<16xi1>
    %select_n3A_1569 = arith.select %and3A_1568, %broadcast_in_dim3A_4, %broadcast_in_dim3A_6 : vector<16xi1>, vector<16xi32>
    %add3A_1570 = arith.addi %broadcast_in_dim3A_6, %select_n3A_1569 : vector<16xi32>
    %gt3A_1571 = arith.constant 1 : i32
    %gt3A_1572 = vector.broadcast %gt3A_1571 : i32 to vector<16xi32>
    %gt3A_1573 = arith.cmpi sgt, %get3A_3, %gt3A_1572 : vector<16xi32>
    %eq3A_1574 = arith.cmpi eq, %gather3A_1446, %gather3A_1451 : vector<16xi32>
    %and3A_1575 = arith.andi %gt3A_1573, %eq3A_1574 : vector<16xi1>
    %select_n3A_1576 = arith.select %and3A_1575, %broadcast_in_dim3A_4, %broadcast_in_dim3A_6 : vector<16xi1>, vector<16xi32>
    %add3A_1577 = arith.addi %add3A_1570, %select_n3A_1576 : vector<16xi32>
    %gt3A_1578 = arith.constant 2 : i32
    %gt3A_1579 = vector.broadcast %gt3A_1578 : i32 to vector<16xi32>
    %gt3A_1580 = arith.cmpi sgt, %get3A_3, %gt3A_1579 : vector<16xi32>
    %eq3A_1581 = arith.cmpi eq, %gather3A_1451, %gather3A_1451 : vector<16xi32>
    %and3A_1582 = arith.andi %gt3A_1580, %eq3A_1581 : vector<16xi1>
    %select_n3A_1583 = arith.select %and3A_1582, %broadcast_in_dim3A_4, %broadcast_in_dim3A_6 : vector<16xi1>, vector<16xi32>
    %add3A_1584 = arith.addi %add3A_1577, %select_n3A_1583 : vector<16xi32>
    %gt3A_1585 = arith.constant 3 : i32
    %gt3A_1586 = vector.broadcast %gt3A_1585 : i32 to vector<16xi32>
    %gt3A_1587 = arith.cmpi sgt, %get3A_3, %gt3A_1586 : vector<16xi32>
    %eq3A_1588 = arith.cmpi eq, %gather3A_1456, %gather3A_1451 : vector<16xi32>
    %and3A_1589 = arith.andi %gt3A_1587, %eq3A_1588 : vector<16xi1>
    %select_n3A_1590 = arith.select %and3A_1589, %broadcast_in_dim3A_4, %broadcast_in_dim3A_6 : vector<16xi1>, vector<16xi32>
    %add3A_1591 = arith.addi %add3A_1584, %select_n3A_1590 : vector<16xi32>
    %gt3A_1592 = arith.constant 4 : i32
    %gt3A_1593 = vector.broadcast %gt3A_1592 : i32 to vector<16xi32>
    %gt3A_1594 = arith.cmpi sgt, %get3A_3, %gt3A_1593 : vector<16xi32>
    %eq3A_1595 = arith.cmpi eq, %gather3A_1461, %gather3A_1451 : vector<16xi32>
    %and3A_1596 = arith.andi %gt3A_1594, %eq3A_1595 : vector<16xi1>
    %select_n3A_1597 = arith.select %and3A_1596, %broadcast_in_dim3A_4, %broadcast_in_dim3A_6 : vector<16xi1>, vector<16xi32>
    %add3A_1598 = arith.addi %add3A_1591, %select_n3A_1597 : vector<16xi32>
    %gt3A_1599 = arith.constant 2 : i32
    %gt3A_1600 = vector.broadcast %gt3A_1599 : i32 to vector<16xi32>
    %gt3A_1601 = arith.cmpi sgt, %get3A_3, %gt3A_1600 : vector<16xi32>
    %mul3A_1602 = arith.constant 1024 : i32
    %mul3A_1603 = vector.broadcast %mul3A_1602 : i32 to vector<16xi32>
    %mul3A_1604 = arith.muli %add3A_1598, %mul3A_1603 : vector<16xi32>
    %sub3A_1605 = arith.constant 1023 : i32
    %sub3A_1606 = vector.broadcast %sub3A_1605 : i32 to vector<16xi32>
    %sub3A_1607 = arith.subi %sub3A_1606, %gather3A_1451 : vector<16xi32>
    %add3A_1608 = arith.addi %mul3A_1604, %sub3A_1607 : vector<16xi32>
    %neg3A_1609 = arith.constant 0 : i32
    %neg3A_1610 = vector.broadcast %neg3A_1609 : i32 to vector<16xi32>
    %neg3A_1611 = arith.subi %neg3A_1610, %broadcast_in_dim3A_4 : vector<16xi32>
    %select_n3A_1612 = arith.select %gt3A_1601, %add3A_1608, %neg3A_1611 : vector<16xi1>, vector<16xi32>
    %max3A_1613 = arith.maxsi %max3A_1563, %select_n3A_1612 : vector<16xi32>
    %gt3A_1614 = arith.constant 0 : i32
    %gt3A_1615 = vector.broadcast %gt3A_1614 : i32 to vector<16xi32>
    %gt3A_1616 = arith.cmpi sgt, %get3A_3, %gt3A_1615 : vector<16xi32>
    %eq3A_1617 = arith.cmpi eq, %gather3A_1441, %gather3A_1456 : vector<16xi32>
    %and3A_1618 = arith.andi %gt3A_1616, %eq3A_1617 : vector<16xi1>
    %select_n3A_1619 = arith.select %and3A_1618, %broadcast_in_dim3A_4, %broadcast_in_dim3A_6 : vector<16xi1>, vector<16xi32>
    %add3A_1620 = arith.addi %broadcast_in_dim3A_6, %select_n3A_1619 : vector<16xi32>
    %gt3A_1621 = arith.constant 1 : i32
    %gt3A_1622 = vector.broadcast %gt3A_1621 : i32 to vector<16xi32>
    %gt3A_1623 = arith.cmpi sgt, %get3A_3, %gt3A_1622 : vector<16xi32>
    %eq3A_1624 = arith.cmpi eq, %gather3A_1446, %gather3A_1456 : vector<16xi32>
    %and3A_1625 = arith.andi %gt3A_1623, %eq3A_1624 : vector<16xi1>
    %select_n3A_1626 = arith.select %and3A_1625, %broadcast_in_dim3A_4, %broadcast_in_dim3A_6 : vector<16xi1>, vector<16xi32>
    %add3A_1627 = arith.addi %add3A_1620, %select_n3A_1626 : vector<16xi32>
    %gt3A_1628 = arith.constant 2 : i32
    %gt3A_1629 = vector.broadcast %gt3A_1628 : i32 to vector<16xi32>
    %gt3A_1630 = arith.cmpi sgt, %get3A_3, %gt3A_1629 : vector<16xi32>
    %eq3A_1631 = arith.cmpi eq, %gather3A_1451, %gather3A_1456 : vector<16xi32>
    %and3A_1632 = arith.andi %gt3A_1630, %eq3A_1631 : vector<16xi1>
    %select_n3A_1633 = arith.select %and3A_1632, %broadcast_in_dim3A_4, %broadcast_in_dim3A_6 : vector<16xi1>, vector<16xi32>
    %add3A_1634 = arith.addi %add3A_1627, %select_n3A_1633 : vector<16xi32>
    %gt3A_1635 = arith.constant 3 : i32
    %gt3A_1636 = vector.broadcast %gt3A_1635 : i32 to vector<16xi32>
    %gt3A_1637 = arith.cmpi sgt, %get3A_3, %gt3A_1636 : vector<16xi32>
    %eq3A_1638 = arith.cmpi eq, %gather3A_1456, %gather3A_1456 : vector<16xi32>
    %and3A_1639 = arith.andi %gt3A_1637, %eq3A_1638 : vector<16xi1>
    %select_n3A_1640 = arith.select %and3A_1639, %broadcast_in_dim3A_4, %broadcast_in_dim3A_6 : vector<16xi1>, vector<16xi32>
    %add3A_1641 = arith.addi %add3A_1634, %select_n3A_1640 : vector<16xi32>
    %gt3A_1642 = arith.constant 4 : i32
    %gt3A_1643 = vector.broadcast %gt3A_1642 : i32 to vector<16xi32>
    %gt3A_1644 = arith.cmpi sgt, %get3A_3, %gt3A_1643 : vector<16xi32>
    %eq3A_1645 = arith.cmpi eq, %gather3A_1461, %gather3A_1456 : vector<16xi32>
    %and3A_1646 = arith.andi %gt3A_1644, %eq3A_1645 : vector<16xi1>
    %select_n3A_1647 = arith.select %and3A_1646, %broadcast_in_dim3A_4, %broadcast_in_dim3A_6 : vector<16xi1>, vector<16xi32>
    %add3A_1648 = arith.addi %add3A_1641, %select_n3A_1647 : vector<16xi32>
    %gt3A_1649 = arith.constant 3 : i32
    %gt3A_1650 = vector.broadcast %gt3A_1649 : i32 to vector<16xi32>
    %gt3A_1651 = arith.cmpi sgt, %get3A_3, %gt3A_1650 : vector<16xi32>
    %mul3A_1652 = arith.constant 1024 : i32
    %mul3A_1653 = vector.broadcast %mul3A_1652 : i32 to vector<16xi32>
    %mul3A_1654 = arith.muli %add3A_1648, %mul3A_1653 : vector<16xi32>
    %sub3A_1655 = arith.constant 1023 : i32
    %sub3A_1656 = vector.broadcast %sub3A_1655 : i32 to vector<16xi32>
    %sub3A_1657 = arith.subi %sub3A_1656, %gather3A_1456 : vector<16xi32>
    %add3A_1658 = arith.addi %mul3A_1654, %sub3A_1657 : vector<16xi32>
    %neg3A_1659 = arith.constant 0 : i32
    %neg3A_1660 = vector.broadcast %neg3A_1659 : i32 to vector<16xi32>
    %neg3A_1661 = arith.subi %neg3A_1660, %broadcast_in_dim3A_4 : vector<16xi32>
    %select_n3A_1662 = arith.select %gt3A_1651, %add3A_1658, %neg3A_1661 : vector<16xi1>, vector<16xi32>
    %max3A_1663 = arith.maxsi %max3A_1613, %select_n3A_1662 : vector<16xi32>
    %gt3A_1664 = arith.constant 0 : i32
    %gt3A_1665 = vector.broadcast %gt3A_1664 : i32 to vector<16xi32>
    %gt3A_1666 = arith.cmpi sgt, %get3A_3, %gt3A_1665 : vector<16xi32>
    %eq3A_1667 = arith.cmpi eq, %gather3A_1441, %gather3A_1461 : vector<16xi32>
    %and3A_1668 = arith.andi %gt3A_1666, %eq3A_1667 : vector<16xi1>
    %select_n3A_1669 = arith.select %and3A_1668, %broadcast_in_dim3A_4, %broadcast_in_dim3A_6 : vector<16xi1>, vector<16xi32>
    %add3A_1670 = arith.addi %broadcast_in_dim3A_6, %select_n3A_1669 : vector<16xi32>
    %gt3A_1671 = arith.constant 1 : i32
    %gt3A_1672 = vector.broadcast %gt3A_1671 : i32 to vector<16xi32>
    %gt3A_1673 = arith.cmpi sgt, %get3A_3, %gt3A_1672 : vector<16xi32>
    %eq3A_1674 = arith.cmpi eq, %gather3A_1446, %gather3A_1461 : vector<16xi32>
    %and3A_1675 = arith.andi %gt3A_1673, %eq3A_1674 : vector<16xi1>
    %select_n3A_1676 = arith.select %and3A_1675, %broadcast_in_dim3A_4, %broadcast_in_dim3A_6 : vector<16xi1>, vector<16xi32>
    %add3A_1677 = arith.addi %add3A_1670, %select_n3A_1676 : vector<16xi32>
    %gt3A_1678 = arith.constant 2 : i32
    %gt3A_1679 = vector.broadcast %gt3A_1678 : i32 to vector<16xi32>
    %gt3A_1680 = arith.cmpi sgt, %get3A_3, %gt3A_1679 : vector<16xi32>
    %eq3A_1681 = arith.cmpi eq, %gather3A_1451, %gather3A_1461 : vector<16xi32>
    %and3A_1682 = arith.andi %gt3A_1680, %eq3A_1681 : vector<16xi1>
    %select_n3A_1683 = arith.select %and3A_1682, %broadcast_in_dim3A_4, %broadcast_in_dim3A_6 : vector<16xi1>, vector<16xi32>
    %add3A_1684 = arith.addi %add3A_1677, %select_n3A_1683 : vector<16xi32>
    %gt3A_1685 = arith.constant 3 : i32
    %gt3A_1686 = vector.broadcast %gt3A_1685 : i32 to vector<16xi32>
    %gt3A_1687 = arith.cmpi sgt, %get3A_3, %gt3A_1686 : vector<16xi32>
    %eq3A_1688 = arith.cmpi eq, %gather3A_1456, %gather3A_1461 : vector<16xi32>
    %and3A_1689 = arith.andi %gt3A_1687, %eq3A_1688 : vector<16xi1>
    %select_n3A_1690 = arith.select %and3A_1689, %broadcast_in_dim3A_4, %broadcast_in_dim3A_6 : vector<16xi1>, vector<16xi32>
    %add3A_1691 = arith.addi %add3A_1684, %select_n3A_1690 : vector<16xi32>
    %gt3A_1692 = arith.constant 4 : i32
    %gt3A_1693 = vector.broadcast %gt3A_1692 : i32 to vector<16xi32>
    %gt3A_1694 = arith.cmpi sgt, %get3A_3, %gt3A_1693 : vector<16xi32>
    %eq3A_1695 = arith.cmpi eq, %gather3A_1461, %gather3A_1461 : vector<16xi32>
    %and3A_1696 = arith.andi %gt3A_1694, %eq3A_1695 : vector<16xi1>
    %select_n3A_1697 = arith.select %and3A_1696, %broadcast_in_dim3A_4, %broadcast_in_dim3A_6 : vector<16xi1>, vector<16xi32>
    %add3A_1698 = arith.addi %add3A_1691, %select_n3A_1697 : vector<16xi32>
    %gt3A_1699 = arith.constant 4 : i32
    %gt3A_1700 = vector.broadcast %gt3A_1699 : i32 to vector<16xi32>
    %gt3A_1701 = arith.cmpi sgt, %get3A_3, %gt3A_1700 : vector<16xi32>
    %mul3A_1702 = arith.constant 1024 : i32
    %mul3A_1703 = vector.broadcast %mul3A_1702 : i32 to vector<16xi32>
    %mul3A_1704 = arith.muli %add3A_1698, %mul3A_1703 : vector<16xi32>
    %sub3A_1705 = arith.constant 1023 : i32
    %sub3A_1706 = vector.broadcast %sub3A_1705 : i32 to vector<16xi32>
    %sub3A_1707 = arith.subi %sub3A_1706, %gather3A_1461 : vector<16xi32>
    %add3A_1708 = arith.addi %mul3A_1704, %sub3A_1707 : vector<16xi32>
    %neg3A_1709 = arith.constant 0 : i32
    %neg3A_1710 = vector.broadcast %neg3A_1709 : i32 to vector<16xi32>
    %neg3A_1711 = arith.subi %neg3A_1710, %broadcast_in_dim3A_4 : vector<16xi32>
    %select_n3A_1712 = arith.select %gt3A_1701, %add3A_1708, %neg3A_1711 : vector<16xi1>, vector<16xi32>
    %max3A_1713 = arith.maxsi %max3A_1663, %select_n3A_1712 : vector<16xi32>
    %mul3A_1714 = arith.constant 1024 : i32
    %mul3A_1715 = vector.broadcast %mul3A_1714 : i32 to vector<16xi32>
    %mul3A_1716 = arith.muli %mul3A_1715, %broadcast_in_dim3A_4 : vector<16xi32>
    %sub3A_1717 = arith.subi %mul3A_1716, %broadcast_in_dim3A_4 : vector<16xi32>
    %and3A_1718 = arith.andi %max3A_1713, %sub3A_1717 : vector<16xi32>
    %sub3A_1719 = arith.constant 1023 : i32
    %sub3A_1720 = vector.broadcast %sub3A_1719 : i32 to vector<16xi32>
    %sub3A_1721 = arith.subi %sub3A_1720, %and3A_1718 : vector<16xi32>
    %convert_element_type3A_1722 = arith.sitofp %sub3A_1721 : vector<16xi32> to vector<16xf32>
    %swap3A_1723 = arith.constant 80 : index
    %swap3A_1724 = tpu.vector_load %arg9[%swap3A_1723] {strides = array<i32>} : memref<128xf32, #tpu.memory_space<vmem>>, vector<16xf32>,
    tpu.vector_store %arg9[%swap3A_1723], %convert_element_type3A_1722 {strides = array<i32>} : memref<128xf32, #tpu.memory_space<vmem>>, vector<16xf32>,
    %get3A_1725 = arith.constant 0 : i32
    %get3A_1726 = arith.index_cast %get3A_1725 : i32 to index
    %get3A_1727 = arith.constant 96 : index
    %get3A_1728 = tpu.vector_load %arg6[%get3A_1726, %get3A_1727] {strides = array<i32>} : memref<5x128xi32, #tpu.memory_space<vmem>>, vector<16xi32>,
    %gather3A_1729 = tpu.vector_load_idx %arg7[%get3A_1728] : memref<16384xi32, #tpu.memory_space<vmem>>[vector<16xi32>], vector<16xi32>,
    %get3A_1730 = arith.constant 1 : i32
    %get3A_1731 = arith.index_cast %get3A_1730 : i32 to index
    %get3A_1732 = arith.constant 96 : index
    %get3A_1733 = tpu.vector_load %arg6[%get3A_1731, %get3A_1732] {strides = array<i32>} : memref<5x128xi32, #tpu.memory_space<vmem>>, vector<16xi32>,
    %gather3A_1734 = tpu.vector_load_idx %arg7[%get3A_1733] : memref<16384xi32, #tpu.memory_space<vmem>>[vector<16xi32>], vector<16xi32>,
    %get3A_1735 = arith.constant 2 : i32
    %get3A_1736 = arith.index_cast %get3A_1735 : i32 to index
    %get3A_1737 = arith.constant 96 : index
    %get3A_1738 = tpu.vector_load %arg6[%get3A_1736, %get3A_1737] {strides = array<i32>} : memref<5x128xi32, #tpu.memory_space<vmem>>, vector<16xi32>,
    %gather3A_1739 = tpu.vector_load_idx %arg7[%get3A_1738] : memref<16384xi32, #tpu.memory_space<vmem>>[vector<16xi32>], vector<16xi32>,
    %get3A_1740 = arith.constant 3 : i32
    %get3A_1741 = arith.index_cast %get3A_1740 : i32 to index
    %get3A_1742 = arith.constant 96 : index
    %get3A_1743 = tpu.vector_load %arg6[%get3A_1741, %get3A_1742] {strides = array<i32>} : memref<5x128xi32, #tpu.memory_space<vmem>>, vector<16xi32>,
    %gather3A_1744 = tpu.vector_load_idx %arg7[%get3A_1743] : memref<16384xi32, #tpu.memory_space<vmem>>[vector<16xi32>], vector<16xi32>,
    %get3A_1745 = arith.constant 4 : i32
    %get3A_1746 = arith.index_cast %get3A_1745 : i32 to index
    %get3A_1747 = arith.constant 96 : index
    %get3A_1748 = tpu.vector_load %arg6[%get3A_1746, %get3A_1747] {strides = array<i32>} : memref<5x128xi32, #tpu.memory_space<vmem>>, vector<16xi32>,
    %gather3A_1749 = tpu.vector_load_idx %arg7[%get3A_1748] : memref<16384xi32, #tpu.memory_space<vmem>>[vector<16xi32>], vector<16xi32>,
    %broadcast_in_dim3A_1750 = arith.constant -1 : i32
    %broadcast_in_dim3A_1751 = vector.broadcast %broadcast_in_dim3A_1750 : i32 to vector<16xi32>
    %gt3A_1752 = arith.constant 0 : i32
    %gt3A_1753 = vector.broadcast %gt3A_1752 : i32 to vector<16xi32>
    %gt3A_1754 = arith.cmpi sgt, %get3A_3, %gt3A_1753 : vector<16xi32>
    %eq3A_1755 = arith.cmpi eq, %gather3A_1729, %gather3A_1729 : vector<16xi32>
    %and3A_1756 = arith.andi %gt3A_1754, %eq3A_1755 : vector<16xi1>
    %select_n3A_1757 = arith.select %and3A_1756, %broadcast_in_dim3A_4, %broadcast_in_dim3A_6 : vector<16xi1>, vector<16xi32>
    %add3A_1758 = arith.addi %broadcast_in_dim3A_6, %select_n3A_1757 : vector<16xi32>
    %gt3A_1759 = arith.constant 1 : i32
    %gt3A_1760 = vector.broadcast %gt3A_1759 : i32 to vector<16xi32>
    %gt3A_1761 = arith.cmpi sgt, %get3A_3, %gt3A_1760 : vector<16xi32>
    %eq3A_1762 = arith.cmpi eq, %gather3A_1734, %gather3A_1729 : vector<16xi32>
    %and3A_1763 = arith.andi %gt3A_1761, %eq3A_1762 : vector<16xi1>
    %select_n3A_1764 = arith.select %and3A_1763, %broadcast_in_dim3A_4, %broadcast_in_dim3A_6 : vector<16xi1>, vector<16xi32>
    %add3A_1765 = arith.addi %add3A_1758, %select_n3A_1764 : vector<16xi32>
    %gt3A_1766 = arith.constant 2 : i32
    %gt3A_1767 = vector.broadcast %gt3A_1766 : i32 to vector<16xi32>
    %gt3A_1768 = arith.cmpi sgt, %get3A_3, %gt3A_1767 : vector<16xi32>
    %eq3A_1769 = arith.cmpi eq, %gather3A_1739, %gather3A_1729 : vector<16xi32>
    %and3A_1770 = arith.andi %gt3A_1768, %eq3A_1769 : vector<16xi1>
    %select_n3A_1771 = arith.select %and3A_1770, %broadcast_in_dim3A_4, %broadcast_in_dim3A_6 : vector<16xi1>, vector<16xi32>
    %add3A_1772 = arith.addi %add3A_1765, %select_n3A_1771 : vector<16xi32>
    %gt3A_1773 = arith.constant 3 : i32
    %gt3A_1774 = vector.broadcast %gt3A_1773 : i32 to vector<16xi32>
    %gt3A_1775 = arith.cmpi sgt, %get3A_3, %gt3A_1774 : vector<16xi32>
    %eq3A_1776 = arith.cmpi eq, %gather3A_1744, %gather3A_1729 : vector<16xi32>
    %and3A_1777 = arith.andi %gt3A_1775, %eq3A_1776 : vector<16xi1>
    %select_n3A_1778 = arith.select %and3A_1777, %broadcast_in_dim3A_4, %broadcast_in_dim3A_6 : vector<16xi1>, vector<16xi32>
    %add3A_1779 = arith.addi %add3A_1772, %select_n3A_1778 : vector<16xi32>
    %gt3A_1780 = arith.constant 4 : i32
    %gt3A_1781 = vector.broadcast %gt3A_1780 : i32 to vector<16xi32>
    %gt3A_1782 = arith.cmpi sgt, %get3A_3, %gt3A_1781 : vector<16xi32>
    %eq3A_1783 = arith.cmpi eq, %gather3A_1749, %gather3A_1729 : vector<16xi32>
    %and3A_1784 = arith.andi %gt3A_1782, %eq3A_1783 : vector<16xi1>
    %select_n3A_1785 = arith.select %and3A_1784, %broadcast_in_dim3A_4, %broadcast_in_dim3A_6 : vector<16xi1>, vector<16xi32>
    %add3A_1786 = arith.addi %add3A_1779, %select_n3A_1785 : vector<16xi32>
    %gt3A_1787 = arith.constant 0 : i32
    %gt3A_1788 = vector.broadcast %gt3A_1787 : i32 to vector<16xi32>
    %gt3A_1789 = arith.cmpi sgt, %get3A_3, %gt3A_1788 : vector<16xi32>
    %mul3A_1790 = arith.constant 1024 : i32
    %mul3A_1791 = vector.broadcast %mul3A_1790 : i32 to vector<16xi32>
    %mul3A_1792 = arith.muli %add3A_1786, %mul3A_1791 : vector<16xi32>
    %sub3A_1793 = arith.constant 1023 : i32
    %sub3A_1794 = vector.broadcast %sub3A_1793 : i32 to vector<16xi32>
    %sub3A_1795 = arith.subi %sub3A_1794, %gather3A_1729 : vector<16xi32>
    %add3A_1796 = arith.addi %mul3A_1792, %sub3A_1795 : vector<16xi32>
    %neg3A_1797 = arith.constant 0 : i32
    %neg3A_1798 = vector.broadcast %neg3A_1797 : i32 to vector<16xi32>
    %neg3A_1799 = arith.subi %neg3A_1798, %broadcast_in_dim3A_4 : vector<16xi32>
    %select_n3A_1800 = arith.select %gt3A_1789, %add3A_1796, %neg3A_1799 : vector<16xi1>, vector<16xi32>
    %max3A_1801 = arith.maxsi %broadcast_in_dim3A_1751, %select_n3A_1800 : vector<16xi32>
    %gt3A_1802 = arith.constant 0 : i32
    %gt3A_1803 = vector.broadcast %gt3A_1802 : i32 to vector<16xi32>
    %gt3A_1804 = arith.cmpi sgt, %get3A_3, %gt3A_1803 : vector<16xi32>
    %eq3A_1805 = arith.cmpi eq, %gather3A_1729, %gather3A_1734 : vector<16xi32>
    %and3A_1806 = arith.andi %gt3A_1804, %eq3A_1805 : vector<16xi1>
    %select_n3A_1807 = arith.select %and3A_1806, %broadcast_in_dim3A_4, %broadcast_in_dim3A_6 : vector<16xi1>, vector<16xi32>
    %add3A_1808 = arith.addi %broadcast_in_dim3A_6, %select_n3A_1807 : vector<16xi32>
    %gt3A_1809 = arith.constant 1 : i32
    %gt3A_1810 = vector.broadcast %gt3A_1809 : i32 to vector<16xi32>
    %gt3A_1811 = arith.cmpi sgt, %get3A_3, %gt3A_1810 : vector<16xi32>
    %eq3A_1812 = arith.cmpi eq, %gather3A_1734, %gather3A_1734 : vector<16xi32>
    %and3A_1813 = arith.andi %gt3A_1811, %eq3A_1812 : vector<16xi1>
    %select_n3A_1814 = arith.select %and3A_1813, %broadcast_in_dim3A_4, %broadcast_in_dim3A_6 : vector<16xi1>, vector<16xi32>
    %add3A_1815 = arith.addi %add3A_1808, %select_n3A_1814 : vector<16xi32>
    %gt3A_1816 = arith.constant 2 : i32
    %gt3A_1817 = vector.broadcast %gt3A_1816 : i32 to vector<16xi32>
    %gt3A_1818 = arith.cmpi sgt, %get3A_3, %gt3A_1817 : vector<16xi32>
    %eq3A_1819 = arith.cmpi eq, %gather3A_1739, %gather3A_1734 : vector<16xi32>
    %and3A_1820 = arith.andi %gt3A_1818, %eq3A_1819 : vector<16xi1>
    %select_n3A_1821 = arith.select %and3A_1820, %broadcast_in_dim3A_4, %broadcast_in_dim3A_6 : vector<16xi1>, vector<16xi32>
    %add3A_1822 = arith.addi %add3A_1815, %select_n3A_1821 : vector<16xi32>
    %gt3A_1823 = arith.constant 3 : i32
    %gt3A_1824 = vector.broadcast %gt3A_1823 : i32 to vector<16xi32>
    %gt3A_1825 = arith.cmpi sgt, %get3A_3, %gt3A_1824 : vector<16xi32>
    %eq3A_1826 = arith.cmpi eq, %gather3A_1744, %gather3A_1734 : vector<16xi32>
    %and3A_1827 = arith.andi %gt3A_1825, %eq3A_1826 : vector<16xi1>
    %select_n3A_1828 = arith.select %and3A_1827, %broadcast_in_dim3A_4, %broadcast_in_dim3A_6 : vector<16xi1>, vector<16xi32>
    %add3A_1829 = arith.addi %add3A_1822, %select_n3A_1828 : vector<16xi32>
    %gt3A_1830 = arith.constant 4 : i32
    %gt3A_1831 = vector.broadcast %gt3A_1830 : i32 to vector<16xi32>
    %gt3A_1832 = arith.cmpi sgt, %get3A_3, %gt3A_1831 : vector<16xi32>
    %eq3A_1833 = arith.cmpi eq, %gather3A_1749, %gather3A_1734 : vector<16xi32>
    %and3A_1834 = arith.andi %gt3A_1832, %eq3A_1833 : vector<16xi1>
    %select_n3A_1835 = arith.select %and3A_1834, %broadcast_in_dim3A_4, %broadcast_in_dim3A_6 : vector<16xi1>, vector<16xi32>
    %add3A_1836 = arith.addi %add3A_1829, %select_n3A_1835 : vector<16xi32>
    %gt3A_1837 = arith.constant 1 : i32
    %gt3A_1838 = vector.broadcast %gt3A_1837 : i32 to vector<16xi32>
    %gt3A_1839 = arith.cmpi sgt, %get3A_3, %gt3A_1838 : vector<16xi32>
    %mul3A_1840 = arith.constant 1024 : i32
    %mul3A_1841 = vector.broadcast %mul3A_1840 : i32 to vector<16xi32>
    %mul3A_1842 = arith.muli %add3A_1836, %mul3A_1841 : vector<16xi32>
    %sub3A_1843 = arith.constant 1023 : i32
    %sub3A_1844 = vector.broadcast %sub3A_1843 : i32 to vector<16xi32>
    %sub3A_1845 = arith.subi %sub3A_1844, %gather3A_1734 : vector<16xi32>
    %add3A_1846 = arith.addi %mul3A_1842, %sub3A_1845 : vector<16xi32>
    %neg3A_1847 = arith.constant 0 : i32
    %neg3A_1848 = vector.broadcast %neg3A_1847 : i32 to vector<16xi32>
    %neg3A_1849 = arith.subi %neg3A_1848, %broadcast_in_dim3A_4 : vector<16xi32>
    %select_n3A_1850 = arith.select %gt3A_1839, %add3A_1846, %neg3A_1849 : vector<16xi1>, vector<16xi32>
    %max3A_1851 = arith.maxsi %max3A_1801, %select_n3A_1850 : vector<16xi32>
    %gt3A_1852 = arith.constant 0 : i32
    %gt3A_1853 = vector.broadcast %gt3A_1852 : i32 to vector<16xi32>
    %gt3A_1854 = arith.cmpi sgt, %get3A_3, %gt3A_1853 : vector<16xi32>
    %eq3A_1855 = arith.cmpi eq, %gather3A_1729, %gather3A_1739 : vector<16xi32>
    %and3A_1856 = arith.andi %gt3A_1854, %eq3A_1855 : vector<16xi1>
    %select_n3A_1857 = arith.select %and3A_1856, %broadcast_in_dim3A_4, %broadcast_in_dim3A_6 : vector<16xi1>, vector<16xi32>
    %add3A_1858 = arith.addi %broadcast_in_dim3A_6, %select_n3A_1857 : vector<16xi32>
    %gt3A_1859 = arith.constant 1 : i32
    %gt3A_1860 = vector.broadcast %gt3A_1859 : i32 to vector<16xi32>
    %gt3A_1861 = arith.cmpi sgt, %get3A_3, %gt3A_1860 : vector<16xi32>
    %eq3A_1862 = arith.cmpi eq, %gather3A_1734, %gather3A_1739 : vector<16xi32>
    %and3A_1863 = arith.andi %gt3A_1861, %eq3A_1862 : vector<16xi1>
    %select_n3A_1864 = arith.select %and3A_1863, %broadcast_in_dim3A_4, %broadcast_in_dim3A_6 : vector<16xi1>, vector<16xi32>
    %add3A_1865 = arith.addi %add3A_1858, %select_n3A_1864 : vector<16xi32>
    %gt3A_1866 = arith.constant 2 : i32
    %gt3A_1867 = vector.broadcast %gt3A_1866 : i32 to vector<16xi32>
    %gt3A_1868 = arith.cmpi sgt, %get3A_3, %gt3A_1867 : vector<16xi32>
    %eq3A_1869 = arith.cmpi eq, %gather3A_1739, %gather3A_1739 : vector<16xi32>
    %and3A_1870 = arith.andi %gt3A_1868, %eq3A_1869 : vector<16xi1>
    %select_n3A_1871 = arith.select %and3A_1870, %broadcast_in_dim3A_4, %broadcast_in_dim3A_6 : vector<16xi1>, vector<16xi32>
    %add3A_1872 = arith.addi %add3A_1865, %select_n3A_1871 : vector<16xi32>
    %gt3A_1873 = arith.constant 3 : i32
    %gt3A_1874 = vector.broadcast %gt3A_1873 : i32 to vector<16xi32>
    %gt3A_1875 = arith.cmpi sgt, %get3A_3, %gt3A_1874 : vector<16xi32>
    %eq3A_1876 = arith.cmpi eq, %gather3A_1744, %gather3A_1739 : vector<16xi32>
    %and3A_1877 = arith.andi %gt3A_1875, %eq3A_1876 : vector<16xi1>
    %select_n3A_1878 = arith.select %and3A_1877, %broadcast_in_dim3A_4, %broadcast_in_dim3A_6 : vector<16xi1>, vector<16xi32>
    %add3A_1879 = arith.addi %add3A_1872, %select_n3A_1878 : vector<16xi32>
    %gt3A_1880 = arith.constant 4 : i32
    %gt3A_1881 = vector.broadcast %gt3A_1880 : i32 to vector<16xi32>
    %gt3A_1882 = arith.cmpi sgt, %get3A_3, %gt3A_1881 : vector<16xi32>
    %eq3A_1883 = arith.cmpi eq, %gather3A_1749, %gather3A_1739 : vector<16xi32>
    %and3A_1884 = arith.andi %gt3A_1882, %eq3A_1883 : vector<16xi1>
    %select_n3A_1885 = arith.select %and3A_1884, %broadcast_in_dim3A_4, %broadcast_in_dim3A_6 : vector<16xi1>, vector<16xi32>
    %add3A_1886 = arith.addi %add3A_1879, %select_n3A_1885 : vector<16xi32>
    %gt3A_1887 = arith.constant 2 : i32
    %gt3A_1888 = vector.broadcast %gt3A_1887 : i32 to vector<16xi32>
    %gt3A_1889 = arith.cmpi sgt, %get3A_3, %gt3A_1888 : vector<16xi32>
    %mul3A_1890 = arith.constant 1024 : i32
    %mul3A_1891 = vector.broadcast %mul3A_1890 : i32 to vector<16xi32>
    %mul3A_1892 = arith.muli %add3A_1886, %mul3A_1891 : vector<16xi32>
    %sub3A_1893 = arith.constant 1023 : i32
    %sub3A_1894 = vector.broadcast %sub3A_1893 : i32 to vector<16xi32>
    %sub3A_1895 = arith.subi %sub3A_1894, %gather3A_1739 : vector<16xi32>
    %add3A_1896 = arith.addi %mul3A_1892, %sub3A_1895 : vector<16xi32>
    %neg3A_1897 = arith.constant 0 : i32
    %neg3A_1898 = vector.broadcast %neg3A_1897 : i32 to vector<16xi32>
    %neg3A_1899 = arith.subi %neg3A_1898, %broadcast_in_dim3A_4 : vector<16xi32>
    %select_n3A_1900 = arith.select %gt3A_1889, %add3A_1896, %neg3A_1899 : vector<16xi1>, vector<16xi32>
    %max3A_1901 = arith.maxsi %max3A_1851, %select_n3A_1900 : vector<16xi32>
    %gt3A_1902 = arith.constant 0 : i32
    %gt3A_1903 = vector.broadcast %gt3A_1902 : i32 to vector<16xi32>
    %gt3A_1904 = arith.cmpi sgt, %get3A_3, %gt3A_1903 : vector<16xi32>
    %eq3A_1905 = arith.cmpi eq, %gather3A_1729, %gather3A_1744 : vector<16xi32>
    %and3A_1906 = arith.andi %gt3A_1904, %eq3A_1905 : vector<16xi1>
    %select_n3A_1907 = arith.select %and3A_1906, %broadcast_in_dim3A_4, %broadcast_in_dim3A_6 : vector<16xi1>, vector<16xi32>
    %add3A_1908 = arith.addi %broadcast_in_dim3A_6, %select_n3A_1907 : vector<16xi32>
    %gt3A_1909 = arith.constant 1 : i32
    %gt3A_1910 = vector.broadcast %gt3A_1909 : i32 to vector<16xi32>
    %gt3A_1911 = arith.cmpi sgt, %get3A_3, %gt3A_1910 : vector<16xi32>
    %eq3A_1912 = arith.cmpi eq, %gather3A_1734, %gather3A_1744 : vector<16xi32>
    %and3A_1913 = arith.andi %gt3A_1911, %eq3A_1912 : vector<16xi1>
    %select_n3A_1914 = arith.select %and3A_1913, %broadcast_in_dim3A_4, %broadcast_in_dim3A_6 : vector<16xi1>, vector<16xi32>
    %add3A_1915 = arith.addi %add3A_1908, %select_n3A_1914 : vector<16xi32>
    %gt3A_1916 = arith.constant 2 : i32
    %gt3A_1917 = vector.broadcast %gt3A_1916 : i32 to vector<16xi32>
    %gt3A_1918 = arith.cmpi sgt, %get3A_3, %gt3A_1917 : vector<16xi32>
    %eq3A_1919 = arith.cmpi eq, %gather3A_1739, %gather3A_1744 : vector<16xi32>
    %and3A_1920 = arith.andi %gt3A_1918, %eq3A_1919 : vector<16xi1>
    %select_n3A_1921 = arith.select %and3A_1920, %broadcast_in_dim3A_4, %broadcast_in_dim3A_6 : vector<16xi1>, vector<16xi32>
    %add3A_1922 = arith.addi %add3A_1915, %select_n3A_1921 : vector<16xi32>
    %gt3A_1923 = arith.constant 3 : i32
    %gt3A_1924 = vector.broadcast %gt3A_1923 : i32 to vector<16xi32>
    %gt3A_1925 = arith.cmpi sgt, %get3A_3, %gt3A_1924 : vector<16xi32>
    %eq3A_1926 = arith.cmpi eq, %gather3A_1744, %gather3A_1744 : vector<16xi32>
    %and3A_1927 = arith.andi %gt3A_1925, %eq3A_1926 : vector<16xi1>
    %select_n3A_1928 = arith.select %and3A_1927, %broadcast_in_dim3A_4, %broadcast_in_dim3A_6 : vector<16xi1>, vector<16xi32>
    %add3A_1929 = arith.addi %add3A_1922, %select_n3A_1928 : vector<16xi32>
    %gt3A_1930 = arith.constant 4 : i32
    %gt3A_1931 = vector.broadcast %gt3A_1930 : i32 to vector<16xi32>
    %gt3A_1932 = arith.cmpi sgt, %get3A_3, %gt3A_1931 : vector<16xi32>
    %eq3A_1933 = arith.cmpi eq, %gather3A_1749, %gather3A_1744 : vector<16xi32>
    %and3A_1934 = arith.andi %gt3A_1932, %eq3A_1933 : vector<16xi1>
    %select_n3A_1935 = arith.select %and3A_1934, %broadcast_in_dim3A_4, %broadcast_in_dim3A_6 : vector<16xi1>, vector<16xi32>
    %add3A_1936 = arith.addi %add3A_1929, %select_n3A_1935 : vector<16xi32>
    %gt3A_1937 = arith.constant 3 : i32
    %gt3A_1938 = vector.broadcast %gt3A_1937 : i32 to vector<16xi32>
    %gt3A_1939 = arith.cmpi sgt, %get3A_3, %gt3A_1938 : vector<16xi32>
    %mul3A_1940 = arith.constant 1024 : i32
    %mul3A_1941 = vector.broadcast %mul3A_1940 : i32 to vector<16xi32>
    %mul3A_1942 = arith.muli %add3A_1936, %mul3A_1941 : vector<16xi32>
    %sub3A_1943 = arith.constant 1023 : i32
    %sub3A_1944 = vector.broadcast %sub3A_1943 : i32 to vector<16xi32>
    %sub3A_1945 = arith.subi %sub3A_1944, %gather3A_1744 : vector<16xi32>
    %add3A_1946 = arith.addi %mul3A_1942, %sub3A_1945 : vector<16xi32>
    %neg3A_1947 = arith.constant 0 : i32
    %neg3A_1948 = vector.broadcast %neg3A_1947 : i32 to vector<16xi32>
    %neg3A_1949 = arith.subi %neg3A_1948, %broadcast_in_dim3A_4 : vector<16xi32>
    %select_n3A_1950 = arith.select %gt3A_1939, %add3A_1946, %neg3A_1949 : vector<16xi1>, vector<16xi32>
    %max3A_1951 = arith.maxsi %max3A_1901, %select_n3A_1950 : vector<16xi32>
    %gt3A_1952 = arith.constant 0 : i32
    %gt3A_1953 = vector.broadcast %gt3A_1952 : i32 to vector<16xi32>
    %gt3A_1954 = arith.cmpi sgt, %get3A_3, %gt3A_1953 : vector<16xi32>
    %eq3A_1955 = arith.cmpi eq, %gather3A_1729, %gather3A_1749 : vector<16xi32>
    %and3A_1956 = arith.andi %gt3A_1954, %eq3A_1955 : vector<16xi1>
    %select_n3A_1957 = arith.select %and3A_1956, %broadcast_in_dim3A_4, %broadcast_in_dim3A_6 : vector<16xi1>, vector<16xi32>
    %add3A_1958 = arith.addi %broadcast_in_dim3A_6, %select_n3A_1957 : vector<16xi32>
    %gt3A_1959 = arith.constant 1 : i32
    %gt3A_1960 = vector.broadcast %gt3A_1959 : i32 to vector<16xi32>
    %gt3A_1961 = arith.cmpi sgt, %get3A_3, %gt3A_1960 : vector<16xi32>
    %eq3A_1962 = arith.cmpi eq, %gather3A_1734, %gather3A_1749 : vector<16xi32>
    %and3A_1963 = arith.andi %gt3A_1961, %eq3A_1962 : vector<16xi1>
    %select_n3A_1964 = arith.select %and3A_1963, %broadcast_in_dim3A_4, %broadcast_in_dim3A_6 : vector<16xi1>, vector<16xi32>
    %add3A_1965 = arith.addi %add3A_1958, %select_n3A_1964 : vector<16xi32>
    %gt3A_1966 = arith.constant 2 : i32
    %gt3A_1967 = vector.broadcast %gt3A_1966 : i32 to vector<16xi32>
    %gt3A_1968 = arith.cmpi sgt, %get3A_3, %gt3A_1967 : vector<16xi32>
    %eq3A_1969 = arith.cmpi eq, %gather3A_1739, %gather3A_1749 : vector<16xi32>
    %and3A_1970 = arith.andi %gt3A_1968, %eq3A_1969 : vector<16xi1>
    %select_n3A_1971 = arith.select %and3A_1970, %broadcast_in_dim3A_4, %broadcast_in_dim3A_6 : vector<16xi1>, vector<16xi32>
    %add3A_1972 = arith.addi %add3A_1965, %select_n3A_1971 : vector<16xi32>
    %gt3A_1973 = arith.constant 3 : i32
    %gt3A_1974 = vector.broadcast %gt3A_1973 : i32 to vector<16xi32>
    %gt3A_1975 = arith.cmpi sgt, %get3A_3, %gt3A_1974 : vector<16xi32>
    %eq3A_1976 = arith.cmpi eq, %gather3A_1744, %gather3A_1749 : vector<16xi32>
    %and3A_1977 = arith.andi %gt3A_1975, %eq3A_1976 : vector<16xi1>
    %select_n3A_1978 = arith.select %and3A_1977, %broadcast_in_dim3A_4, %broadcast_in_dim3A_6 : vector<16xi1>, vector<16xi32>
    %add3A_1979 = arith.addi %add3A_1972, %select_n3A_1978 : vector<16xi32>
    %gt3A_1980 = arith.constant 4 : i32
    %gt3A_1981 = vector.broadcast %gt3A_1980 : i32 to vector<16xi32>
    %gt3A_1982 = arith.cmpi sgt, %get3A_3, %gt3A_1981 : vector<16xi32>
    %eq3A_1983 = arith.cmpi eq, %gather3A_1749, %gather3A_1749 : vector<16xi32>
    %and3A_1984 = arith.andi %gt3A_1982, %eq3A_1983 : vector<16xi1>
    %select_n3A_1985 = arith.select %and3A_1984, %broadcast_in_dim3A_4, %broadcast_in_dim3A_6 : vector<16xi1>, vector<16xi32>
    %add3A_1986 = arith.addi %add3A_1979, %select_n3A_1985 : vector<16xi32>
    %gt3A_1987 = arith.constant 4 : i32
    %gt3A_1988 = vector.broadcast %gt3A_1987 : i32 to vector<16xi32>
    %gt3A_1989 = arith.cmpi sgt, %get3A_3, %gt3A_1988 : vector<16xi32>
    %mul3A_1990 = arith.constant 1024 : i32
    %mul3A_1991 = vector.broadcast %mul3A_1990 : i32 to vector<16xi32>
    %mul3A_1992 = arith.muli %add3A_1986, %mul3A_1991 : vector<16xi32>
    %sub3A_1993 = arith.constant 1023 : i32
    %sub3A_1994 = vector.broadcast %sub3A_1993 : i32 to vector<16xi32>
    %sub3A_1995 = arith.subi %sub3A_1994, %gather3A_1749 : vector<16xi32>
    %add3A_1996 = arith.addi %mul3A_1992, %sub3A_1995 : vector<16xi32>
    %neg3A_1997 = arith.constant 0 : i32
    %neg3A_1998 = vector.broadcast %neg3A_1997 : i32 to vector<16xi32>
    %neg3A_1999 = arith.subi %neg3A_1998, %broadcast_in_dim3A_4 : vector<16xi32>
    %select_n3A_2000 = arith.select %gt3A_1989, %add3A_1996, %neg3A_1999 : vector<16xi1>, vector<16xi32>
    %max3A_2001 = arith.maxsi %max3A_1951, %select_n3A_2000 : vector<16xi32>
    %mul3A_2002 = arith.constant 1024 : i32
    %mul3A_2003 = vector.broadcast %mul3A_2002 : i32 to vector<16xi32>
    %mul3A_2004 = arith.muli %mul3A_2003, %broadcast_in_dim3A_4 : vector<16xi32>
    %sub3A_2005 = arith.subi %mul3A_2004, %broadcast_in_dim3A_4 : vector<16xi32>
    %and3A_2006 = arith.andi %max3A_2001, %sub3A_2005 : vector<16xi32>
    %sub3A_2007 = arith.constant 1023 : i32
    %sub3A_2008 = vector.broadcast %sub3A_2007 : i32 to vector<16xi32>
    %sub3A_2009 = arith.subi %sub3A_2008, %and3A_2006 : vector<16xi32>
    %convert_element_type3A_2010 = arith.sitofp %sub3A_2009 : vector<16xi32> to vector<16xf32>
    %swap3A_2011 = arith.constant 96 : index
    %swap3A_2012 = tpu.vector_load %arg9[%swap3A_2011] {strides = array<i32>} : memref<128xf32, #tpu.memory_space<vmem>>, vector<16xf32>,
    tpu.vector_store %arg9[%swap3A_2011], %convert_element_type3A_2010 {strides = array<i32>} : memref<128xf32, #tpu.memory_space<vmem>>, vector<16xf32>,
    %get3A_2013 = arith.constant 0 : i32
    %get3A_2014 = arith.index_cast %get3A_2013 : i32 to index
    %get3A_2015 = arith.constant 112 : index
    %get3A_2016 = tpu.vector_load %arg6[%get3A_2014, %get3A_2015] {strides = array<i32>} : memref<5x128xi32, #tpu.memory_space<vmem>>, vector<16xi32>,
    %gather3A_2017 = tpu.vector_load_idx %arg7[%get3A_2016] : memref<16384xi32, #tpu.memory_space<vmem>>[vector<16xi32>], vector<16xi32>,
    %get3A_2018 = arith.constant 1 : i32
    %get3A_2019 = arith.index_cast %get3A_2018 : i32 to index
    %get3A_2020 = arith.constant 112 : index
    %get3A_2021 = tpu.vector_load %arg6[%get3A_2019, %get3A_2020] {strides = array<i32>} : memref<5x128xi32, #tpu.memory_space<vmem>>, vector<16xi32>,
    %gather3A_2022 = tpu.vector_load_idx %arg7[%get3A_2021] : memref<16384xi32, #tpu.memory_space<vmem>>[vector<16xi32>], vector<16xi32>,
    %get3A_2023 = arith.constant 2 : i32
    %get3A_2024 = arith.index_cast %get3A_2023 : i32 to index
    %get3A_2025 = arith.constant 112 : index
    %get3A_2026 = tpu.vector_load %arg6[%get3A_2024, %get3A_2025] {strides = array<i32>} : memref<5x128xi32, #tpu.memory_space<vmem>>, vector<16xi32>,
    %gather3A_2027 = tpu.vector_load_idx %arg7[%get3A_2026] : memref<16384xi32, #tpu.memory_space<vmem>>[vector<16xi32>], vector<16xi32>,
    %get3A_2028 = arith.constant 3 : i32
    %get3A_2029 = arith.index_cast %get3A_2028 : i32 to index
    %get3A_2030 = arith.constant 112 : index
    %get3A_2031 = tpu.vector_load %arg6[%get3A_2029, %get3A_2030] {strides = array<i32>} : memref<5x128xi32, #tpu.memory_space<vmem>>, vector<16xi32>,
    %gather3A_2032 = tpu.vector_load_idx %arg7[%get3A_2031] : memref<16384xi32, #tpu.memory_space<vmem>>[vector<16xi32>], vector<16xi32>,
    %get3A_2033 = arith.constant 4 : i32
    %get3A_2034 = arith.index_cast %get3A_2033 : i32 to index
    %get3A_2035 = arith.constant 112 : index
    %get3A_2036 = tpu.vector_load %arg6[%get3A_2034, %get3A_2035] {strides = array<i32>} : memref<5x128xi32, #tpu.memory_space<vmem>>, vector<16xi32>,
    %gather3A_2037 = tpu.vector_load_idx %arg7[%get3A_2036] : memref<16384xi32, #tpu.memory_space<vmem>>[vector<16xi32>], vector<16xi32>,
    %broadcast_in_dim3A_2038 = arith.constant -1 : i32
    %broadcast_in_dim3A_2039 = vector.broadcast %broadcast_in_dim3A_2038 : i32 to vector<16xi32>
    %gt3A_2040 = arith.constant 0 : i32
    %gt3A_2041 = vector.broadcast %gt3A_2040 : i32 to vector<16xi32>
    %gt3A_2042 = arith.cmpi sgt, %get3A_3, %gt3A_2041 : vector<16xi32>
    %eq3A_2043 = arith.cmpi eq, %gather3A_2017, %gather3A_2017 : vector<16xi32>
    %and3A_2044 = arith.andi %gt3A_2042, %eq3A_2043 : vector<16xi1>
    %select_n3A_2045 = arith.select %and3A_2044, %broadcast_in_dim3A_4, %broadcast_in_dim3A_6 : vector<16xi1>, vector<16xi32>
    %add3A_2046 = arith.addi %broadcast_in_dim3A_6, %select_n3A_2045 : vector<16xi32>
    %gt3A_2047 = arith.constant 1 : i32
    %gt3A_2048 = vector.broadcast %gt3A_2047 : i32 to vector<16xi32>
    %gt3A_2049 = arith.cmpi sgt, %get3A_3, %gt3A_2048 : vector<16xi32>
    %eq3A_2050 = arith.cmpi eq, %gather3A_2022, %gather3A_2017 : vector<16xi32>
    %and3A_2051 = arith.andi %gt3A_2049, %eq3A_2050 : vector<16xi1>
    %select_n3A_2052 = arith.select %and3A_2051, %broadcast_in_dim3A_4, %broadcast_in_dim3A_6 : vector<16xi1>, vector<16xi32>
    %add3A_2053 = arith.addi %add3A_2046, %select_n3A_2052 : vector<16xi32>
    %gt3A_2054 = arith.constant 2 : i32
    %gt3A_2055 = vector.broadcast %gt3A_2054 : i32 to vector<16xi32>
    %gt3A_2056 = arith.cmpi sgt, %get3A_3, %gt3A_2055 : vector<16xi32>
    %eq3A_2057 = arith.cmpi eq, %gather3A_2027, %gather3A_2017 : vector<16xi32>
    %and3A_2058 = arith.andi %gt3A_2056, %eq3A_2057 : vector<16xi1>
    %select_n3A_2059 = arith.select %and3A_2058, %broadcast_in_dim3A_4, %broadcast_in_dim3A_6 : vector<16xi1>, vector<16xi32>
    %add3A_2060 = arith.addi %add3A_2053, %select_n3A_2059 : vector<16xi32>
    %gt3A_2061 = arith.constant 3 : i32
    %gt3A_2062 = vector.broadcast %gt3A_2061 : i32 to vector<16xi32>
    %gt3A_2063 = arith.cmpi sgt, %get3A_3, %gt3A_2062 : vector<16xi32>
    %eq3A_2064 = arith.cmpi eq, %gather3A_2032, %gather3A_2017 : vector<16xi32>
    %and3A_2065 = arith.andi %gt3A_2063, %eq3A_2064 : vector<16xi1>
    %select_n3A_2066 = arith.select %and3A_2065, %broadcast_in_dim3A_4, %broadcast_in_dim3A_6 : vector<16xi1>, vector<16xi32>
    %add3A_2067 = arith.addi %add3A_2060, %select_n3A_2066 : vector<16xi32>
    %gt3A_2068 = arith.constant 4 : i32
    %gt3A_2069 = vector.broadcast %gt3A_2068 : i32 to vector<16xi32>
    %gt3A_2070 = arith.cmpi sgt, %get3A_3, %gt3A_2069 : vector<16xi32>
    %eq3A_2071 = arith.cmpi eq, %gather3A_2037, %gather3A_2017 : vector<16xi32>
    %and3A_2072 = arith.andi %gt3A_2070, %eq3A_2071 : vector<16xi1>
    %select_n3A_2073 = arith.select %and3A_2072, %broadcast_in_dim3A_4, %broadcast_in_dim3A_6 : vector<16xi1>, vector<16xi32>
    %add3A_2074 = arith.addi %add3A_2067, %select_n3A_2073 : vector<16xi32>
    %gt3A_2075 = arith.constant 0 : i32
    %gt3A_2076 = vector.broadcast %gt3A_2075 : i32 to vector<16xi32>
    %gt3A_2077 = arith.cmpi sgt, %get3A_3, %gt3A_2076 : vector<16xi32>
    %mul3A_2078 = arith.constant 1024 : i32
    %mul3A_2079 = vector.broadcast %mul3A_2078 : i32 to vector<16xi32>
    %mul3A_2080 = arith.muli %add3A_2074, %mul3A_2079 : vector<16xi32>
    %sub3A_2081 = arith.constant 1023 : i32
    %sub3A_2082 = vector.broadcast %sub3A_2081 : i32 to vector<16xi32>
    %sub3A_2083 = arith.subi %sub3A_2082, %gather3A_2017 : vector<16xi32>
    %add3A_2084 = arith.addi %mul3A_2080, %sub3A_2083 : vector<16xi32>
    %neg3A_2085 = arith.constant 0 : i32
    %neg3A_2086 = vector.broadcast %neg3A_2085 : i32 to vector<16xi32>
    %neg3A_2087 = arith.subi %neg3A_2086, %broadcast_in_dim3A_4 : vector<16xi32>
    %select_n3A_2088 = arith.select %gt3A_2077, %add3A_2084, %neg3A_2087 : vector<16xi1>, vector<16xi32>
    %max3A_2089 = arith.maxsi %broadcast_in_dim3A_2039, %select_n3A_2088 : vector<16xi32>
    %gt3A_2090 = arith.constant 0 : i32
    %gt3A_2091 = vector.broadcast %gt3A_2090 : i32 to vector<16xi32>
    %gt3A_2092 = arith.cmpi sgt, %get3A_3, %gt3A_2091 : vector<16xi32>
    %eq3A_2093 = arith.cmpi eq, %gather3A_2017, %gather3A_2022 : vector<16xi32>
    %and3A_2094 = arith.andi %gt3A_2092, %eq3A_2093 : vector<16xi1>
    %select_n3A_2095 = arith.select %and3A_2094, %broadcast_in_dim3A_4, %broadcast_in_dim3A_6 : vector<16xi1>, vector<16xi32>
    %add3A_2096 = arith.addi %broadcast_in_dim3A_6, %select_n3A_2095 : vector<16xi32>
    %gt3A_2097 = arith.constant 1 : i32
    %gt3A_2098 = vector.broadcast %gt3A_2097 : i32 to vector<16xi32>
    %gt3A_2099 = arith.cmpi sgt, %get3A_3, %gt3A_2098 : vector<16xi32>
    %eq3A_2100 = arith.cmpi eq, %gather3A_2022, %gather3A_2022 : vector<16xi32>
    %and3A_2101 = arith.andi %gt3A_2099, %eq3A_2100 : vector<16xi1>
    %select_n3A_2102 = arith.select %and3A_2101, %broadcast_in_dim3A_4, %broadcast_in_dim3A_6 : vector<16xi1>, vector<16xi32>
    %add3A_2103 = arith.addi %add3A_2096, %select_n3A_2102 : vector<16xi32>
    %gt3A_2104 = arith.constant 2 : i32
    %gt3A_2105 = vector.broadcast %gt3A_2104 : i32 to vector<16xi32>
    %gt3A_2106 = arith.cmpi sgt, %get3A_3, %gt3A_2105 : vector<16xi32>
    %eq3A_2107 = arith.cmpi eq, %gather3A_2027, %gather3A_2022 : vector<16xi32>
    %and3A_2108 = arith.andi %gt3A_2106, %eq3A_2107 : vector<16xi1>
    %select_n3A_2109 = arith.select %and3A_2108, %broadcast_in_dim3A_4, %broadcast_in_dim3A_6 : vector<16xi1>, vector<16xi32>
    %add3A_2110 = arith.addi %add3A_2103, %select_n3A_2109 : vector<16xi32>
    %gt3A_2111 = arith.constant 3 : i32
    %gt3A_2112 = vector.broadcast %gt3A_2111 : i32 to vector<16xi32>
    %gt3A_2113 = arith.cmpi sgt, %get3A_3, %gt3A_2112 : vector<16xi32>
    %eq3A_2114 = arith.cmpi eq, %gather3A_2032, %gather3A_2022 : vector<16xi32>
    %and3A_2115 = arith.andi %gt3A_2113, %eq3A_2114 : vector<16xi1>
    %select_n3A_2116 = arith.select %and3A_2115, %broadcast_in_dim3A_4, %broadcast_in_dim3A_6 : vector<16xi1>, vector<16xi32>
    %add3A_2117 = arith.addi %add3A_2110, %select_n3A_2116 : vector<16xi32>
    %gt3A_2118 = arith.constant 4 : i32
    %gt3A_2119 = vector.broadcast %gt3A_2118 : i32 to vector<16xi32>
    %gt3A_2120 = arith.cmpi sgt, %get3A_3, %gt3A_2119 : vector<16xi32>
    %eq3A_2121 = arith.cmpi eq, %gather3A_2037, %gather3A_2022 : vector<16xi32>
    %and3A_2122 = arith.andi %gt3A_2120, %eq3A_2121 : vector<16xi1>
    %select_n3A_2123 = arith.select %and3A_2122, %broadcast_in_dim3A_4, %broadcast_in_dim3A_6 : vector<16xi1>, vector<16xi32>
    %add3A_2124 = arith.addi %add3A_2117, %select_n3A_2123 : vector<16xi32>
    %gt3A_2125 = arith.constant 1 : i32
    %gt3A_2126 = vector.broadcast %gt3A_2125 : i32 to vector<16xi32>
    %gt3A_2127 = arith.cmpi sgt, %get3A_3, %gt3A_2126 : vector<16xi32>
    %mul3A_2128 = arith.constant 1024 : i32
    %mul3A_2129 = vector.broadcast %mul3A_2128 : i32 to vector<16xi32>
    %mul3A_2130 = arith.muli %add3A_2124, %mul3A_2129 : vector<16xi32>
    %sub3A_2131 = arith.constant 1023 : i32
    %sub3A_2132 = vector.broadcast %sub3A_2131 : i32 to vector<16xi32>
    %sub3A_2133 = arith.subi %sub3A_2132, %gather3A_2022 : vector<16xi32>
    %add3A_2134 = arith.addi %mul3A_2130, %sub3A_2133 : vector<16xi32>
    %neg3A_2135 = arith.constant 0 : i32
    %neg3A_2136 = vector.broadcast %neg3A_2135 : i32 to vector<16xi32>
    %neg3A_2137 = arith.subi %neg3A_2136, %broadcast_in_dim3A_4 : vector<16xi32>
    %select_n3A_2138 = arith.select %gt3A_2127, %add3A_2134, %neg3A_2137 : vector<16xi1>, vector<16xi32>
    %max3A_2139 = arith.maxsi %max3A_2089, %select_n3A_2138 : vector<16xi32>
    %gt3A_2140 = arith.constant 0 : i32
    %gt3A_2141 = vector.broadcast %gt3A_2140 : i32 to vector<16xi32>
    %gt3A_2142 = arith.cmpi sgt, %get3A_3, %gt3A_2141 : vector<16xi32>
    %eq3A_2143 = arith.cmpi eq, %gather3A_2017, %gather3A_2027 : vector<16xi32>
    %and3A_2144 = arith.andi %gt3A_2142, %eq3A_2143 : vector<16xi1>
    %select_n3A_2145 = arith.select %and3A_2144, %broadcast_in_dim3A_4, %broadcast_in_dim3A_6 : vector<16xi1>, vector<16xi32>
    %add3A_2146 = arith.addi %broadcast_in_dim3A_6, %select_n3A_2145 : vector<16xi32>
    %gt3A_2147 = arith.constant 1 : i32
    %gt3A_2148 = vector.broadcast %gt3A_2147 : i32 to vector<16xi32>
    %gt3A_2149 = arith.cmpi sgt, %get3A_3, %gt3A_2148 : vector<16xi32>
    %eq3A_2150 = arith.cmpi eq, %gather3A_2022, %gather3A_2027 : vector<16xi32>
    %and3A_2151 = arith.andi %gt3A_2149, %eq3A_2150 : vector<16xi1>
    %select_n3A_2152 = arith.select %and3A_2151, %broadcast_in_dim3A_4, %broadcast_in_dim3A_6 : vector<16xi1>, vector<16xi32>
    %add3A_2153 = arith.addi %add3A_2146, %select_n3A_2152 : vector<16xi32>
    %gt3A_2154 = arith.constant 2 : i32
    %gt3A_2155 = vector.broadcast %gt3A_2154 : i32 to vector<16xi32>
    %gt3A_2156 = arith.cmpi sgt, %get3A_3, %gt3A_2155 : vector<16xi32>
    %eq3A_2157 = arith.cmpi eq, %gather3A_2027, %gather3A_2027 : vector<16xi32>
    %and3A_2158 = arith.andi %gt3A_2156, %eq3A_2157 : vector<16xi1>
    %select_n3A_2159 = arith.select %and3A_2158, %broadcast_in_dim3A_4, %broadcast_in_dim3A_6 : vector<16xi1>, vector<16xi32>
    %add3A_2160 = arith.addi %add3A_2153, %select_n3A_2159 : vector<16xi32>
    %gt3A_2161 = arith.constant 3 : i32
    %gt3A_2162 = vector.broadcast %gt3A_2161 : i32 to vector<16xi32>
    %gt3A_2163 = arith.cmpi sgt, %get3A_3, %gt3A_2162 : vector<16xi32>
    %eq3A_2164 = arith.cmpi eq, %gather3A_2032, %gather3A_2027 : vector<16xi32>
    %and3A_2165 = arith.andi %gt3A_2163, %eq3A_2164 : vector<16xi1>
    %select_n3A_2166 = arith.select %and3A_2165, %broadcast_in_dim3A_4, %broadcast_in_dim3A_6 : vector<16xi1>, vector<16xi32>
    %add3A_2167 = arith.addi %add3A_2160, %select_n3A_2166 : vector<16xi32>
    %gt3A_2168 = arith.constant 4 : i32
    %gt3A_2169 = vector.broadcast %gt3A_2168 : i32 to vector<16xi32>
    %gt3A_2170 = arith.cmpi sgt, %get3A_3, %gt3A_2169 : vector<16xi32>
    %eq3A_2171 = arith.cmpi eq, %gather3A_2037, %gather3A_2027 : vector<16xi32>
    %and3A_2172 = arith.andi %gt3A_2170, %eq3A_2171 : vector<16xi1>
    %select_n3A_2173 = arith.select %and3A_2172, %broadcast_in_dim3A_4, %broadcast_in_dim3A_6 : vector<16xi1>, vector<16xi32>
    %add3A_2174 = arith.addi %add3A_2167, %select_n3A_2173 : vector<16xi32>
    %gt3A_2175 = arith.constant 2 : i32
    %gt3A_2176 = vector.broadcast %gt3A_2175 : i32 to vector<16xi32>
    %gt3A_2177 = arith.cmpi sgt, %get3A_3, %gt3A_2176 : vector<16xi32>
    %mul3A_2178 = arith.constant 1024 : i32
    %mul3A_2179 = vector.broadcast %mul3A_2178 : i32 to vector<16xi32>
    %mul3A_2180 = arith.muli %add3A_2174, %mul3A_2179 : vector<16xi32>
    %sub3A_2181 = arith.constant 1023 : i32
    %sub3A_2182 = vector.broadcast %sub3A_2181 : i32 to vector<16xi32>
    %sub3A_2183 = arith.subi %sub3A_2182, %gather3A_2027 : vector<16xi32>
    %add3A_2184 = arith.addi %mul3A_2180, %sub3A_2183 : vector<16xi32>
    %neg3A_2185 = arith.constant 0 : i32
    %neg3A_2186 = vector.broadcast %neg3A_2185 : i32 to vector<16xi32>
    %neg3A_2187 = arith.subi %neg3A_2186, %broadcast_in_dim3A_4 : vector<16xi32>
    %select_n3A_2188 = arith.select %gt3A_2177, %add3A_2184, %neg3A_2187 : vector<16xi1>, vector<16xi32>
    %max3A_2189 = arith.maxsi %max3A_2139, %select_n3A_2188 : vector<16xi32>
    %gt3A_2190 = arith.constant 0 : i32
    %gt3A_2191 = vector.broadcast %gt3A_2190 : i32 to vector<16xi32>
    %gt3A_2192 = arith.cmpi sgt, %get3A_3, %gt3A_2191 : vector<16xi32>
    %eq3A_2193 = arith.cmpi eq, %gather3A_2017, %gather3A_2032 : vector<16xi32>
    %and3A_2194 = arith.andi %gt3A_2192, %eq3A_2193 : vector<16xi1>
    %select_n3A_2195 = arith.select %and3A_2194, %broadcast_in_dim3A_4, %broadcast_in_dim3A_6 : vector<16xi1>, vector<16xi32>
    %add3A_2196 = arith.addi %broadcast_in_dim3A_6, %select_n3A_2195 : vector<16xi32>
    %gt3A_2197 = arith.constant 1 : i32
    %gt3A_2198 = vector.broadcast %gt3A_2197 : i32 to vector<16xi32>
    %gt3A_2199 = arith.cmpi sgt, %get3A_3, %gt3A_2198 : vector<16xi32>
    %eq3A_2200 = arith.cmpi eq, %gather3A_2022, %gather3A_2032 : vector<16xi32>
    %and3A_2201 = arith.andi %gt3A_2199, %eq3A_2200 : vector<16xi1>
    %select_n3A_2202 = arith.select %and3A_2201, %broadcast_in_dim3A_4, %broadcast_in_dim3A_6 : vector<16xi1>, vector<16xi32>
    %add3A_2203 = arith.addi %add3A_2196, %select_n3A_2202 : vector<16xi32>
    %gt3A_2204 = arith.constant 2 : i32
    %gt3A_2205 = vector.broadcast %gt3A_2204 : i32 to vector<16xi32>
    %gt3A_2206 = arith.cmpi sgt, %get3A_3, %gt3A_2205 : vector<16xi32>
    %eq3A_2207 = arith.cmpi eq, %gather3A_2027, %gather3A_2032 : vector<16xi32>
    %and3A_2208 = arith.andi %gt3A_2206, %eq3A_2207 : vector<16xi1>
    %select_n3A_2209 = arith.select %and3A_2208, %broadcast_in_dim3A_4, %broadcast_in_dim3A_6 : vector<16xi1>, vector<16xi32>
    %add3A_2210 = arith.addi %add3A_2203, %select_n3A_2209 : vector<16xi32>
    %gt3A_2211 = arith.constant 3 : i32
    %gt3A_2212 = vector.broadcast %gt3A_2211 : i32 to vector<16xi32>
    %gt3A_2213 = arith.cmpi sgt, %get3A_3, %gt3A_2212 : vector<16xi32>
    %eq3A_2214 = arith.cmpi eq, %gather3A_2032, %gather3A_2032 : vector<16xi32>
    %and3A_2215 = arith.andi %gt3A_2213, %eq3A_2214 : vector<16xi1>
    %select_n3A_2216 = arith.select %and3A_2215, %broadcast_in_dim3A_4, %broadcast_in_dim3A_6 : vector<16xi1>, vector<16xi32>
    %add3A_2217 = arith.addi %add3A_2210, %select_n3A_2216 : vector<16xi32>
    %gt3A_2218 = arith.constant 4 : i32
    %gt3A_2219 = vector.broadcast %gt3A_2218 : i32 to vector<16xi32>
    %gt3A_2220 = arith.cmpi sgt, %get3A_3, %gt3A_2219 : vector<16xi32>
    %eq3A_2221 = arith.cmpi eq, %gather3A_2037, %gather3A_2032 : vector<16xi32>
    %and3A_2222 = arith.andi %gt3A_2220, %eq3A_2221 : vector<16xi1>
    %select_n3A_2223 = arith.select %and3A_2222, %broadcast_in_dim3A_4, %broadcast_in_dim3A_6 : vector<16xi1>, vector<16xi32>
    %add3A_2224 = arith.addi %add3A_2217, %select_n3A_2223 : vector<16xi32>
    %gt3A_2225 = arith.constant 3 : i32
    %gt3A_2226 = vector.broadcast %gt3A_2225 : i32 to vector<16xi32>
    %gt3A_2227 = arith.cmpi sgt, %get3A_3, %gt3A_2226 : vector<16xi32>
    %mul3A_2228 = arith.constant 1024 : i32
    %mul3A_2229 = vector.broadcast %mul3A_2228 : i32 to vector<16xi32>
    %mul3A_2230 = arith.muli %add3A_2224, %mul3A_2229 : vector<16xi32>
    %sub3A_2231 = arith.constant 1023 : i32
    %sub3A_2232 = vector.broadcast %sub3A_2231 : i32 to vector<16xi32>
    %sub3A_2233 = arith.subi %sub3A_2232, %gather3A_2032 : vector<16xi32>
    %add3A_2234 = arith.addi %mul3A_2230, %sub3A_2233 : vector<16xi32>
    %neg3A_2235 = arith.constant 0 : i32
    %neg3A_2236 = vector.broadcast %neg3A_2235 : i32 to vector<16xi32>
    %neg3A_2237 = arith.subi %neg3A_2236, %broadcast_in_dim3A_4 : vector<16xi32>
    %select_n3A_2238 = arith.select %gt3A_2227, %add3A_2234, %neg3A_2237 : vector<16xi1>, vector<16xi32>
    %max3A_2239 = arith.maxsi %max3A_2189, %select_n3A_2238 : vector<16xi32>
    %gt3A_2240 = arith.constant 0 : i32
    %gt3A_2241 = vector.broadcast %gt3A_2240 : i32 to vector<16xi32>
    %gt3A_2242 = arith.cmpi sgt, %get3A_3, %gt3A_2241 : vector<16xi32>
    %eq3A_2243 = arith.cmpi eq, %gather3A_2017, %gather3A_2037 : vector<16xi32>
    %and3A_2244 = arith.andi %gt3A_2242, %eq3A_2243 : vector<16xi1>
    %select_n3A_2245 = arith.select %and3A_2244, %broadcast_in_dim3A_4, %broadcast_in_dim3A_6 : vector<16xi1>, vector<16xi32>
    %add3A_2246 = arith.addi %broadcast_in_dim3A_6, %select_n3A_2245 : vector<16xi32>
    %gt3A_2247 = arith.constant 1 : i32
    %gt3A_2248 = vector.broadcast %gt3A_2247 : i32 to vector<16xi32>
    %gt3A_2249 = arith.cmpi sgt, %get3A_3, %gt3A_2248 : vector<16xi32>
    %eq3A_2250 = arith.cmpi eq, %gather3A_2022, %gather3A_2037 : vector<16xi32>
    %and3A_2251 = arith.andi %gt3A_2249, %eq3A_2250 : vector<16xi1>
    %select_n3A_2252 = arith.select %and3A_2251, %broadcast_in_dim3A_4, %broadcast_in_dim3A_6 : vector<16xi1>, vector<16xi32>
    %add3A_2253 = arith.addi %add3A_2246, %select_n3A_2252 : vector<16xi32>
    %gt3A_2254 = arith.constant 2 : i32
    %gt3A_2255 = vector.broadcast %gt3A_2254 : i32 to vector<16xi32>
    %gt3A_2256 = arith.cmpi sgt, %get3A_3, %gt3A_2255 : vector<16xi32>
    %eq3A_2257 = arith.cmpi eq, %gather3A_2027, %gather3A_2037 : vector<16xi32>
    %and3A_2258 = arith.andi %gt3A_2256, %eq3A_2257 : vector<16xi1>
    %select_n3A_2259 = arith.select %and3A_2258, %broadcast_in_dim3A_4, %broadcast_in_dim3A_6 : vector<16xi1>, vector<16xi32>
    %add3A_2260 = arith.addi %add3A_2253, %select_n3A_2259 : vector<16xi32>
    %gt3A_2261 = arith.constant 3 : i32
    %gt3A_2262 = vector.broadcast %gt3A_2261 : i32 to vector<16xi32>
    %gt3A_2263 = arith.cmpi sgt, %get3A_3, %gt3A_2262 : vector<16xi32>
    %eq3A_2264 = arith.cmpi eq, %gather3A_2032, %gather3A_2037 : vector<16xi32>
    %and3A_2265 = arith.andi %gt3A_2263, %eq3A_2264 : vector<16xi1>
    %select_n3A_2266 = arith.select %and3A_2265, %broadcast_in_dim3A_4, %broadcast_in_dim3A_6 : vector<16xi1>, vector<16xi32>
    %add3A_2267 = arith.addi %add3A_2260, %select_n3A_2266 : vector<16xi32>
    %gt3A_2268 = arith.constant 4 : i32
    %gt3A_2269 = vector.broadcast %gt3A_2268 : i32 to vector<16xi32>
    %gt3A_2270 = arith.cmpi sgt, %get3A_3, %gt3A_2269 : vector<16xi32>
    %eq3A_2271 = arith.cmpi eq, %gather3A_2037, %gather3A_2037 : vector<16xi32>
    %and3A_2272 = arith.andi %gt3A_2270, %eq3A_2271 : vector<16xi1>
    %select_n3A_2273 = arith.select %and3A_2272, %broadcast_in_dim3A_4, %broadcast_in_dim3A_6 : vector<16xi1>, vector<16xi32>
    %add3A_2274 = arith.addi %add3A_2267, %select_n3A_2273 : vector<16xi32>
    %gt3A_2275 = arith.constant 4 : i32
    %gt3A_2276 = vector.broadcast %gt3A_2275 : i32 to vector<16xi32>
    %gt3A_2277 = arith.cmpi sgt, %get3A_3, %gt3A_2276 : vector<16xi32>
    %mul3A_2278 = arith.constant 1024 : i32
    %mul3A_2279 = vector.broadcast %mul3A_2278 : i32 to vector<16xi32>
    %mul3A_2280 = arith.muli %add3A_2274, %mul3A_2279 : vector<16xi32>
    %sub3A_2281 = arith.constant 1023 : i32
    %sub3A_2282 = vector.broadcast %sub3A_2281 : i32 to vector<16xi32>
    %sub3A_2283 = arith.subi %sub3A_2282, %gather3A_2037 : vector<16xi32>
    %add3A_2284 = arith.addi %mul3A_2280, %sub3A_2283 : vector<16xi32>
    %neg3A_2285 = arith.constant 0 : i32
    %neg3A_2286 = vector.broadcast %neg3A_2285 : i32 to vector<16xi32>
    %neg3A_2287 = arith.subi %neg3A_2286, %broadcast_in_dim3A_4 : vector<16xi32>
    %select_n3A_2288 = arith.select %gt3A_2277, %add3A_2284, %neg3A_2287 : vector<16xi1>, vector<16xi32>
    %max3A_2289 = arith.maxsi %max3A_2239, %select_n3A_2288 : vector<16xi32>
    %mul3A_2290 = arith.constant 1024 : i32
    %mul3A_2291 = vector.broadcast %mul3A_2290 : i32 to vector<16xi32>
    %mul3A_2292 = arith.muli %mul3A_2291, %broadcast_in_dim3A_4 : vector<16xi32>
    %sub3A_2293 = arith.subi %mul3A_2292, %broadcast_in_dim3A_4 : vector<16xi32>
    %and3A_2294 = arith.andi %max3A_2289, %sub3A_2293 : vector<16xi32>
    %sub3A_2295 = arith.constant 1023 : i32
    %sub3A_2296 = vector.broadcast %sub3A_2295 : i32 to vector<16xi32>
    %sub3A_2297 = arith.subi %sub3A_2296, %and3A_2294 : vector<16xi32>
    %convert_element_type3A_2298 = arith.sitofp %sub3A_2297 : vector<16xi32> to vector<16xf32>
    %swap3A_2299 = arith.constant 112 : index
    %swap3A_2300 = tpu.vector_load %arg9[%swap3A_2299] {strides = array<i32>} : memref<128xf32, #tpu.memory_space<vmem>>, vector<16xf32>,
    tpu.vector_store %arg9[%swap3A_2299], %convert_element_type3A_2298 {strides = array<i32>} : memref<128xf32, #tpu.memory_space<vmem>>, vector<16xf32>,
    "tpu.region"() ({
      %run_scoped3A = tpu.sem_alloc : memref<!tpu.dma_semaphore, #tpu.memory_space<semaphore_mem>>
      %dma_start3A = tpu.memref_slice %arg5[%mul3A_2] : memref<4096xf32, #tpu.memory_space<hbm>> -> memref<128xf32, #tpu.memory_space<hbm>>
      %dma_start3A_2301 = tpu.memref_slice %arg5[%mul3A_2] : memref<4096xf32, #tpu.memory_space<hbm>> -> memref<128xf32, #tpu.memory_space<hbm>>
      tpu.enqueue_dma source(%arg9 : memref<128xf32, #tpu.memory_space<vmem>>) target(%dma_start3A_2301 : memref<128xf32, #tpu.memory_space<hbm>>) target_semaphore(%run_scoped3A : memref<!tpu.dma_semaphore, #tpu.memory_space<semaphore_mem>>)
      %dma_wait3A = tpu.memref_slice %arg5[%mul3A_2] : memref<4096xf32, #tpu.memory_space<hbm>> -> memref<128xf32, #tpu.memory_space<hbm>>
      %dma_wait3A_2302 = tpu.memref_slice %arg5[%mul3A_2] : memref<4096xf32, #tpu.memory_space<hbm>> -> memref<128xf32, #tpu.memory_space<hbm>>
      tpu.wait_dma2 semaphore(%run_scoped3A : memref<!tpu.dma_semaphore, #tpu.memory_space<semaphore_mem>>) src(%arg9 : memref<128xf32, #tpu.memory_space<vmem>>) dst(%dma_wait3A_2302 : memref<128xf32, #tpu.memory_space<hbm>>)
      tpu.yield
    }) : () -> ()
    return
  }
}

module attributes {stable_mosaic.version = 14 : i64} {
  func.func @_topk_body(%arg0: i32, %arg1: i32, %arg2: memref<256x512xf32, #tpu.memory_space<vmem>>, %arg3: memref<512x2048xf32, #tpu.memory_space<vmem>>, %arg4: memref<8x256xi32, #tpu.memory_space<vmem>>, %arg5: memref<256x8xf32, #tpu.memory_space<vmem>>, %arg6: memref<256x8xi32, #tpu.memory_space<vmem>>, %arg7: memref<256x1xf32, #tpu.memory_space<vmem>>, %arg8: memref<8x1x2048xf32, #tpu.memory_space<vmem>>) attributes {dimension_semantics = [#tpu.dimension_semantics<arbitrary>, #tpu.dimension_semantics<arbitrary>], iteration_bounds = array<i64: 16, 8>, scalar_prefetch = 0 : i64, scratch_operands = 4 : i64, tpu.core_type = #tpu.core_type<tc>, window_params = [{transform_indices = @transform_0, window_bounds = array<i64: 256, 512>}, {transform_indices = @transform_1, window_bounds = array<i64: 512, 2048>}, {transform_indices = @transform_2, window_bounds = array<i64: 8, 256>}]} {
    %eq3A = arith.constant 0 : i32
    %eq3A_0 = arith.cmpi eq, %arg1, %eq3A : i32
    %convert_element_type3A = arith.extui %eq3A_0 : i1 to i32
    %cond3A = arith.constant 0 : i32
    %cond3A_1 = arith.cmpi ne, %convert_element_type3A, %cond3A : i32
    scf.if %cond3A_1 {
      %broadcast_in_dim3A_280 = arith.constant 0x7F800000 : f32
      %broadcast_in_dim3A_281 = vector.broadcast %broadcast_in_dim3A_280 : f32 to vector<256x8xf32>
      %swap3A_282 = arith.constant 0 : index
      %swap3A_283 = arith.constant 0 : index
      %swap3A_284 = vector.load %arg5[%swap3A_282, %swap3A_283] : memref<256x8xf32, #tpu.memory_space<vmem>>, vector<256x8xf32>
      tpu.vector_store %arg5[%swap3A_282, %swap3A_283], %broadcast_in_dim3A_281 {strides = array<i32>} : memref<256x8xf32, #tpu.memory_space<vmem>>, vector<256x8xf32>,
      %broadcast_in_dim3A_285 = arith.constant 1073741824 : i32
      %broadcast_in_dim3A_286 = vector.broadcast %broadcast_in_dim3A_285 : i32 to vector<256x8xi32>
      %swap3A_287 = arith.constant 0 : index
      %swap3A_288 = arith.constant 0 : index
      %swap3A_289 = vector.load %arg6[%swap3A_287, %swap3A_288] : memref<256x8xi32, #tpu.memory_space<vmem>>, vector<256x8xi32>
      tpu.vector_store %arg6[%swap3A_287, %swap3A_288], %broadcast_in_dim3A_286 {strides = array<i32>} : memref<256x8xi32, #tpu.memory_space<vmem>>, vector<256x8xi32>,
      %get3A_290 = arith.constant 0 : index
      %get3A_291 = arith.constant 0 : index
      %get3A_292 = vector.load %arg2[%get3A_290, %get3A_291] : memref<256x512xf32, #tpu.memory_space<vmem>>, vector<256x512xf32>
      %mul3A_293 = arith.mulf %get3A_292, %get3A_292 : vector<256x512xf32>
      %reduce_sum3A_294 = arith.constant dense<0.000000e+00> : vector<256xf32>
      %reduce_sum3A_295 = vector.multi_reduction <add>, %mul3A_293, %reduce_sum3A_294 [1] : vector<256x512xf32> to vector<256xf32>
      %broadcast_in_dim3A_296 = vector.shape_cast %reduce_sum3A_295 : vector<256xf32> to vector<256x1xf32>
      %swap3A_297 = arith.constant 0 : index
      %swap3A_298 = arith.constant 0 : index
      %swap3A_299 = vector.load %arg7[%swap3A_297, %swap3A_298] : memref<256x1xf32, #tpu.memory_space<vmem>>, vector<256x1xf32>
      tpu.vector_store %arg7[%swap3A_297, %swap3A_298], %broadcast_in_dim3A_296 {strides = array<i32>} : memref<256x1xf32, #tpu.memory_space<vmem>>, vector<256x1xf32>,
    } else {
    }
    %eq3A_2 = arith.constant 0 : i32
    %eq3A_3 = arith.cmpi eq, %arg0, %eq3A_2 : i32
    %convert_element_type3A_4 = arith.extui %eq3A_3 : i1 to i32
    %cond3A_5 = arith.constant 0 : i32
    %cond3A_6 = arith.cmpi ne, %convert_element_type3A_4, %cond3A_5 : i32
    scf.if %cond3A_6 {
      %get3A_280 = arith.constant 0 : index
      %get3A_281 = arith.constant 0 : index
      %get3A_282 = vector.load %arg3[%get3A_280, %get3A_281] : memref<512x2048xf32, #tpu.memory_space<vmem>>, vector<512x2048xf32>
      %mul3A_283 = arith.mulf %get3A_282, %get3A_282 : vector<512x2048xf32>
      %reduce_sum3A_284 = arith.constant dense<0.000000e+00> : vector<2048xf32>
      %reduce_sum3A_285 = vector.multi_reduction <add>, %mul3A_283, %reduce_sum3A_284 [0] : vector<512x2048xf32> to vector<2048xf32>
      %broadcast_in_dim3A_286 = vector.shape_cast %reduce_sum3A_285 : vector<2048xf32> to vector<1x2048xf32>
      %swap3A_287 = arith.index_cast %arg1 : i32 to index
      %swap3A_288 = arith.constant 0 : index
      %swap3A_289 = arith.constant 0 : index
      %swap3A_290 = vector.load %arg8[%swap3A_287, %swap3A_288, %swap3A_289] : memref<8x1x2048xf32, #tpu.memory_space<vmem>>, vector<1x1x2048xf32>
      %swap3A_291 = vector.shape_cast %swap3A_290 : vector<1x1x2048xf32> to vector<1x2048xf32>
      %swap3A_292 = vector.shape_cast %broadcast_in_dim3A_286 : vector<1x2048xf32> to vector<1x1x2048xf32>
      tpu.vector_store %arg8[%swap3A_287, %swap3A_288, %swap3A_289], %swap3A_292 {strides = array<i32>} : memref<8x1x2048xf32, #tpu.memory_space<vmem>>, vector<1x1x2048xf32>,
    } else {
    }
    %get3A = arith.constant 0 : index
    %get3A_7 = arith.constant 0 : index
    %get3A_8 = vector.load %arg2[%get3A, %get3A_7] : memref<256x512xf32, #tpu.memory_space<vmem>>, vector<256x512xf32>
    %get3A_9 = arith.constant 0 : index
    %get3A_10 = arith.constant 0 : index
    %get3A_11 = vector.load %arg3[%get3A_9, %get3A_10] : memref<512x2048xf32, #tpu.memory_space<vmem>>, vector<512x2048xf32>
    %dot_general3A = arith.constant dense<0.000000e+00> : vector<256x2048xf32>
    %dot_general3A_12 = tpu.matmul %get3A_8, %get3A_11, %dot_general3A {dimension_numbers = #tpu.dot_dimension_numbers<[1], [0], [0], [1], [0, 0, 1, 1], [], []>, transpose_lhs_hint = false} : vector<256x512xf32>, vector<512x2048xf32>, vector<256x2048xf32> -> vector<256x2048xf32>
    %get3A_13 = arith.constant 0 : index
    %get3A_14 = arith.constant 0 : index
    %get3A_15 = vector.load %arg7[%get3A_13, %get3A_14] : memref<256x1xf32, #tpu.memory_space<vmem>>, vector<256x1xf32>
    %get3A_16 = arith.index_cast %arg1 : i32 to index
    %get3A_17 = arith.constant 0 : index
    %get3A_18 = arith.constant 0 : index
    %get3A_19 = vector.load %arg8[%get3A_16, %get3A_17, %get3A_18] : memref<8x1x2048xf32, #tpu.memory_space<vmem>>, vector<1x1x2048xf32>
    %get3A_20 = vector.shape_cast %get3A_19 : vector<1x1x2048xf32> to vector<1x2048xf32>
    %add3A = vector.broadcast %get3A_15 : vector<256x1xf32> to vector<256x2048xf32>
    %add3A_21 = vector.broadcast %get3A_20 : vector<1x2048xf32> to vector<256x2048xf32>
    %add3A_22 = arith.addf %add3A, %add3A_21 : vector<256x2048xf32>
    %mul3A = arith.constant 2.000000e+00 : f32
    %mul3A_23 = vector.broadcast %mul3A : f32 to vector<256x2048xf32>
    %mul3A_24 = arith.mulf %mul3A_23, %dot_general3A_12 : vector<256x2048xf32>
    %sub3A = arith.subf %add3A_22, %mul3A_24 : vector<256x2048xf32>
    %iota3A = tpu.iota {dimensions = array<i32: 1>} : vector<256x2048xi32>
    %mul3A_25 = arith.constant 2048 : i32
    %mul3A_26 = arith.muli %arg1, %mul3A_25 : i32
    %get3A_27 = arith.constant 0 : index
    %get3A_28 = arith.constant 0 : index
    %get3A_29 = vector.load %arg5[%get3A_27, %get3A_28] : memref<256x8xf32, #tpu.memory_space<vmem>>, vector<256x8xf32>
    %get3A_30 = arith.constant 0 : index
    %get3A_31 = arith.constant 0 : index
    %get3A_32 = vector.load %arg6[%get3A_30, %get3A_31] : memref<256x8xi32, #tpu.memory_space<vmem>>, vector<256x8xi32>
    %reduce_min3A = arith.constant dense<0x7F800000> : vector<256xf32>
    %reduce_min3A_33 = vector.multi_reduction <minimumf>, %sub3A, %reduce_min3A [1] : vector<256x2048xf32> to vector<256xf32>
    %broadcast_in_dim3A = vector.shape_cast %reduce_min3A_33 : vector<256xf32> to vector<256x1xf32>
    %eq3A_34 = vector.broadcast %broadcast_in_dim3A : vector<256x1xf32> to vector<256x2048xf32>
    %eq3A_35 = arith.cmpf oeq, %sub3A, %eq3A_34 : vector<256x2048xf32>
    %jit3A = arith.constant 1073741824 : i32
    %broadcast_in_dim3A_36 = vector.broadcast %jit3A : i32 to vector<256x2048xi32>
    %select_n3A = arith.select %eq3A_35, %iota3A, %broadcast_in_dim3A_36 : vector<256x2048xi1>, vector<256x2048xi32>
    %reduce_min3A_37 = arith.constant dense<2147483647> : vector<256xi32>
    %reduce_min3A_38 = vector.multi_reduction <minsi>, %select_n3A, %reduce_min3A_37 [1] : vector<256x2048xi32> to vector<256xi32>
    %broadcast_in_dim3A_39 = vector.shape_cast %reduce_min3A_38 : vector<256xi32> to vector<256x1xi32>
    %eq3A_40 = vector.broadcast %broadcast_in_dim3A_39 : vector<256x1xi32> to vector<256x2048xi32>
    %eq3A_41 = arith.cmpi eq, %iota3A, %eq3A_40 : vector<256x2048xi32>
    %jit3A_42 = arith.constant 0x7F800000 : f32
    %broadcast_in_dim3A_43 = vector.broadcast %jit3A_42 : f32 to vector<256x2048xf32>
    %select_n3A_44 = arith.select %eq3A_41, %broadcast_in_dim3A_43, %sub3A : vector<256x2048xi1>, vector<256x2048xf32>
    %add3A_45 = vector.broadcast %mul3A_26 : i32 to vector<256x1xi32>
    %add3A_46 = arith.addi %broadcast_in_dim3A_39, %add3A_45 : vector<256x1xi32>
    %lt3A = vector.broadcast %broadcast_in_dim3A : vector<256x1xf32> to vector<256x8xf32>
    %lt3A_47 = arith.cmpf olt, %lt3A, %get3A_29 : vector<256x8xf32>
    %convert_element_type3A_48 = arith.extui %lt3A_47 : vector<256x8xi1> to vector<256x8xi32>
    %reduce_sum3A = arith.constant dense<0> : vector<256xi32>
    %reduce_sum3A_49 = vector.multi_reduction <add>, %convert_element_type3A_48, %reduce_sum3A [1] : vector<256x8xi32> to vector<256xi32>
    %broadcast_in_dim3A_50 = vector.shape_cast %reduce_sum3A_49 : vector<256xi32> to vector<256x1xi32>
    %sub3A_51 = arith.constant 8 : i32
    %sub3A_52 = vector.broadcast %sub3A_51 : i32 to vector<256x1xi32>
    %sub3A_53 = arith.subi %sub3A_52, %broadcast_in_dim3A_50 : vector<256x1xi32>
    %iota3A_54 = tpu.iota {dimensions = array<i32: 1>} : vector<256x8xi32>
    %slice3A = vector.extract_strided_slice %get3A_29 {offsets = [0, 0], sizes = [256, 1], strides = [1, 1]} : vector<256x8xf32> to vector<256x1xf32>
    %slice3A_55 = vector.extract_strided_slice %get3A_29 {offsets = [0, 0], sizes = [256, 7], strides = [1, 1]} : vector<256x8xf32> to vector<256x7xf32>
    %concatenate3A = tpu.concatenate %slice3A, %slice3A_55 in 1 : vector<256x1xf32>, vector<256x7xf32> -> vector<256x8xf32>
    %slice3A_56 = vector.extract_strided_slice %get3A_32 {offsets = [0, 0], sizes = [256, 1], strides = [1, 1]} : vector<256x8xi32> to vector<256x1xi32>
    %slice3A_57 = vector.extract_strided_slice %get3A_32 {offsets = [0, 0], sizes = [256, 7], strides = [1, 1]} : vector<256x8xi32> to vector<256x7xi32>
    %concatenate3A_58 = tpu.concatenate %slice3A_56, %slice3A_57 in 1 : vector<256x1xi32>, vector<256x7xi32> -> vector<256x8xi32>
    %lt3A_59 = vector.broadcast %sub3A_53 : vector<256x1xi32> to vector<256x8xi32>
    %lt3A_60 = arith.cmpi slt, %iota3A_54, %lt3A_59 : vector<256x8xi32>
    %eq3A_61 = vector.broadcast %sub3A_53 : vector<256x1xi32> to vector<256x8xi32>
    %eq3A_62 = arith.cmpi eq, %iota3A_54, %eq3A_61 : vector<256x8xi32>
    %broadcast_in_dim3A_63 = vector.shape_cast %broadcast_in_dim3A : vector<256x1xf32> to vector<256x1xf32>
    %broadcast_in_dim3A_64 = vector.broadcast %broadcast_in_dim3A_63 : vector<256x1xf32> to vector<256x8xf32>
    %select_n3A_65 = arith.select %eq3A_62, %broadcast_in_dim3A_64, %concatenate3A : vector<256x8xi1>, vector<256x8xf32>
    %select_n3A_66 = arith.select %lt3A_60, %get3A_29, %select_n3A_65 : vector<256x8xi1>, vector<256x8xf32>
    %lt3A_67 = vector.broadcast %sub3A_53 : vector<256x1xi32> to vector<256x8xi32>
    %lt3A_68 = arith.cmpi slt, %iota3A_54, %lt3A_67 : vector<256x8xi32>
    %eq3A_69 = vector.broadcast %sub3A_53 : vector<256x1xi32> to vector<256x8xi32>
    %eq3A_70 = arith.cmpi eq, %iota3A_54, %eq3A_69 : vector<256x8xi32>
    %broadcast_in_dim3A_71 = vector.shape_cast %add3A_46 : vector<256x1xi32> to vector<256x1xi32>
    %broadcast_in_dim3A_72 = vector.broadcast %broadcast_in_dim3A_71 : vector<256x1xi32> to vector<256x8xi32>
    %select_n3A_73 = arith.select %eq3A_70, %broadcast_in_dim3A_72, %concatenate3A_58 : vector<256x8xi1>, vector<256x8xi32>
    %select_n3A_74 = arith.select %lt3A_68, %get3A_32, %select_n3A_73 : vector<256x8xi1>, vector<256x8xi32>
    %reduce_min3A_75 = arith.constant dense<0x7F800000> : vector<256xf32>
    %reduce_min3A_76 = vector.multi_reduction <minimumf>, %select_n3A_44, %reduce_min3A_75 [1] : vector<256x2048xf32> to vector<256xf32>
    %broadcast_in_dim3A_77 = vector.shape_cast %reduce_min3A_76 : vector<256xf32> to vector<256x1xf32>
    %eq3A_78 = vector.broadcast %broadcast_in_dim3A_77 : vector<256x1xf32> to vector<256x2048xf32>
    %eq3A_79 = arith.cmpf oeq, %select_n3A_44, %eq3A_78 : vector<256x2048xf32>
    %jit3A_80 = arith.constant 1073741824 : i32
    %broadcast_in_dim3A_81 = vector.broadcast %jit3A_80 : i32 to vector<256x2048xi32>
    %select_n3A_82 = arith.select %eq3A_79, %iota3A, %broadcast_in_dim3A_81 : vector<256x2048xi1>, vector<256x2048xi32>
    %reduce_min3A_83 = arith.constant dense<2147483647> : vector<256xi32>
    %reduce_min3A_84 = vector.multi_reduction <minsi>, %select_n3A_82, %reduce_min3A_83 [1] : vector<256x2048xi32> to vector<256xi32>
    %broadcast_in_dim3A_85 = vector.shape_cast %reduce_min3A_84 : vector<256xi32> to vector<256x1xi32>
    %eq3A_86 = vector.broadcast %broadcast_in_dim3A_85 : vector<256x1xi32> to vector<256x2048xi32>
    %eq3A_87 = arith.cmpi eq, %iota3A, %eq3A_86 : vector<256x2048xi32>
    %jit3A_88 = arith.constant 0x7F800000 : f32
    %broadcast_in_dim3A_89 = vector.broadcast %jit3A_88 : f32 to vector<256x2048xf32>
    %select_n3A_90 = arith.select %eq3A_87, %broadcast_in_dim3A_89, %select_n3A_44 : vector<256x2048xi1>, vector<256x2048xf32>
    %add3A_91 = vector.broadcast %mul3A_26 : i32 to vector<256x1xi32>
    %add3A_92 = arith.addi %broadcast_in_dim3A_85, %add3A_91 : vector<256x1xi32>
    %lt3A_93 = vector.broadcast %broadcast_in_dim3A_77 : vector<256x1xf32> to vector<256x8xf32>
    %lt3A_94 = arith.cmpf olt, %lt3A_93, %select_n3A_66 : vector<256x8xf32>
    %convert_element_type3A_95 = arith.extui %lt3A_94 : vector<256x8xi1> to vector<256x8xi32>
    %reduce_sum3A_96 = arith.constant dense<0> : vector<256xi32>
    %reduce_sum3A_97 = vector.multi_reduction <add>, %convert_element_type3A_95, %reduce_sum3A_96 [1] : vector<256x8xi32> to vector<256xi32>
    %broadcast_in_dim3A_98 = vector.shape_cast %reduce_sum3A_97 : vector<256xi32> to vector<256x1xi32>
    %sub3A_99 = arith.constant 8 : i32
    %sub3A_100 = vector.broadcast %sub3A_99 : i32 to vector<256x1xi32>
    %sub3A_101 = arith.subi %sub3A_100, %broadcast_in_dim3A_98 : vector<256x1xi32>
    %iota3A_102 = tpu.iota {dimensions = array<i32: 1>} : vector<256x8xi32>
    %slice3A_103 = vector.extract_strided_slice %select_n3A_66 {offsets = [0, 0], sizes = [256, 1], strides = [1, 1]} : vector<256x8xf32> to vector<256x1xf32>
    %slice3A_104 = vector.extract_strided_slice %select_n3A_66 {offsets = [0, 0], sizes = [256, 7], strides = [1, 1]} : vector<256x8xf32> to vector<256x7xf32>
    %concatenate3A_105 = tpu.concatenate %slice3A_103, %slice3A_104 in 1 : vector<256x1xf32>, vector<256x7xf32> -> vector<256x8xf32>
    %slice3A_106 = vector.extract_strided_slice %select_n3A_74 {offsets = [0, 0], sizes = [256, 1], strides = [1, 1]} : vector<256x8xi32> to vector<256x1xi32>
    %slice3A_107 = vector.extract_strided_slice %select_n3A_74 {offsets = [0, 0], sizes = [256, 7], strides = [1, 1]} : vector<256x8xi32> to vector<256x7xi32>
    %concatenate3A_108 = tpu.concatenate %slice3A_106, %slice3A_107 in 1 : vector<256x1xi32>, vector<256x7xi32> -> vector<256x8xi32>
    %lt3A_109 = vector.broadcast %sub3A_101 : vector<256x1xi32> to vector<256x8xi32>
    %lt3A_110 = arith.cmpi slt, %iota3A_102, %lt3A_109 : vector<256x8xi32>
    %eq3A_111 = vector.broadcast %sub3A_101 : vector<256x1xi32> to vector<256x8xi32>
    %eq3A_112 = arith.cmpi eq, %iota3A_102, %eq3A_111 : vector<256x8xi32>
    %broadcast_in_dim3A_113 = vector.shape_cast %broadcast_in_dim3A_77 : vector<256x1xf32> to vector<256x1xf32>
    %broadcast_in_dim3A_114 = vector.broadcast %broadcast_in_dim3A_113 : vector<256x1xf32> to vector<256x8xf32>
    %select_n3A_115 = arith.select %eq3A_112, %broadcast_in_dim3A_114, %concatenate3A_105 : vector<256x8xi1>, vector<256x8xf32>
    %select_n3A_116 = arith.select %lt3A_110, %select_n3A_66, %select_n3A_115 : vector<256x8xi1>, vector<256x8xf32>
    %lt3A_117 = vector.broadcast %sub3A_101 : vector<256x1xi32> to vector<256x8xi32>
    %lt3A_118 = arith.cmpi slt, %iota3A_102, %lt3A_117 : vector<256x8xi32>
    %eq3A_119 = vector.broadcast %sub3A_101 : vector<256x1xi32> to vector<256x8xi32>
    %eq3A_120 = arith.cmpi eq, %iota3A_102, %eq3A_119 : vector<256x8xi32>
    %broadcast_in_dim3A_121 = vector.shape_cast %add3A_92 : vector<256x1xi32> to vector<256x1xi32>
    %broadcast_in_dim3A_122 = vector.broadcast %broadcast_in_dim3A_121 : vector<256x1xi32> to vector<256x8xi32>
    %select_n3A_123 = arith.select %eq3A_120, %broadcast_in_dim3A_122, %concatenate3A_108 : vector<256x8xi1>, vector<256x8xi32>
    %select_n3A_124 = arith.select %lt3A_118, %select_n3A_74, %select_n3A_123 : vector<256x8xi1>, vector<256x8xi32>
    %reduce_min3A_125 = arith.constant dense<0x7F800000> : vector<256xf32>
    %reduce_min3A_126 = vector.multi_reduction <minimumf>, %select_n3A_90, %reduce_min3A_125 [1] : vector<256x2048xf32> to vector<256xf32>
    %broadcast_in_dim3A_127 = vector.shape_cast %reduce_min3A_126 : vector<256xf32> to vector<256x1xf32>
    %eq3A_128 = vector.broadcast %broadcast_in_dim3A_127 : vector<256x1xf32> to vector<256x2048xf32>
    %eq3A_129 = arith.cmpf oeq, %select_n3A_90, %eq3A_128 : vector<256x2048xf32>
    %jit3A_130 = arith.constant 1073741824 : i32
    %broadcast_in_dim3A_131 = vector.broadcast %jit3A_130 : i32 to vector<256x2048xi32>
    %select_n3A_132 = arith.select %eq3A_129, %iota3A, %broadcast_in_dim3A_131 : vector<256x2048xi1>, vector<256x2048xi32>
    %reduce_min3A_133 = arith.constant dense<2147483647> : vector<256xi32>
    %reduce_min3A_134 = vector.multi_reduction <minsi>, %select_n3A_132, %reduce_min3A_133 [1] : vector<256x2048xi32> to vector<256xi32>
    %broadcast_in_dim3A_135 = vector.shape_cast %reduce_min3A_134 : vector<256xi32> to vector<256x1xi32>
    %eq3A_136 = vector.broadcast %broadcast_in_dim3A_135 : vector<256x1xi32> to vector<256x2048xi32>
    %eq3A_137 = arith.cmpi eq, %iota3A, %eq3A_136 : vector<256x2048xi32>
    %jit3A_138 = arith.constant 0x7F800000 : f32
    %broadcast_in_dim3A_139 = vector.broadcast %jit3A_138 : f32 to vector<256x2048xf32>
    %select_n3A_140 = arith.select %eq3A_137, %broadcast_in_dim3A_139, %select_n3A_90 : vector<256x2048xi1>, vector<256x2048xf32>
    %add3A_141 = vector.broadcast %mul3A_26 : i32 to vector<256x1xi32>
    %add3A_142 = arith.addi %broadcast_in_dim3A_135, %add3A_141 : vector<256x1xi32>
    %lt3A_143 = vector.broadcast %broadcast_in_dim3A_127 : vector<256x1xf32> to vector<256x8xf32>
    %lt3A_144 = arith.cmpf olt, %lt3A_143, %select_n3A_116 : vector<256x8xf32>
    %convert_element_type3A_145 = arith.extui %lt3A_144 : vector<256x8xi1> to vector<256x8xi32>
    %reduce_sum3A_146 = arith.constant dense<0> : vector<256xi32>
    %reduce_sum3A_147 = vector.multi_reduction <add>, %convert_element_type3A_145, %reduce_sum3A_146 [1] : vector<256x8xi32> to vector<256xi32>
    %broadcast_in_dim3A_148 = vector.shape_cast %reduce_sum3A_147 : vector<256xi32> to vector<256x1xi32>
    %sub3A_149 = arith.constant 8 : i32
    %sub3A_150 = vector.broadcast %sub3A_149 : i32 to vector<256x1xi32>
    %sub3A_151 = arith.subi %sub3A_150, %broadcast_in_dim3A_148 : vector<256x1xi32>
    %iota3A_152 = tpu.iota {dimensions = array<i32: 1>} : vector<256x8xi32>
    %slice3A_153 = vector.extract_strided_slice %select_n3A_116 {offsets = [0, 0], sizes = [256, 1], strides = [1, 1]} : vector<256x8xf32> to vector<256x1xf32>
    %slice3A_154 = vector.extract_strided_slice %select_n3A_116 {offsets = [0, 0], sizes = [256, 7], strides = [1, 1]} : vector<256x8xf32> to vector<256x7xf32>
    %concatenate3A_155 = tpu.concatenate %slice3A_153, %slice3A_154 in 1 : vector<256x1xf32>, vector<256x7xf32> -> vector<256x8xf32>
    %slice3A_156 = vector.extract_strided_slice %select_n3A_124 {offsets = [0, 0], sizes = [256, 1], strides = [1, 1]} : vector<256x8xi32> to vector<256x1xi32>
    %slice3A_157 = vector.extract_strided_slice %select_n3A_124 {offsets = [0, 0], sizes = [256, 7], strides = [1, 1]} : vector<256x8xi32> to vector<256x7xi32>
    %concatenate3A_158 = tpu.concatenate %slice3A_156, %slice3A_157 in 1 : vector<256x1xi32>, vector<256x7xi32> -> vector<256x8xi32>
    %lt3A_159 = vector.broadcast %sub3A_151 : vector<256x1xi32> to vector<256x8xi32>
    %lt3A_160 = arith.cmpi slt, %iota3A_152, %lt3A_159 : vector<256x8xi32>
    %eq3A_161 = vector.broadcast %sub3A_151 : vector<256x1xi32> to vector<256x8xi32>
    %eq3A_162 = arith.cmpi eq, %iota3A_152, %eq3A_161 : vector<256x8xi32>
    %broadcast_in_dim3A_163 = vector.shape_cast %broadcast_in_dim3A_127 : vector<256x1xf32> to vector<256x1xf32>
    %broadcast_in_dim3A_164 = vector.broadcast %broadcast_in_dim3A_163 : vector<256x1xf32> to vector<256x8xf32>
    %select_n3A_165 = arith.select %eq3A_162, %broadcast_in_dim3A_164, %concatenate3A_155 : vector<256x8xi1>, vector<256x8xf32>
    %select_n3A_166 = arith.select %lt3A_160, %select_n3A_116, %select_n3A_165 : vector<256x8xi1>, vector<256x8xf32>
    %lt3A_167 = vector.broadcast %sub3A_151 : vector<256x1xi32> to vector<256x8xi32>
    %lt3A_168 = arith.cmpi slt, %iota3A_152, %lt3A_167 : vector<256x8xi32>
    %eq3A_169 = vector.broadcast %sub3A_151 : vector<256x1xi32> to vector<256x8xi32>
    %eq3A_170 = arith.cmpi eq, %iota3A_152, %eq3A_169 : vector<256x8xi32>
    %broadcast_in_dim3A_171 = vector.shape_cast %add3A_142 : vector<256x1xi32> to vector<256x1xi32>
    %broadcast_in_dim3A_172 = vector.broadcast %broadcast_in_dim3A_171 : vector<256x1xi32> to vector<256x8xi32>
    %select_n3A_173 = arith.select %eq3A_170, %broadcast_in_dim3A_172, %concatenate3A_158 : vector<256x8xi1>, vector<256x8xi32>
    %select_n3A_174 = arith.select %lt3A_168, %select_n3A_124, %select_n3A_173 : vector<256x8xi1>, vector<256x8xi32>
    %reduce_min3A_175 = arith.constant dense<0x7F800000> : vector<256xf32>
    %reduce_min3A_176 = vector.multi_reduction <minimumf>, %select_n3A_140, %reduce_min3A_175 [1] : vector<256x2048xf32> to vector<256xf32>
    %broadcast_in_dim3A_177 = vector.shape_cast %reduce_min3A_176 : vector<256xf32> to vector<256x1xf32>
    %eq3A_178 = vector.broadcast %broadcast_in_dim3A_177 : vector<256x1xf32> to vector<256x2048xf32>
    %eq3A_179 = arith.cmpf oeq, %select_n3A_140, %eq3A_178 : vector<256x2048xf32>
    %jit3A_180 = arith.constant 1073741824 : i32
    %broadcast_in_dim3A_181 = vector.broadcast %jit3A_180 : i32 to vector<256x2048xi32>
    %select_n3A_182 = arith.select %eq3A_179, %iota3A, %broadcast_in_dim3A_181 : vector<256x2048xi1>, vector<256x2048xi32>
    %reduce_min3A_183 = arith.constant dense<2147483647> : vector<256xi32>
    %reduce_min3A_184 = vector.multi_reduction <minsi>, %select_n3A_182, %reduce_min3A_183 [1] : vector<256x2048xi32> to vector<256xi32>
    %broadcast_in_dim3A_185 = vector.shape_cast %reduce_min3A_184 : vector<256xi32> to vector<256x1xi32>
    %eq3A_186 = vector.broadcast %broadcast_in_dim3A_185 : vector<256x1xi32> to vector<256x2048xi32>
    %eq3A_187 = arith.cmpi eq, %iota3A, %eq3A_186 : vector<256x2048xi32>
    %jit3A_188 = arith.constant 0x7F800000 : f32
    %broadcast_in_dim3A_189 = vector.broadcast %jit3A_188 : f32 to vector<256x2048xf32>
    %select_n3A_190 = arith.select %eq3A_187, %broadcast_in_dim3A_189, %select_n3A_140 : vector<256x2048xi1>, vector<256x2048xf32>
    %add3A_191 = vector.broadcast %mul3A_26 : i32 to vector<256x1xi32>
    %add3A_192 = arith.addi %broadcast_in_dim3A_185, %add3A_191 : vector<256x1xi32>
    %lt3A_193 = vector.broadcast %broadcast_in_dim3A_177 : vector<256x1xf32> to vector<256x8xf32>
    %lt3A_194 = arith.cmpf olt, %lt3A_193, %select_n3A_166 : vector<256x8xf32>
    %convert_element_type3A_195 = arith.extui %lt3A_194 : vector<256x8xi1> to vector<256x8xi32>
    %reduce_sum3A_196 = arith.constant dense<0> : vector<256xi32>
    %reduce_sum3A_197 = vector.multi_reduction <add>, %convert_element_type3A_195, %reduce_sum3A_196 [1] : vector<256x8xi32> to vector<256xi32>
    %broadcast_in_dim3A_198 = vector.shape_cast %reduce_sum3A_197 : vector<256xi32> to vector<256x1xi32>
    %sub3A_199 = arith.constant 8 : i32
    %sub3A_200 = vector.broadcast %sub3A_199 : i32 to vector<256x1xi32>
    %sub3A_201 = arith.subi %sub3A_200, %broadcast_in_dim3A_198 : vector<256x1xi32>
    %iota3A_202 = tpu.iota {dimensions = array<i32: 1>} : vector<256x8xi32>
    %slice3A_203 = vector.extract_strided_slice %select_n3A_166 {offsets = [0, 0], sizes = [256, 1], strides = [1, 1]} : vector<256x8xf32> to vector<256x1xf32>
    %slice3A_204 = vector.extract_strided_slice %select_n3A_166 {offsets = [0, 0], sizes = [256, 7], strides = [1, 1]} : vector<256x8xf32> to vector<256x7xf32>
    %concatenate3A_205 = tpu.concatenate %slice3A_203, %slice3A_204 in 1 : vector<256x1xf32>, vector<256x7xf32> -> vector<256x8xf32>
    %slice3A_206 = vector.extract_strided_slice %select_n3A_174 {offsets = [0, 0], sizes = [256, 1], strides = [1, 1]} : vector<256x8xi32> to vector<256x1xi32>
    %slice3A_207 = vector.extract_strided_slice %select_n3A_174 {offsets = [0, 0], sizes = [256, 7], strides = [1, 1]} : vector<256x8xi32> to vector<256x7xi32>
    %concatenate3A_208 = tpu.concatenate %slice3A_206, %slice3A_207 in 1 : vector<256x1xi32>, vector<256x7xi32> -> vector<256x8xi32>
    %lt3A_209 = vector.broadcast %sub3A_201 : vector<256x1xi32> to vector<256x8xi32>
    %lt3A_210 = arith.cmpi slt, %iota3A_202, %lt3A_209 : vector<256x8xi32>
    %eq3A_211 = vector.broadcast %sub3A_201 : vector<256x1xi32> to vector<256x8xi32>
    %eq3A_212 = arith.cmpi eq, %iota3A_202, %eq3A_211 : vector<256x8xi32>
    %broadcast_in_dim3A_213 = vector.shape_cast %broadcast_in_dim3A_177 : vector<256x1xf32> to vector<256x1xf32>
    %broadcast_in_dim3A_214 = vector.broadcast %broadcast_in_dim3A_213 : vector<256x1xf32> to vector<256x8xf32>
    %select_n3A_215 = arith.select %eq3A_212, %broadcast_in_dim3A_214, %concatenate3A_205 : vector<256x8xi1>, vector<256x8xf32>
    %select_n3A_216 = arith.select %lt3A_210, %select_n3A_166, %select_n3A_215 : vector<256x8xi1>, vector<256x8xf32>
    %lt3A_217 = vector.broadcast %sub3A_201 : vector<256x1xi32> to vector<256x8xi32>
    %lt3A_218 = arith.cmpi slt, %iota3A_202, %lt3A_217 : vector<256x8xi32>
    %eq3A_219 = vector.broadcast %sub3A_201 : vector<256x1xi32> to vector<256x8xi32>
    %eq3A_220 = arith.cmpi eq, %iota3A_202, %eq3A_219 : vector<256x8xi32>
    %broadcast_in_dim3A_221 = vector.shape_cast %add3A_192 : vector<256x1xi32> to vector<256x1xi32>
    %broadcast_in_dim3A_222 = vector.broadcast %broadcast_in_dim3A_221 : vector<256x1xi32> to vector<256x8xi32>
    %select_n3A_223 = arith.select %eq3A_220, %broadcast_in_dim3A_222, %concatenate3A_208 : vector<256x8xi1>, vector<256x8xi32>
    %select_n3A_224 = arith.select %lt3A_218, %select_n3A_174, %select_n3A_223 : vector<256x8xi1>, vector<256x8xi32>
    %reduce_min3A_225 = arith.constant dense<0x7F800000> : vector<256xf32>
    %reduce_min3A_226 = vector.multi_reduction <minimumf>, %select_n3A_190, %reduce_min3A_225 [1] : vector<256x2048xf32> to vector<256xf32>
    %broadcast_in_dim3A_227 = vector.shape_cast %reduce_min3A_226 : vector<256xf32> to vector<256x1xf32>
    %eq3A_228 = vector.broadcast %broadcast_in_dim3A_227 : vector<256x1xf32> to vector<256x2048xf32>
    %eq3A_229 = arith.cmpf oeq, %select_n3A_190, %eq3A_228 : vector<256x2048xf32>
    %jit3A_230 = arith.constant 1073741824 : i32
    %broadcast_in_dim3A_231 = vector.broadcast %jit3A_230 : i32 to vector<256x2048xi32>
    %select_n3A_232 = arith.select %eq3A_229, %iota3A, %broadcast_in_dim3A_231 : vector<256x2048xi1>, vector<256x2048xi32>
    %reduce_min3A_233 = arith.constant dense<2147483647> : vector<256xi32>
    %reduce_min3A_234 = vector.multi_reduction <minsi>, %select_n3A_232, %reduce_min3A_233 [1] : vector<256x2048xi32> to vector<256xi32>
    %broadcast_in_dim3A_235 = vector.shape_cast %reduce_min3A_234 : vector<256xi32> to vector<256x1xi32>
    %add3A_236 = vector.broadcast %mul3A_26 : i32 to vector<256x1xi32>
    %add3A_237 = arith.addi %broadcast_in_dim3A_235, %add3A_236 : vector<256x1xi32>
    %lt3A_238 = vector.broadcast %broadcast_in_dim3A_227 : vector<256x1xf32> to vector<256x8xf32>
    %lt3A_239 = arith.cmpf olt, %lt3A_238, %select_n3A_216 : vector<256x8xf32>
    %convert_element_type3A_240 = arith.extui %lt3A_239 : vector<256x8xi1> to vector<256x8xi32>
    %reduce_sum3A_241 = arith.constant dense<0> : vector<256xi32>
    %reduce_sum3A_242 = vector.multi_reduction <add>, %convert_element_type3A_240, %reduce_sum3A_241 [1] : vector<256x8xi32> to vector<256xi32>
    %broadcast_in_dim3A_243 = vector.shape_cast %reduce_sum3A_242 : vector<256xi32> to vector<256x1xi32>
    %sub3A_244 = arith.constant 8 : i32
    %sub3A_245 = vector.broadcast %sub3A_244 : i32 to vector<256x1xi32>
    %sub3A_246 = arith.subi %sub3A_245, %broadcast_in_dim3A_243 : vector<256x1xi32>
    %iota3A_247 = tpu.iota {dimensions = array<i32: 1>} : vector<256x8xi32>
    %slice3A_248 = vector.extract_strided_slice %select_n3A_216 {offsets = [0, 0], sizes = [256, 1], strides = [1, 1]} : vector<256x8xf32> to vector<256x1xf32>
    %slice3A_249 = vector.extract_strided_slice %select_n3A_216 {offsets = [0, 0], sizes = [256, 7], strides = [1, 1]} : vector<256x8xf32> to vector<256x7xf32>
    %concatenate3A_250 = tpu.concatenate %slice3A_248, %slice3A_249 in 1 : vector<256x1xf32>, vector<256x7xf32> -> vector<256x8xf32>
    %slice3A_251 = vector.extract_strided_slice %select_n3A_224 {offsets = [0, 0], sizes = [256, 1], strides = [1, 1]} : vector<256x8xi32> to vector<256x1xi32>
    %slice3A_252 = vector.extract_strided_slice %select_n3A_224 {offsets = [0, 0], sizes = [256, 7], strides = [1, 1]} : vector<256x8xi32> to vector<256x7xi32>
    %concatenate3A_253 = tpu.concatenate %slice3A_251, %slice3A_252 in 1 : vector<256x1xi32>, vector<256x7xi32> -> vector<256x8xi32>
    %lt3A_254 = vector.broadcast %sub3A_246 : vector<256x1xi32> to vector<256x8xi32>
    %lt3A_255 = arith.cmpi slt, %iota3A_247, %lt3A_254 : vector<256x8xi32>
    %eq3A_256 = vector.broadcast %sub3A_246 : vector<256x1xi32> to vector<256x8xi32>
    %eq3A_257 = arith.cmpi eq, %iota3A_247, %eq3A_256 : vector<256x8xi32>
    %broadcast_in_dim3A_258 = vector.shape_cast %broadcast_in_dim3A_227 : vector<256x1xf32> to vector<256x1xf32>
    %broadcast_in_dim3A_259 = vector.broadcast %broadcast_in_dim3A_258 : vector<256x1xf32> to vector<256x8xf32>
    %select_n3A_260 = arith.select %eq3A_257, %broadcast_in_dim3A_259, %concatenate3A_250 : vector<256x8xi1>, vector<256x8xf32>
    %select_n3A_261 = arith.select %lt3A_255, %select_n3A_216, %select_n3A_260 : vector<256x8xi1>, vector<256x8xf32>
    %lt3A_262 = vector.broadcast %sub3A_246 : vector<256x1xi32> to vector<256x8xi32>
    %lt3A_263 = arith.cmpi slt, %iota3A_247, %lt3A_262 : vector<256x8xi32>
    %eq3A_264 = vector.broadcast %sub3A_246 : vector<256x1xi32> to vector<256x8xi32>
    %eq3A_265 = arith.cmpi eq, %iota3A_247, %eq3A_264 : vector<256x8xi32>
    %broadcast_in_dim3A_266 = vector.shape_cast %add3A_237 : vector<256x1xi32> to vector<256x1xi32>
    %broadcast_in_dim3A_267 = vector.broadcast %broadcast_in_dim3A_266 : vector<256x1xi32> to vector<256x8xi32>
    %select_n3A_268 = arith.select %eq3A_265, %broadcast_in_dim3A_267, %concatenate3A_253 : vector<256x8xi1>, vector<256x8xi32>
    %select_n3A_269 = arith.select %lt3A_263, %select_n3A_224, %select_n3A_268 : vector<256x8xi1>, vector<256x8xi32>
    %swap3A = arith.constant 0 : index
    %swap3A_270 = arith.constant 0 : index
    %swap3A_271 = vector.load %arg5[%swap3A, %swap3A_270] : memref<256x8xf32, #tpu.memory_space<vmem>>, vector<256x8xf32>
    tpu.vector_store %arg5[%swap3A, %swap3A_270], %select_n3A_261 {strides = array<i32>} : memref<256x8xf32, #tpu.memory_space<vmem>>, vector<256x8xf32>,
    %swap3A_272 = arith.constant 0 : index
    %swap3A_273 = arith.constant 0 : index
    %swap3A_274 = vector.load %arg6[%swap3A_272, %swap3A_273] : memref<256x8xi32, #tpu.memory_space<vmem>>, vector<256x8xi32>
    tpu.vector_store %arg6[%swap3A_272, %swap3A_273], %select_n3A_269 {strides = array<i32>} : memref<256x8xi32, #tpu.memory_space<vmem>>, vector<256x8xi32>,
    %eq3A_275 = arith.constant 7 : i32
    %eq3A_276 = arith.cmpi eq, %arg1, %eq3A_275 : i32
    %convert_element_type3A_277 = arith.extui %eq3A_276 : i1 to i32
    %cond3A_278 = arith.constant 0 : i32
    %cond3A_279 = arith.cmpi ne, %convert_element_type3A_277, %cond3A_278 : i32
    scf.if %cond3A_279 {
      %get3A_280 = arith.constant 0 : index
      %get3A_281 = arith.constant 0 : index
      %get3A_282 = vector.load %arg6[%get3A_280, %get3A_281] : memref<256x8xi32, #tpu.memory_space<vmem>>, vector<256x8xi32>
      %transpose3A = tpu.transpose %get3A_282, [1, 0] : vector<256x8xi32> -> vector<8x256xi32>
      %swap3A_283 = arith.constant 0 : index
      %swap3A_284 = arith.constant 0 : index
      %swap3A_285 = vector.load %arg4[%swap3A_283, %swap3A_284] : memref<8x256xi32, #tpu.memory_space<vmem>>, vector<8x256xi32>
      tpu.vector_store %arg4[%swap3A_283, %swap3A_284], %transpose3A {strides = array<i32>} : memref<8x256xi32, #tpu.memory_space<vmem>>, vector<8x256xi32>,
    } else {
    }
    return
  }
  func.func @transform_0(%arg0: i32, %arg1: i32) -> (i32, i32) {
    %c0_i32 = arith.constant 0 : i32
    %c0_i32_0 = arith.constant 0 : i32
    return %arg0, %c0_i32 : i32, i32
  }
  func.func @transform_1(%arg0: i32, %arg1: i32) -> (i32, i32) {
    %c0_i32 = arith.constant 0 : i32
    %c0_i32_0 = arith.constant 0 : i32
    return %c0_i32, %arg1 : i32, i32
  }
  func.func @transform_2(%arg0: i32, %arg1: i32) -> (i32, i32) {
    %c0_i32 = arith.constant 0 : i32
    %c0_i32_0 = arith.constant 0 : i32
    return %c0_i32, %arg0 : i32, i32
  }
}

</mosaic_0001>

<sc_bundles>
// kernel: kernel.4.cloned.1.call-start
scs
__scs_entry_jumppad:
0x0: {  	(pc) =	sbr.rel $0x88, $3  }
0x1: {  	(tag) =	ssettag $0x0;
	lr =	simm.s32 $0x1  }
0x2: {  	[smem:$0x3F9D] =	sst lr;
	_ =	strace $0xD0000000  }
0x3: {  	_ = 	snop  }
0x4: {  	_ = 	snop  }
0x5: {  	_ = 	snop  }
0x6: {  	_ = 	snop  }
0x7: {  	_ = 	snop  }
__scs_overlays_trampoline_lowered:
0x8: {  	[smem:$0x3FAC] =	sst s0  }
0x9: {  	[smem:$0x3FAD] =	sst s1  }
0xa: {  	[smem:$0x3FAE] =	sst s2  }
0xb: {  	[smem:$0x3FAF] =	sst s3  }
0xc: {  	[smem:$0x3FB0] =	sst s4  }
0xd: {  	[smem:$0x3FB1] =	sst s5  }
0xe: {  	[smem:$0x3FB2] =	sst s6  }
0xf: {  	[smem:$0x3FB3] =	sst s7  }
0x10: {  	[smem:$0x3FB4] =	sst s8  }
0x11: {  	[smem:$0x3FB5] =	sst s9;
	s0 =	simm.s32 @!p0 $0x0  }
0x12: {  	s1 =	sld [smem:$0x3F9B];
	s0 =	simm.s32 @p0 $0x1  }
0x13: {  	[smem:$0x3FB6] =	sst s0;
	s0 =	simm.s32 @!p1 $0x0  }
0x14: {  	s2 =	sld [smem:$0x3F9A];
	s0 =	simm.s32 @p1 $0x1  }
0x15: {  	[smem:$0x3FB7] =	sst s0;
	s0 =	simm.s32 @!p2 $0x0  }
0x16: {  	s3 =	sld [smem:$0x3FDB];
	s0 =	simm.s32 @p2 $0x1  }
0x17: {  	s4 =	simm.s32 $0x1BF5;
	[smem:$0x3FB9] =	sst s0  }
0x18: {  	s0 =	sld [smem:$0x3F9C];
	_ =	swait.ge [sflag:s4], $0x0  }
0x19: {  	s7 =	sld [smem:$0x3F9D]  }
0x1a: {  	s8 =	sadd.s32 $0xFFFFE003, lr  }
0x1b: {  	s9 =	sadd.s32 $0xFFFFFEF7, lr;
	s5 =	simm.s32 $0xFFFFFFFF;
	p2 =	slt.u32 s8, $0xFFFFF086  }
0x1c: {  	p1 =	slt.u32 s9, $0xF7A;
	s5 =	simm.s32 @!p2 $0x0  }
0x1d: {  	s5 =	simm.s32 @p1 $0x1;
	p0 =	seq.s32 s7, s2  }
0x1e: {  	s7 =	smul.u32 @!p0 $0xF7A, s2;
	p2 =	seq.s32 @!p0 s5, $0x0  }
0x1f: {  	s9 =	smul.u32 $0xF7A, s1;
	s8 =	simm.s32 @!p0 $0x1BF5;
	p2 =	por !p2, p0  }
0x20: {  	[sflag:s8] =	ssyncset.s32 @!p0 $0xFFFFF086;
	s6 =	sadd.s32 @!p0 s3, s7;
	s7 =	simm.s32 @!p0 $0x108  }
0x21: {  	s3 =	sadd.s32 s3, s9;
	s6 =	sadd.s32 @!p0 $0x88, s6;
	s7 =	simm.s32 @p2 $0x1082  }
0x22: {  	[simem:s7], [sflag:s8] =	dma.local @!p0 [hbm:s6], $0xF7A  }
0x23: {  	s9 =	sor.u32 $0xD0000000, s2;
	s6 =	simm.s32 $0x108;
	_ =	swait.ge @!p0 [sflag:s8], $0x0  }
0x24: {  	s3 =	sadd.s32 $0x88, s3;
	s6 =	simm.s32 @!p1 $0x1082;
	[sflag:s4] =	ssyncset.s32 $0xFFFFF086  }
0x25: {  	[simem:s6], [sflag:s4] =	dma.local [hbm:s3], $0xF7A  }
0x26: {  	[smem:$0x3F9D] =	sst s1;
	(tag) =	ssettag s2;
	_ =	strace s9  }
0x27: {  	s1 =	sld [smem:$0x3FAD]  }
0x28: {  	s2 =	sld [smem:$0x3FAE]  }
0x29: {  	s4 =	sld [smem:$0x3FB0]  }
0x2a: {  	p0 =	seq.s32 s5, $0x0;
	s5 =	sld [smem:$0x3FB1]  }
0x2b: {  	s6 =	sld [smem:$0x3FB2]  }
0x2c: {  	s7 =	sld [smem:$0x3FB3]  }
0x2d: {  	s3 =	simm.s32 $0x108;
	s8 =	sld [smem:$0x3FB4]  }
0x2e: {  	s3 =	simm.s32 @!p0 $0x1082;
	s9 =	sld [smem:$0x3FB5]  }
0x2f: {  	lr =	sadd.s32 s0, s3;
	s0 =	sld [smem:$0x3FAC]  }
0x30: {  	s3 =	sld [smem:$0x3FAF]  }
0x31: {  	[smem:$0x3FB8] =	sst s10  }
0x32: {  	s10 =	sld [smem:$0x3FB6];
	_ =	sdelay $0x3  }
0x33: {  	p0 =	seq.s32 s10, $0x1;
	s10 =	sld [smem:$0x3FB8];
	_ =	sdelay $0x3  }
0x34: {  	[smem:$0x3FB8] =	sst s10  }
0x35: {  	s10 =	sld [smem:$0x3FB7];
	_ =	sdelay $0x3  }
0x36: {  	p1 =	seq.s32 s10, $0x1;
	s10 =	sld [smem:$0x3FB8];
	_ =	sdelay $0x3  }
0x37: {  	[smem:$0x3FB8] =	sst s10  }
0x38: {  	s10 =	sld [smem:$0x3FB9]  }
0x39: {  	_ = 	snop;
	(pc) =	sbr.ind lr, $3  }
0x3a: {  	_ = 	snop  }
0x3b: {  	_ = 	snop  }
0x3c: {  	p2 =	seq.s32 s10, $0x1;
	s10 =	sld [smem:$0x3FB8]  }
0x3d: {  	_ =	shalt  }
0x3e: {  	_ =	shalt  }
0x3f: {  	_ =	shalt  }
0x40: {  	_ =	shalt  }
0x41: {  	_ =	shalt  }
0x42: {  	_ =	shalt  }
0x43: {  	_ =	shalt  }
0x44: {  	_ =	shalt  }
0x45: {  	_ =	shalt  }
0x46: {  	_ =	shalt  }
0x47: {  	_ =	shalt  }
0x48: {  	_ =	shalt  }
0x49: {  	_ =	shalt  }
0x4a: {  	_ =	shalt  }
0x4b: {  	_ =	shalt  }
0x4c: {  	_ =	shalt  }
0x4d: {  	_ =	shalt  }
0x4e: {  	_ =	shalt  }
0x4f: {  	_ =	shalt  }
0x50: {  	_ =	shalt  }
0x51: {  	_ =	shalt  }
0x52: {  	_ =	shalt  }
0x53: {  	_ =	shalt  }
0x54: {  	_ =	shalt  }
0x55: {  	_ =	shalt  }
0x56: {  	_ =	shalt  }
0x57: {  	_ =	shalt  }
0x58: {  	_ =	shalt  }
0x59: {  	_ =	shalt  }
0x5a: {  	_ =	shalt  }
0x5b: {  	_ =	shalt  }
0x5c: {  	_ =	shalt  }
0x5d: {  	_ =	shalt  }
0x5e: {  	_ =	shalt  }
0x5f: {  	_ =	shalt  }
0x60: {  	_ =	shalt  }
0x61: {  	_ =	shalt  }
0x62: {  	_ =	shalt  }
0x63: {  	_ =	shalt  }
0x64: {  	_ =	shalt  }
0x65: {  	_ =	shalt  }
0x66: {  	_ =	shalt  }
0x67: {  	_ =	shalt  }
0x68: {  	_ =	shalt  }
0x69: {  	_ =	shalt  }
0x6a: {  	_ =	shalt  }
0x6b: {  	_ =	shalt  }
0x6c: {  	_ =	shalt  }
0x6d: {  	_ =	shalt  }
0x6e: {  	_ =	shalt  }
0x6f: {  	_ =	shalt  }
0x70: {  	_ =	shalt  }
0x71: {  	_ =	shalt  }
0x72: {  	_ =	shalt  }
0x73: {  	_ =	shalt  }
0x74: {  	_ =	shalt  }
0x75: {  	_ =	shalt  }
0x76: {  	_ =	shalt  }
0x77: {  	_ =	shalt  }
0x78: {  	_ =	shalt  }
0x79: {  	_ =	shalt  }
0x7a: {  	_ =	shalt  }
0x7b: {  	_ =	shalt  }
0x7c: {  	_ =	shalt  }
0x7d: {  	_ =	shalt  }
0x7e: {  	_ =	shalt  }
0x7f: {  	_ =	shalt  }
0x80: {  	_ =	shalt  }
0x81: {  	_ =	shalt  }
0x82: {  	_ =	shalt  }
0x83: {  	_ =	shalt  }
0x84: {  	_ =	shalt  }
0x85: {  	_ =	shalt  }
0x86: {  	_ =	shalt  }
0x87: {  	_ =	shalt  }
.Lfunc_end0:
.L_simem_size_0:
called_computation_lowered:
.L_overlay_start_0:
0x88: {  	s2 =	sld [smem:$0x3FD9]  }
0x89: {  	s3 =	sld [smem:$0x3FFE];
	_ =	sdelay $0x1  }
0x8a: {  	s1 =	srdreg.scid  }
0x8b: {  	s0 =	sand.u32 $0x1, s1  }
0x8c: {  	s17 =	sshll.u32 s0, $0xA;
	s2 =	sadd.s32 s3, s2  }
0x8d: {  	s2 =	sadd.s32 s2, s17  }
0x8e: {  	[smem:$0x3FC4] =	sst s2  }
0x8f: {  	_ = 	snop  }
0x90: {  	s2 =	sld [smem:$0x3FC7]  }
0x91: {  	s18 =	sld [smem:$0x3FD0];
	(tm) =	ssettm $0x1  }
0x92: {  	s4 =	sld [smem:$0x3FFB];
	_ =	sdelay $0x3  }
0x93: {  	_ =	strace s4  }
0x94: {  	s4 =	sld [smem:$0x3FFC];
	_ =	sdelay $0x3  }
0x95: {  	_ =	strace s4  }
0x96: {  	s4 =	sld [smem:$0x3FFD];
	_ =	sdelay $0x3  }
0x97: {  	_ =	strace s4  }
0x98: {  	_ =	strace $0x8FFFFFFF  }
0x99: {  	s19 =	sld [smem:$0x3FDB];
	_ =	sdelay $0x1  }
0x9a: {  	s5 =	simm.s32 $_scs_section_size  }
0x9b: {  	s6 =	simm.s32 $_size__tile_overlayer_lowered;
	s7 =	simm.s32 $_tile_overlayer_lowered  }
0x9c: {  	s22 =	simm.s32 $0x1BFF;
	s21 =	sshll.u32 s7, $0x1;
	s4 =	sadd.s32 s5, s19  }
0x9d: {  	s8 =	simm.s32 $0x0;
	s20 =	sshll.u32 s6, $0x1;
	s6 =	sadd.s32 s21, s4  }
0x9e: {  	[timem:s8], [sflag:s22] =	dma.local [hbm:s6], s20  }
0x9f: {  	_ =	swait.ge [sflag:s22], s20  }
0xa0: {  	s5 =	ssub.s32 $0x0, s20;
	[sflag:s22] =	ssyncset.done $0x0  }
0xa1: {  	[sflag:s22] =	ssyncadd.s32 s5;
	_ =	sdelay $0x1  }
0xa2: {  	s23 =	simm.s32 $0x1B8B  }
0xa3: {  	_ =	swait.ge [sflag:s23], $0x1  }
0xa4: {  	[sflag:s23] =	ssyncset.done $0x0  }
0xa5: {  	s25 =	simm.s32 $0x1B8E;
	s24 =	sld [smem:$0x3FFE];
	[sflag:s23] =	ssyncadd.s32 $0xFFFFFFFF  }
0xa6: {  	s26 =	simm.s32 $execute0_lowered;
	[smem:$0x3FD2] =	sst s25  }
0xa7: {  	s6 =	sshll.u32 s26, $0x1;
	_ =	strace $0x80000046;
	[dreg:$0x1] =	wrdreg $0xFFFFFFFF  }
0xa8: {  	s28 =	simm.s32 $_size_execute0_lowered;
	s4 =	sadd.s32 s4, s6;
	[dreg:$0x0] =	wrdreg $0x0  }
0xa9: {  	s6 =	sshll.u32 s28, $0x1;
	[dreg:$0x2] =	wrdreg s4  }
0xaa: {  	[dreg:$0x3] =	wrdreg s6  }
0xab: {  	[dreg:$0x4] =	wrdreg $0xC0  }
0xac: {  	_ =	task [dreg:s8], $0x5FFFF  }
0xad: {  	[dreg:$0x1] =	wrdreg $0xFFFFFFFF  }
0xae: {  	[dreg:$0x0] =	wrdreg $0x60  }
0xaf: {  	[dreg:$0x2] =	wrdreg s24  }
0xb0: {  	[dreg:$0x3] =	wrdreg s2  }
0xb1: {  	[dreg:$0x4] =	wrdreg s18  }
0xb2: {  	[dreg:$0x5] =	wrdreg $0x9  }
0xb3: {  	_ =	task.clear_ibuf [dreg:s8], $0x6FFFF;
	_ =	strace $0x90000046  }
0xb4: {  	s29 =	simm.s32 $0x9;
	_ =	strace $0x80000048  }
0xb5: {  	_ =	swait.ge [sflag:s29], $0x1  }
0xb6: {  	[sflag:s29] =	ssyncadd.s32 $0xFFFFFFFF  }
0xb7: {  	_ =	strace $0x90000048  }
0xb8: {  	_ =	sfence  }
0xb9: {  	s30 =	sld [smem:$0x0];
	_ =	sdelay $0x2  }
0xba: {  	s31 =	sshll.u32 s1, $0xD;
	s1 =	sshrl.u32 s1, $0x2  }
0xbb: {  	s3 =	sand.u32 $0x4000, s31;
	s1 =	sadd.s32 s1, s30  }
0xbc: {  	s0 =	sor.u32 s3, s0;
	s1 =	sshll.u32 s1, $0x11  }
0xbd: {  	s0 =	sor.u32 s1, s0  }
0xbe: {  	s0 =	sadd.s32 $0x8F2B, s0  }
0xbf: {  	[sflag:s0] =	ssyncadd.remote.s32 $0x1  }
0xc0: {  	_ =	sfence.sel $0xFFFF  }
0xc1: {  	[dreg:$0x0] =	wrdreg $0xFFFFFFFF;
	(pc) =	sbr.abs _section_cstart, $3  }
0xc2: {  	[dreg:$0x1] =	wrdreg $0xFFFFFFFF  }
0xc3: {  	_ =	task.clear_ibuf [dreg:s8], $0x2FFFF;
	_ =	strace $0x9FFFFFFF  }
0xc4: {  	(tm) =	ssettm $0x7FFFFFFF  }
0xc5: {  	_ =	shalt  }
tec
execute0_lowered:
.L_overlay_start_1:
0x0: {  	(tag) =	ssettag $0x1  }
0x1: {  	s4 =	rddreg [dreg:$0x0]  }
0x2: {  	s2 =	rddreg [dreg:$0x1]  }
0x3: {  	s6 =	rddreg [dreg:$0x2]  }
0x4: {  	s0 =	rddreg [dreg:$0x3];
	s5 =	srdreg.scid  }
0x5: {  	s1 =	stileid.u32;
	s3 =	simm.s32 $0x0;
	s10 =	simm.s32 $0x4400  }
0x6: {  	s11 =	simm.s32 $0x4480;
	s5 =	sand.u32 $0x1, s5;
	s7 =	sshll.u32 s1, $0x1  }
0x7: {  	[smem:$0x7FF] =	sst s3;
	s7 =	sor.u32 s5, s7;
	s5 =	ssub.s32 $0x2, s5  }
0x8: {  	_ =	strace $0x80000047;
	s8 =	sshll.u32 s7, $0x7;
	s9 =	sshrl.u32 s5, $0x1  }
0x9: {  	s7 =	sshll.u32 s7, $0x4;
	s8 =	sadd.s32 s8, s4;
	s4 =	sadd.s32 $0x1800, s4  }
0xa: {  	s9 =	ssub.s32 s5, s9;
	s6 =	sadd.s32 s6, s7;
	s5 =	sadd.s32 $0x800, s8  }
0xb: {  	v0 =	vimm.s32 $0x0;
	s7 =	smax.u32 s9, $0x1;
	s8 =	simm.s32 $0x400;
	s9 =	simm.s32 $0x1  }
.LBB2_1:
0xc: {  	[tilespmem:s8], [sflag:$0x1] =	stream.linear.gather [hbm4b:s2+s3], $0x4000, $0x38;
	[tilespmem:$0x4500] =	vst v63  }
0xd: {  	_ =	swait.ge [sflag:s9], $0x4000  }
0xe: {  	[sflag:s9] =	ssyncset.done $0x0  }
0xf: {  	[sflag:s9] =	ssyncadd.s32 $0xFFFFC000  }
0x10: {  	[tilespmem:s3], [sflag:$0x1] =	stream.linear.gather [hbm4b:s5+s3], $0x280, $0x38;
	[tilespmem:$0x4500] =	vst v63  }
0x11: {  	_ =	swait.ge [sflag:s9], $0x280  }
0x12: {  	[sflag:s9] =	ssyncset.done $0x0  }
0x13: {  	[sflag:s9] =	ssyncadd.s32 $0xFFFFFD80  }
0x14: {  	[tilespmem:s10], [sflag:$0x1] =	stream.linear.gather [hbm4b:s4+s3], $0x80, $0x38;
	[tilespmem:$0x4500] =	vst v63  }
0x15: {  	_ =	swait.ge [sflag:s9], $0x80  }
0x16: {  	[sflag:s9] =	ssyncset.done $0x0  }
0x17: {  	[sflag:s9] =	ssyncadd.s32 $0xFFFFFF80  }
0x18: {  	v1 =	vld [tilespmem:$0x0]  }
0x19: {  	v2 =	vld [tilespmem:$0x80]  }
0x1a: {  	v3 =	vld [tilespmem:$0x100]  }
0x1b: {  	v4 =	vld [tilespmem:$0x180]  }
0x1c: {  	v5 =	vld [tilespmem:$0x200];
	_ =	sdelay $0x2  }
0x1d: {  	v6 =	vld [tilespmem:$0x4400]  }
0x1e: {  	v7 =	vld.idx.msk [tilespmem:v1+s8+$0x0], $0xffff  }
0x1f: {  	v8 =	vld.idx.msk [tilespmem:v2+s8+$0x0], $0xffff  }
0x20: {  	v9 =	vld.idx.msk [tilespmem:v3+s8+$0x0], $0xffff  }
0x21: {  	v10 =	vld.idx.msk [tilespmem:v4+s8+$0x0], $0xffff  }
0x22: {  	v11 =	vld.idx.msk [tilespmem:v5+s8+$0x0], $0xffff;
	_ =	sdelay $0x1  }
0x23: {  	vm3 =	vgt.s32 v6, $0x0;
	vm4 =	vgt.s32 v6, $0x1  }
0x24: {  	vm2 =	vgt.s32 v6, $0x2;
	vm1 =	vgt.s32 v6, $0x3;
	v1 =	vsel vm3, $0x1, v0  }
0x25: {  	vm7 =	veq.s32 v8, v7;
	vm8 =	veq.s32 v9, v7;
	vm6 =	veq.s32 v10, v7  }
0x26: {  	vm5 =	veq.s32 v11, v7;
	vm10 =	veq.s32 v9, v8;
	vm0 =	vmand vm4, vm7  }
0x27: {  	vm12 =	vmand vm2, vm8;
	vm9 =	vmand vm1, vm6;
	vm7 =	vmand vm3, vm7  }
0x28: {  	vm14 =	vmand vm2, vm10;
	vm8 =	vmand vm3, vm8;
	vm6 =	vmand vm3, vm6  }
0x29: {  	v2 =	vsel vm0, $0x1, v0;
	v3 =	vsel vm12, $0x1, v0;
	vm0 =	vgt.s32 v6, $0x4  }
0x2a: {  	v17 =	vsel vm7, $0x1, v0;
	v18 =	vsel vm14, $0x1, v0;
	vm7 =	veq.s32 v11, v8  }
0x2b: {  	v23 =	vsel vm8, $0x1, v0;
	vm12 =	vmand vm4, vm10;
	vm8 =	veq.s32 v10, v9  }
0x2c: {  	v29 =	vsel vm6, $0x1, v0;
	v2 =	vadd.s32 v1, v2;
	vm13 =	vmand vm0, vm5  }
0x2d: {  	vm15 =	vmand vm0, vm7;
	v24 =	vsel vm12, $0x1, v0;
	vm10 =	vmand vm1, vm8  }
0x2e: {  	vm12 =	veq.s32 v11, v9;
	v2 =	vadd.s32 v3, v2;
	v3 =	vsel vm9, $0x1, v0  }
0x2f: {  	vm14 =	vmand vm2, vm8;
	v2 =	vadd.s32 v3, v2;
	v3 =	vsel vm13, $0x1, v0  }
0x30: {  	vm5 =	vmand vm3, vm5;
	vm9 =	veq.s32 v10, v8;
	v2 =	vadd.s32 v3, v2  }
0x31: {  	v20 =	vsel vm15, $0x1, v0;
	v3 =	vshll.u32 v2, $0xA;
	v2 =	vsel vm4, $0x1, v0  }
0x32: {  	v25 =	vsel vm10, $0x1, v0;
	vm11 =	vmand vm1, vm9;
	v4 =	vadd.s32 v2, v17  }
0x33: {  	vm15 =	veq.s32 v11, v10;
	v19 =	vsel vm11, $0x1, v0;
	v4 =	vadd.s32 v18, v4  }
0x34: {  	v12 =	vsel vm14, $0x1, v0;
	v33 =	vsel vm5, $0x1, v0;
	v4 =	vadd.s32 v19, v4  }
0x35: {  	vm13 =	vmand vm0, vm12;
	v3 =	vsub.s32 v3, v7;
	v4 =	vadd.s32 v20, v4  }
0x36: {  	vm9 =	vmand vm4, vm9;
	v3 =	vadd.s32 $0x3FF, v3;
	v4 =	vshll.u32 v4, $0xA  }
0x37: {  	vm10 =	vmand vm0, vm15;
	v21 =	vshra.s32 v3, $0x1F;
	v4 =	vsub.s32 v4, v8  }
0x38: {  	v3 =	vor.u32 v21, v3;
	v22 =	vadd.s32 $0x3FF, v4;
	v4 =	vsel vm2, $0x1, v0  }
0x39: {  	vm12 =	vmand vm2, vm12;
	v3 =	vnsel vm3, $0xFFFFFFFF, v3;
	v7 =	vadd.s32 v4, v24  }
0x3a: {  	v26 =	vsel vm13, $0x1, v0;
	vm11 =	vgt.s32 v3, v22;
	v6 =	vadd.s32 v23, v7  }
0x3b: {  	v30 =	vsel vm9, $0x1, v0;
	v5 =	vsel vm11, v3, v22;
	v6 =	vadd.s32 v25, v6  }
0x3c: {  	v31 =	vsel vm10, $0x1, v0;
	v27 =	vsel vm4, v5, v3;
	v3 =	vadd.s32 v26, v6  }
0x3d: {  	vm11 =	vmand vm4, vm7;
	v28 =	vshll.u32 v3, $0xA;
	v3 =	vsel vm1, $0x1, v0  }
0x3e: {  	v32 =	vsel vm11, $0x1, v0;
	v7 =	vadd.s32 v3, v30;
	v5 =	vsub.s32 v28, v9  }
0x3f: {  	v6 =	vadd.s32 v29, v7;
	v9 =	vadd.s32 $0x3FF, v5;
	v5 =	vsel vm0, $0x1, v0  }
0x40: {  	v13 =	vsel vm12, $0x1, v0;
	v6 =	vadd.s32 v12, v6;
	v7 =	vadd.s32 v5, v32  }
0x41: {  	vm13 =	vmand vm1, vm15;
	v6 =	vadd.s32 v31, v6;
	v7 =	vadd.s32 v33, v7  }
0x42: {  	v34 =	vsel vm13, $0x1, v0;
	v6 =	vshll.u32 v6, $0xA;
	v7 =	vadd.s32 v13, v7  }
0x43: {  	v9 =	vnsel vm2, $0xFFFFFFFF, v9;
	v6 =	vsub.s32 v6, v10;
	v7 =	vadd.s32 v34, v7  }
0x44: {  	vm14 =	vgt.s32 v27, v9;
	v6 =	vadd.s32 $0x3FF, v6;
	v7 =	vshll.u32 v7, $0xA  }
0x45: {  	v8 =	vsel vm14, v27, v9;
	v6 =	vnsel vm1, $0xFFFFFFFF, v6;
	v7 =	vsub.s32 v7, v11  }
0x46: {  	v35 =	vld [tilespmem:$0x10];
	vm5 =	vgt.s32 v8, v6;
	v7 =	vadd.s32 $0x3FF, v7  }
0x47: {  	v36 =	vld [tilespmem:$0x90];
	v6 =	vsel vm5, v8, v6;
	v7 =	vnsel vm0, $0xFFFFFFFF, v7  }
0x48: {  	v37 =	vld [tilespmem:$0x110];
	vm5 =	vgt.s32 v6, v7  }
0x49: {  	v38 =	vld [tilespmem:$0x190];
	v6 =	vsel vm5, v6, v7  }
0x4a: {  	v39 =	vld [tilespmem:$0x210];
	v6 =	vandn.u32 $0x3FF, v6  }
0x4b: {  	v6 =	vcvt.s32.f32 v6;
	_ =	sdelay $0x1  }
0x4c: {  	[tilespmem:$0x4480] =	vst v6  }
0x4d: {  	v6 =	vld.idx.msk [tilespmem:v35+s8+$0x0], $0xffff  }
0x4e: {  	v8 =	vld.idx.msk [tilespmem:v36+s8+$0x0], $0xffff  }
0x4f: {  	v7 =	vld.idx.msk [tilespmem:v37+s8+$0x0], $0xffff  }
0x50: {  	v40 =	vld.idx.msk [tilespmem:v38+s8+$0x0], $0xffff  }
0x51: {  	v41 =	vld.idx.msk [tilespmem:v39+s8+$0x0], $0xffff;
	_ =	sdelay $0x3  }
0x52: {  	vm15 =	veq.s32 v8, v6  }
0x53: {  	vm8 =	veq.s32 v7, v6;
	vm6 =	veq.s32 v40, v6;
	vm5 =	veq.s32 v41, v6  }
0x54: {  	vm14 =	veq.s32 v7, v8;
	vm9 =	veq.s32 v40, v8;
	vm10 =	vmand vm4, vm15  }
0x55: {  	vm11 =	vmand vm2, vm8;
	vm12 =	vmand vm1, vm6;
	vm13 =	vmand vm0, vm5  }
0x56: {  	vm7 =	vmand vm3, vm15;
	vm15 =	vmand vm2, vm14;
	vm8 =	vmand vm3, vm8  }
0x57: {  	vm6 =	vmand vm3, vm6;
	vm5 =	vmand vm3, vm5;
	v42 =	vsel vm10, $0x1, v0  }
0x58: {  	v43 =	vsel vm11, $0x1, v0;
	v44 =	vsel vm12, $0x1, v0;
	v45 =	vsel vm13, $0x1, v0  }
0x59: {  	v46 =	vsel vm7, $0x1, v0;
	v47 =	vsel vm15, $0x1, v0;
	vm12 =	vmand vm1, vm9  }
0x5a: {  	vm7 =	veq.s32 v41, v8;
	vm10 =	vmand vm4, vm14;
	v51 =	vsel vm8, $0x1, v0  }
0x5b: {  	vm14 =	veq.s32 v40, v7;
	vm11 =	veq.s32 v41, v7;
	vm9 =	vmand vm4, vm9  }
0x5c: {  	v56 =	vsel vm6, $0x1, v0;
	v61 =	vsel vm5, $0x1, v0;
	v11 =	vadd.s32 v1, v42  }
0x5d: {  	v48 =	vsel vm12, $0x1, v0;
	vm13 =	vmand vm0, vm7;
	v52 =	vsel vm10, $0x1, v0  }
0x5e: {  	vm15 =	vmand vm1, vm14;
	vm12 =	vmand vm0, vm11;
	v11 =	vadd.s32 v43, v11  }
0x5f: {  	v57 =	vsel vm9, $0x1, v0;
	vm14 =	vmand vm2, vm14;
	v11 =	vadd.s32 v44, v11  }
0x60: {  	vm10 =	vmand vm4, vm7;
	v49 =	vsel vm13, $0x1, v0;
	v11 =	vadd.s32 v45, v11  }
0x61: {  	v12 =	vadd.s32 v4, v52;
	v53 =	vsel vm15, $0x1, v0;
	v11 =	vshll.u32 v11, $0xA  }
0x62: {  	v54 =	vsel vm12, $0x1, v0;
	v6 =	vsub.s32 v11, v6;
	v11 =	vadd.s32 v2, v46  }
0x63: {  	vm15 =	veq.s32 v41, v40;
	v58 =	vsel vm14, $0x1, v0;
	v11 =	vadd.s32 v47, v11  }
0x64: {  	v60 =	vsel vm10, $0x1, v0;
	vm12 =	vmand vm2, vm11;
	v11 =	vadd.s32 v48, v11  }
0x65: {  	vm9 =	vmand vm0, vm15;
	v6 =	vadd.s32 $0x3FF, v6;
	v11 =	vadd.s32 v49, v11  }
0x66: {  	v62 =	vsel vm12, $0x1, v0;
	v50 =	vshra.s32 v6, $0x1F;
	v11 =	vshll.u32 v11, $0xA  }
0x67: {  	v6 =	vor.u32 v50, v6;
	v8 =	vsub.s32 v11, v8;
	v11 =	vadd.s32 v51, v12  }
0x68: {  	v6 =	vnsel vm3, $0xFFFFFFFF, v6;
	v8 =	vadd.s32 $0x3FF, v8;
	v11 =	vadd.s32 v53, v11  }
0x69: {  	v59 =	vsel vm9, $0x1, v0;
	vm13 =	vgt.s32 v6, v8;
	v11 =	vadd.s32 v54, v11  }
0x6a: {  	v8 =	vsel vm13, v6, v8;
	v55 =	vshll.u32 v11, $0xA;
	v11 =	vadd.s32 v3, v57  }
0x6b: {  	vm13 =	vmand vm1, vm15;
	v6 =	vsel vm4, v8, v6;
	v8 =	vadd.s32 v56, v11  }
0x6c: {  	v7 =	vsub.s32 v55, v7;
	v11 =	vadd.s32 v5, v60;
	v8 =	vadd.s32 v58, v8  }
0x6d: {  	v63 =	vsel vm13, $0x1, v0;
	v11 =	vadd.s32 v61, v11;
	v8 =	vadd.s32 v59, v8  }
0x6e: {  	v7 =	vadd.s32 $0x3FF, v7;
	v11 =	vadd.s32 v62, v11;
	v8 =	vshll.u32 v8, $0xA  }
0x6f: {  	v7 =	vnsel vm2, $0xFFFFFFFF, v7;
	v13 =	vadd.s32 v63, v11;
	v8 =	vsub.s32 v8, v40  }
0x70: {  	vm14 =	vgt.s32 v6, v7;
	v9 =	vshll.u32 v13, $0xA;
	v8 =	vadd.s32 $0x3FF, v8  }
0x71: {  	v6 =	vsel vm14, v6, v7;
	v15 =	vsub.s32 v9, v41;
	v14 =	vnsel vm1, $0xFFFFFFFF, v8  }
0x72: {  	v16 =	vld [tilespmem:$0x20];
	v8 =	vadd.s32 $0x3FF, v15;
	vm5 =	vgt.s32 v6, v14  }
0x73: {  	v18 =	vld [tilespmem:$0xA0];
	v17 =	vnsel vm0, $0xFFFFFFFF, v8;
	v6 =	vsel vm5, v6, v14  }
0x74: {  	v19 =	vld [tilespmem:$0x120];
	vm5 =	vgt.s32 v6, v17  }
0x75: {  	v20 =	vld [tilespmem:$0x1A0];
	v6 =	vsel vm5, v6, v17  }
0x76: {  	v21 =	vld [tilespmem:$0x220];
	v6 =	vandn.u32 $0x3FF, v6  }
0x77: {  	v6 =	vcvt.s32.f32 v6;
	_ =	sdelay $0x1  }
0x78: {  	[tilespmem:$0x4490] =	vst v6  }
0x79: {  	v6 =	vld.idx.msk [tilespmem:v16+s8+$0x0], $0xffff  }
0x7a: {  	v8 =	vld.idx.msk [tilespmem:v18+s8+$0x0], $0xffff  }
0x7b: {  	v7 =	vld.idx.msk [tilespmem:v19+s8+$0x0], $0xffff  }
0x7c: {  	v22 =	vld.idx.msk [tilespmem:v20+s8+$0x0], $0xffff  }
0x7d: {  	v23 =	vld.idx.msk [tilespmem:v21+s8+$0x0], $0xffff;
	_ =	sdelay $0x3  }
0x7e: {  	vm15 =	veq.s32 v8, v6  }
0x7f: {  	vm8 =	veq.s32 v7, v6;
	vm6 =	veq.s32 v22, v6;
	vm5 =	veq.s32 v23, v6  }
0x80: {  	vm14 =	veq.s32 v7, v8;
	vm9 =	veq.s32 v22, v8;
	vm10 =	vmand vm4, vm15  }
0x81: {  	vm11 =	vmand vm2, vm8;
	vm12 =	vmand vm1, vm6;
	vm13 =	vmand vm0, vm5  }
0x82: {  	vm7 =	vmand vm3, vm15;
	vm15 =	vmand vm2, vm14;
	vm8 =	vmand vm3, vm8  }
0x83: {  	vm6 =	vmand vm3, vm6;
	vm5 =	vmand vm3, vm5;
	v24 =	vsel vm10, $0x1, v0  }
0x84: {  	v25 =	vsel vm11, $0x1, v0;
	v26 =	vsel vm12, $0x1, v0;
	v27 =	vsel vm13, $0x1, v0  }
0x85: {  	v28 =	vsel vm7, $0x1, v0;
	v29 =	vsel vm15, $0x1, v0;
	vm12 =	vmand vm1, vm9  }
0x86: {  	vm7 =	veq.s32 v23, v8;
	vm10 =	vmand vm4, vm14;
	v33 =	vsel vm8, $0x1, v0  }
0x87: {  	vm14 =	veq.s32 v22, v7;
	vm11 =	veq.s32 v23, v7;
	vm9 =	vmand vm4, vm9  }
0x88: {  	v38 =	vsel vm6, $0x1, v0;
	v43 =	vsel vm5, $0x1, v0;
	v11 =	vadd.s32 v1, v24  }
0x89: {  	v30 =	vsel vm12, $0x1, v0;
	vm13 =	vmand vm0, vm7;
	v34 =	vsel vm10, $0x1, v0  }
0x8a: {  	vm15 =	vmand vm1, vm14;
	vm12 =	vmand vm0, vm11;
	v11 =	vadd.s32 v25, v11  }
0x8b: {  	v39 =	vsel vm9, $0x1, v0;
	vm14 =	vmand vm2, vm14;
	v11 =	vadd.s32 v26, v11  }
0x8c: {  	vm10 =	vmand vm4, vm7;
	v31 =	vsel vm13, $0x1, v0;
	v11 =	vadd.s32 v27, v11  }
0x8d: {  	v12 =	vadd.s32 v4, v34;
	v35 =	vsel vm15, $0x1, v0;
	v11 =	vshll.u32 v11, $0xA  }
0x8e: {  	v36 =	vsel vm12, $0x1, v0;
	v6 =	vsub.s32 v11, v6;
	v11 =	vadd.s32 v2, v28  }
0x8f: {  	vm15 =	veq.s32 v23, v22;
	v40 =	vsel vm14, $0x1, v0;
	v11 =	vadd.s32 v29, v11  }
0x90: {  	v42 =	vsel vm10, $0x1, v0;
	vm12 =	vmand vm2, vm11;
	v11 =	vadd.s32 v30, v11  }
0x91: {  	vm9 =	vmand vm0, vm15;
	v6 =	vadd.s32 $0x3FF, v6;
	v11 =	vadd.s32 v31, v11  }
0x92: {  	v44 =	vsel vm12, $0x1, v0;
	v32 =	vshra.s32 v6, $0x1F;
	v11 =	vshll.u32 v11, $0xA  }
0x93: {  	v6 =	vor.u32 v32, v6;
	v8 =	vsub.s32 v11, v8;
	v11 =	vadd.s32 v33, v12  }
0x94: {  	v6 =	vnsel vm3, $0xFFFFFFFF, v6;
	v8 =	vadd.s32 $0x3FF, v8;
	v11 =	vadd.s32 v35, v11  }
0x95: {  	v41 =	vsel vm9, $0x1, v0;
	vm13 =	vgt.s32 v6, v8;
	v11 =	vadd.s32 v36, v11  }
0x96: {  	v8 =	vsel vm13, v6, v8;
	v37 =	vshll.u32 v11, $0xA;
	v11 =	vadd.s32 v3, v39  }
0x97: {  	vm13 =	vmand vm1, vm15;
	v6 =	vsel vm4, v8, v6;
	v8 =	vadd.s32 v38, v11  }
0x98: {  	v7 =	vsub.s32 v37, v7;
	v11 =	vadd.s32 v5, v42;
	v8 =	vadd.s32 v40, v8  }
0x99: {  	v45 =	vsel vm13, $0x1, v0;
	v11 =	vadd.s32 v43, v11;
	v8 =	vadd.s32 v41, v8  }
0x9a: {  	v7 =	vadd.s32 $0x3FF, v7;
	v11 =	vadd.s32 v44, v11;
	v8 =	vshll.u32 v8, $0xA  }
0x9b: {  	v7 =	vnsel vm2, $0xFFFFFFFF, v7;
	v46 =	vadd.s32 v45, v11;
	v8 =	vsub.s32 v8, v22  }
0x9c: {  	vm14 =	vgt.s32 v6, v7;
	v9 =	vshll.u32 v46, $0xA;
	v8 =	vadd.s32 $0x3FF, v8  }
0x9d: {  	v6 =	vsel vm14, v6, v7;
	v48 =	vsub.s32 v9, v23;
	v47 =	vnsel vm1, $0xFFFFFFFF, v8  }
0x9e: {  	v49 =	vld [tilespmem:$0x30];
	v8 =	vadd.s32 $0x3FF, v48;
	vm5 =	vgt.s32 v6, v47  }
0x9f: {  	v51 =	vld [tilespmem:$0xB0];
	v50 =	vnsel vm0, $0xFFFFFFFF, v8;
	v6 =	vsel vm5, v6, v47  }
0xa0: {  	v52 =	vld [tilespmem:$0x130];
	vm5 =	vgt.s32 v6, v50  }
0xa1: {  	v53 =	vld [tilespmem:$0x1B0];
	v6 =	vsel vm5, v6, v50  }
0xa2: {  	v54 =	vld [tilespmem:$0x230];
	v6 =	vandn.u32 $0x3FF, v6  }
0xa3: {  	v6 =	vcvt.s32.f32 v6;
	_ =	sdelay $0x1  }
0xa4: {  	[tilespmem:$0x44A0] =	vst v6  }
0xa5: {  	v6 =	vld.idx.msk [tilespmem:v49+s8+$0x0], $0xffff  }
0xa6: {  	v8 =	vld.idx.msk [tilespmem:v51+s8+$0x0], $0xffff  }
0xa7: {  	v7 =	vld.idx.msk [tilespmem:v52+s8+$0x0], $0xffff  }
0xa8: {  	v55 =	vld.idx.msk [tilespmem:v53+s8+$0x0], $0xffff  }
0xa9: {  	v56 =	vld.idx.msk [tilespmem:v54+s8+$0x0], $0xffff;
	_ =	sdelay $0x3  }
0xaa: {  	vm15 =	veq.s32 v8, v6  }
0xab: {  	vm8 =	veq.s32 v7, v6;
	vm6 =	veq.s32 v55, v6;
	vm5 =	veq.s32 v56, v6  }
0xac: {  	vm14 =	veq.s32 v7, v8;
	vm9 =	veq.s32 v55, v8;
	vm10 =	vmand vm4, vm15  }
0xad: {  	vm11 =	vmand vm2, vm8;
	vm12 =	vmand vm1, vm6;
	vm13 =	vmand vm0, vm5  }
0xae: {  	vm7 =	vmand vm3, vm15;
	vm15 =	vmand vm2, vm14;
	vm8 =	vmand vm3, vm8  }
0xaf: {  	vm6 =	vmand vm3, vm6;
	vm5 =	vmand vm3, vm5;
	v57 =	vsel vm10, $0x1, v0  }
0xb0: {  	v58 =	vsel vm11, $0x1, v0;
	v59 =	vsel vm12, $0x1, v0;
	v60 =	vsel vm13, $0x1, v0  }
0xb1: {  	v61 =	vsel vm7, $0x1, v0;
	v62 =	vsel vm15, $0x1, v0;
	vm12 =	vmand vm1, vm9  }
0xb2: {  	vm7 =	veq.s32 v56, v8;
	vm10 =	vmand vm4, vm14;
	v18 =	vsel vm8, $0x1, v0  }
0xb3: {  	vm14 =	veq.s32 v55, v7;
	vm11 =	veq.s32 v56, v7;
	vm9 =	vmand vm4, vm9  }
0xb4: {  	v23 =	vsel vm6, $0x1, v0;
	v28 =	vsel vm5, $0x1, v0;
	v11 =	vadd.s32 v1, v57  }
0xb5: {  	v63 =	vsel vm12, $0x1, v0;
	vm13 =	vmand vm0, vm7;
	v19 =	vsel vm10, $0x1, v0  }
0xb6: {  	vm15 =	vmand vm1, vm14;
	vm12 =	vmand vm0, vm11;
	v11 =	vadd.s32 v58, v11  }
0xb7: {  	v24 =	vsel vm9, $0x1, v0;
	vm14 =	vmand vm2, vm14;
	v11 =	vadd.s32 v59, v11  }
0xb8: {  	vm10 =	vmand vm4, vm7;
	v16 =	vsel vm13, $0x1, v0;
	v11 =	vadd.s32 v60, v11  }
0xb9: {  	v12 =	vadd.s32 v4, v19;
	v20 =	vsel vm15, $0x1, v0;
	v11 =	vshll.u32 v11, $0xA  }
0xba: {  	v21 =	vsel vm12, $0x1, v0;
	v6 =	vsub.s32 v11, v6;
	v11 =	vadd.s32 v2, v61  }
0xbb: {  	vm15 =	veq.s32 v56, v55;
	v25 =	vsel vm14, $0x1, v0;
	v11 =	vadd.s32 v62, v11  }
0xbc: {  	v27 =	vsel vm10, $0x1, v0;
	vm12 =	vmand vm2, vm11;
	v11 =	vadd.s32 v63, v11  }
0xbd: {  	vm9 =	vmand vm0, vm15;
	v6 =	vadd.s32 $0x3FF, v6;
	v11 =	vadd.s32 v16, v11  }
0xbe: {  	v29 =	vsel vm12, $0x1, v0;
	v17 =	vshra.s32 v6, $0x1F;
	v11 =	vshll.u32 v11, $0xA  }
0xbf: {  	v6 =	vor.u32 v17, v6;
	v8 =	vsub.s32 v11, v8;
	v11 =	vadd.s32 v18, v12  }
0xc0: {  	v6 =	vnsel vm3, $0xFFFFFFFF, v6;
	v8 =	vadd.s32 $0x3FF, v8;
	v11 =	vadd.s32 v20, v11  }
0xc1: {  	v26 =	vsel vm9, $0x1, v0;
	vm13 =	vgt.s32 v6, v8;
	v11 =	vadd.s32 v21, v11  }
0xc2: {  	v8 =	vsel vm13, v6, v8;
	v22 =	vshll.u32 v11, $0xA;
	v11 =	vadd.s32 v3, v24  }
0xc3: {  	vm13 =	vmand vm1, vm15;
	v6 =	vsel vm4, v8, v6;
	v8 =	vadd.s32 v23, v11  }
0xc4: {  	v7 =	vsub.s32 v22, v7;
	v11 =	vadd.s32 v5, v27;
	v8 =	vadd.s32 v25, v8  }
0xc5: {  	v30 =	vsel vm13, $0x1, v0;
	v11 =	vadd.s32 v28, v11;
	v8 =	vadd.s32 v26, v8  }
0xc6: {  	v7 =	vadd.s32 $0x3FF, v7;
	v11 =	vadd.s32 v29, v11;
	v8 =	vshll.u32 v8, $0xA  }
0xc7: {  	v7 =	vnsel vm2, $0xFFFFFFFF, v7;
	v31 =	vadd.s32 v30, v11;
	v8 =	vsub.s32 v8, v55  }
0xc8: {  	vm14 =	vgt.s32 v6, v7;
	v9 =	vshll.u32 v31, $0xA;
	v8 =	vadd.s32 $0x3FF, v8  }
0xc9: {  	v6 =	vsel vm14, v6, v7;
	v33 =	vsub.s32 v9, v56;
	v32 =	vnsel vm1, $0xFFFFFFFF, v8  }
0xca: {  	v34 =	vld [tilespmem:$0x40];
	v8 =	vadd.s32 $0x3FF, v33;
	vm5 =	vgt.s32 v6, v32  }
0xcb: {  	v36 =	vld [tilespmem:$0xC0];
	v35 =	vnsel vm0, $0xFFFFFFFF, v8;
	v6 =	vsel vm5, v6, v32  }
0xcc: {  	v37 =	vld [tilespmem:$0x140];
	vm5 =	vgt.s32 v6, v35  }
0xcd: {  	v38 =	vld [tilespmem:$0x1C0];
	v6 =	vsel vm5, v6, v35  }
0xce: {  	v39 =	vld [tilespmem:$0x240];
	v6 =	vandn.u32 $0x3FF, v6  }
0xcf: {  	v6 =	vcvt.s32.f32 v6;
	_ =	sdelay $0x1  }
0xd0: {  	[tilespmem:$0x44B0] =	vst v6  }
0xd1: {  	v6 =	vld.idx.msk [tilespmem:v34+s8+$0x0], $0xffff  }
0xd2: {  	v8 =	vld.idx.msk [tilespmem:v36+s8+$0x0], $0xffff  }
0xd3: {  	v7 =	vld.idx.msk [tilespmem:v37+s8+$0x0], $0xffff  }
0xd4: {  	v40 =	vld.idx.msk [tilespmem:v38+s8+$0x0], $0xffff  }
0xd5: {  	v41 =	vld.idx.msk [tilespmem:v39+s8+$0x0], $0xffff;
	_ =	sdelay $0x3  }
0xd6: {  	vm15 =	veq.s32 v8, v6  }
0xd7: {  	vm8 =	veq.s32 v7, v6;
	vm6 =	veq.s32 v40, v6;
	vm5 =	veq.s32 v41, v6  }
0xd8: {  	vm14 =	veq.s32 v7, v8;
	vm9 =	veq.s32 v40, v8;
	vm10 =	vmand vm4, vm15  }
0xd9: {  	vm11 =	vmand vm2, vm8;
	vm12 =	vmand vm1, vm6;
	vm13 =	vmand vm0, vm5  }
0xda: {  	vm7 =	vmand vm3, vm15;
	vm15 =	vmand vm2, vm14;
	vm8 =	vmand vm3, vm8  }
0xdb: {  	vm6 =	vmand vm3, vm6;
	vm5 =	vmand vm3, vm5;
	v42 =	vsel vm10, $0x1, v0  }
0xdc: {  	v43 =	vsel vm11, $0x1, v0;
	v44 =	vsel vm12, $0x1, v0;
	v45 =	vsel vm13, $0x1, v0  }
0xdd: {  	v46 =	vsel vm7, $0x1, v0;
	v47 =	vsel vm15, $0x1, v0;
	vm12 =	vmand vm1, vm9  }
0xde: {  	vm7 =	veq.s32 v41, v8;
	vm10 =	vmand vm4, vm14;
	v51 =	vsel vm8, $0x1, v0  }
0xdf: {  	vm14 =	veq.s32 v40, v7;
	vm11 =	veq.s32 v41, v7;
	vm9 =	vmand vm4, vm9  }
0xe0: {  	v56 =	vsel vm6, $0x1, v0;
	v61 =	vsel vm5, $0x1, v0;
	v11 =	vadd.s32 v1, v42  }
0xe1: {  	v48 =	vsel vm12, $0x1, v0;
	vm13 =	vmand vm0, vm7;
	v52 =	vsel vm10, $0x1, v0  }
0xe2: {  	vm15 =	vmand vm1, vm14;
	vm12 =	vmand vm0, vm11;
	v11 =	vadd.s32 v43, v11  }
0xe3: {  	v57 =	vsel vm9, $0x1, v0;
	vm14 =	vmand vm2, vm14;
	v11 =	vadd.s32 v44, v11  }
0xe4: {  	vm10 =	vmand vm4, vm7;
	v49 =	vsel vm13, $0x1, v0;
	v11 =	vadd.s32 v45, v11  }
0xe5: {  	v12 =	vadd.s32 v4, v52;
	v53 =	vsel vm15, $0x1, v0;
	v11 =	vshll.u32 v11, $0xA  }
0xe6: {  	v54 =	vsel vm12, $0x1, v0;
	v6 =	vsub.s32 v11, v6;
	v11 =	vadd.s32 v2, v46  }
0xe7: {  	vm15 =	veq.s32 v41, v40;
	v58 =	vsel vm14, $0x1, v0;
	v11 =	vadd.s32 v47, v11  }
0xe8: {  	v60 =	vsel vm10, $0x1, v0;
	vm12 =	vmand vm2, vm11;
	v11 =	vadd.s32 v48, v11  }
0xe9: {  	vm9 =	vmand vm0, vm15;
	v6 =	vadd.s32 $0x3FF, v6;
	v11 =	vadd.s32 v49, v11  }
0xea: {  	v62 =	vsel vm12, $0x1, v0;
	v50 =	vshra.s32 v6, $0x1F;
	v11 =	vshll.u32 v11, $0xA  }
0xeb: {  	v6 =	vor.u32 v50, v6;
	v8 =	vsub.s32 v11, v8;
	v11 =	vadd.s32 v51, v12  }
0xec: {  	v6 =	vnsel vm3, $0xFFFFFFFF, v6;
	v8 =	vadd.s32 $0x3FF, v8;
	v11 =	vadd.s32 v53, v11  }
0xed: {  	v59 =	vsel vm9, $0x1, v0;
	vm13 =	vgt.s32 v6, v8;
	v11 =	vadd.s32 v54, v11  }
0xee: {  	v8 =	vsel vm13, v6, v8;
	v55 =	vshll.u32 v11, $0xA;
	v11 =	vadd.s32 v3, v57  }
0xef: {  	vm13 =	vmand vm1, vm15;
	v6 =	vsel vm4, v8, v6;
	v8 =	vadd.s32 v56, v11  }
0xf0: {  	v7 =	vsub.s32 v55, v7;
	v11 =	vadd.s32 v5, v60;
	v8 =	vadd.s32 v58, v8  }
0xf1: {  	v63 =	vsel vm13, $0x1, v0;
	v11 =	vadd.s32 v61, v11;
	v8 =	vadd.s32 v59, v8  }
0xf2: {  	v7 =	vadd.s32 $0x3FF, v7;
	v11 =	vadd.s32 v62, v11;
	v8 =	vshll.u32 v8, $0xA  }
0xf3: {  	v7 =	vnsel vm2, $0xFFFFFFFF, v7;
	v14 =	vadd.s32 v63, v11;
	v8 =	vsub.s32 v8, v40  }
0xf4: {  	vm14 =	vgt.s32 v6, v7;
	v9 =	vshll.u32 v14, $0xA;
	v8 =	vadd.s32 $0x3FF, v8  }
0xf5: {  	v6 =	vsel vm14, v6, v7;
	v16 =	vsub.s32 v9, v41;
	v15 =	vnsel vm1, $0xFFFFFFFF, v8  }
0xf6: {  	v17 =	vld [tilespmem:$0x50];
	v8 =	vadd.s32 $0x3FF, v16;
	vm5 =	vgt.s32 v6, v15  }
0xf7: {  	v19 =	vld [tilespmem:$0xD0];
	v18 =	vnsel vm0, $0xFFFFFFFF, v8;
	v6 =	vsel vm5, v6, v15  }
0xf8: {  	v20 =	vld [tilespmem:$0x150];
	vm5 =	vgt.s32 v6, v18  }
0xf9: {  	v21 =	vld [tilespmem:$0x1D0];
	v6 =	vsel vm5, v6, v18  }
0xfa: {  	v22 =	vld [tilespmem:$0x250];
	v6 =	vandn.u32 $0x3FF, v6  }
0xfb: {  	v6 =	vcvt.s32.f32 v6;
	_ =	sdelay $0x1  }
0xfc: {  	[tilespmem:$0x44C0] =	vst v6  }
0xfd: {  	v6 =	vld.idx.msk [tilespmem:v17+s8+$0x0], $0xffff  }
0xfe: {  	v8 =	vld.idx.msk [tilespmem:v19+s8+$0x0], $0xffff  }
0xff: {  	v7 =	vld.idx.msk [tilespmem:v20+s8+$0x0], $0xffff  }
0x100: {  	v23 =	vld.idx.msk [tilespmem:v21+s8+$0x0], $0xffff  }
0x101: {  	v24 =	vld.idx.msk [tilespmem:v22+s8+$0x0], $0xffff;
	_ =	sdelay $0x3  }
0x102: {  	vm15 =	veq.s32 v8, v6  }
0x103: {  	vm8 =	veq.s32 v7, v6;
	vm6 =	veq.s32 v23, v6;
	vm5 =	veq.s32 v24, v6  }
0x104: {  	vm14 =	veq.s32 v7, v8;
	vm9 =	veq.s32 v23, v8;
	vm10 =	vmand vm4, vm15  }
0x105: {  	vm11 =	vmand vm2, vm8;
	vm12 =	vmand vm1, vm6;
	vm13 =	vmand vm0, vm5  }
0x106: {  	vm7 =	vmand vm3, vm15;
	vm15 =	vmand vm2, vm14;
	vm8 =	vmand vm3, vm8  }
0x107: {  	vm6 =	vmand vm3, vm6;
	vm5 =	vmand vm3, vm5;
	v25 =	vsel vm10, $0x1, v0  }
0x108: {  	v26 =	vsel vm11, $0x1, v0;
	v27 =	vsel vm12, $0x1, v0;
	v28 =	vsel vm13, $0x1, v0  }
0x109: {  	v29 =	vsel vm7, $0x1, v0;
	v30 =	vsel vm15, $0x1, v0;
	vm12 =	vmand vm1, vm9  }
0x10a: {  	vm7 =	veq.s32 v24, v8;
	vm10 =	vmand vm4, vm14;
	v34 =	vsel vm8, $0x1, v0  }
0x10b: {  	vm14 =	veq.s32 v23, v7;
	vm11 =	veq.s32 v24, v7;
	vm9 =	vmand vm4, vm9  }
0x10c: {  	v39 =	vsel vm6, $0x1, v0;
	v44 =	vsel vm5, $0x1, v0;
	v11 =	vadd.s32 v1, v25  }
0x10d: {  	v31 =	vsel vm12, $0x1, v0;
	vm13 =	vmand vm0, vm7;
	v35 =	vsel vm10, $0x1, v0  }
0x10e: {  	vm15 =	vmand vm1, vm14;
	vm12 =	vmand vm0, vm11;
	v11 =	vadd.s32 v26, v11  }
0x10f: {  	v40 =	vsel vm9, $0x1, v0;
	vm14 =	vmand vm2, vm14;
	v11 =	vadd.s32 v27, v11  }
0x110: {  	vm10 =	vmand vm4, vm7;
	v32 =	vsel vm13, $0x1, v0;
	v11 =	vadd.s32 v28, v11  }
0x111: {  	v12 =	vadd.s32 v4, v35;
	v36 =	vsel vm15, $0x1, v0;
	v11 =	vshll.u32 v11, $0xA  }
0x112: {  	v37 =	vsel vm12, $0x1, v0;
	v6 =	vsub.s32 v11, v6;
	v11 =	vadd.s32 v2, v29  }
0x113: {  	vm15 =	veq.s32 v24, v23;
	v41 =	vsel vm14, $0x1, v0;
	v11 =	vadd.s32 v30, v11  }
0x114: {  	v43 =	vsel vm10, $0x1, v0;
	vm12 =	vmand vm2, vm11;
	v11 =	vadd.s32 v31, v11  }
0x115: {  	vm9 =	vmand vm0, vm15;
	v6 =	vadd.s32 $0x3FF, v6;
	v11 =	vadd.s32 v32, v11  }
0x116: {  	v45 =	vsel vm12, $0x1, v0;
	v33 =	vshra.s32 v6, $0x1F;
	v11 =	vshll.u32 v11, $0xA  }
0x117: {  	v6 =	vor.u32 v33, v6;
	v8 =	vsub.s32 v11, v8;
	v11 =	vadd.s32 v34, v12  }
0x118: {  	v6 =	vnsel vm3, $0xFFFFFFFF, v6;
	v8 =	vadd.s32 $0x3FF, v8;
	v11 =	vadd.s32 v36, v11  }
0x119: {  	v42 =	vsel vm9, $0x1, v0;
	vm13 =	vgt.s32 v6, v8;
	v11 =	vadd.s32 v37, v11  }
0x11a: {  	v8 =	vsel vm13, v6, v8;
	v38 =	vshll.u32 v11, $0xA;
	v11 =	vadd.s32 v3, v40  }
0x11b: {  	vm13 =	vmand vm1, vm15;
	v6 =	vsel vm4, v8, v6;
	v8 =	vadd.s32 v39, v11  }
0x11c: {  	v7 =	vsub.s32 v38, v7;
	v11 =	vadd.s32 v5, v43;
	v8 =	vadd.s32 v41, v8  }
0x11d: {  	v46 =	vsel vm13, $0x1, v0;
	v11 =	vadd.s32 v44, v11;
	v8 =	vadd.s32 v42, v8  }
0x11e: {  	v7 =	vadd.s32 $0x3FF, v7;
	v11 =	vadd.s32 v45, v11;
	v8 =	vshll.u32 v8, $0xA  }
0x11f: {  	v7 =	vnsel vm2, $0xFFFFFFFF, v7;
	v47 =	vadd.s32 v46, v11;
	v8 =	vsub.s32 v8, v23  }
0x120: {  	vm14 =	vgt.s32 v6, v7;
	v9 =	vshll.u32 v47, $0xA;
	v8 =	vadd.s32 $0x3FF, v8  }
0x121: {  	v6 =	vsel vm14, v6, v7;
	v49 =	vsub.s32 v9, v24;
	v48 =	vnsel vm1, $0xFFFFFFFF, v8  }
0x122: {  	v50 =	vld [tilespmem:$0x60];
	v8 =	vadd.s32 $0x3FF, v49;
	vm5 =	vgt.s32 v6, v48  }
0x123: {  	v52 =	vld [tilespmem:$0xE0];
	v51 =	vnsel vm0, $0xFFFFFFFF, v8;
	v6 =	vsel vm5, v6, v48  }
0x124: {  	v53 =	vld [tilespmem:$0x160];
	vm5 =	vgt.s32 v6, v51  }
0x125: {  	v54 =	vld [tilespmem:$0x1E0];
	v6 =	vsel vm5, v6, v51  }
0x126: {  	v55 =	vld [tilespmem:$0x260];
	v6 =	vandn.u32 $0x3FF, v6  }
0x127: {  	v6 =	vcvt.s32.f32 v6;
	_ =	sdelay $0x1  }
0x128: {  	[tilespmem:$0x44D0] =	vst v6  }
0x129: {  	v6 =	vld.idx.msk [tilespmem:v50+s8+$0x0], $0xffff  }
0x12a: {  	v8 =	vld.idx.msk [tilespmem:v52+s8+$0x0], $0xffff  }
0x12b: {  	v7 =	vld.idx.msk [tilespmem:v53+s8+$0x0], $0xffff  }
0x12c: {  	v56 =	vld.idx.msk [tilespmem:v54+s8+$0x0], $0xffff  }
0x12d: {  	v57 =	vld.idx.msk [tilespmem:v55+s8+$0x0], $0xffff;
	_ =	sdelay $0x3  }
0x12e: {  	vm15 =	veq.s32 v8, v6  }
0x12f: {  	vm8 =	veq.s32 v7, v6;
	vm6 =	veq.s32 v56, v6;
	vm5 =	veq.s32 v57, v6  }
0x130: {  	vm14 =	veq.s32 v7, v8;
	vm9 =	veq.s32 v56, v8;
	vm10 =	vmand vm4, vm15  }
0x131: {  	vm11 =	vmand vm2, vm8;
	vm12 =	vmand vm1, vm6;
	vm13 =	vmand vm0, vm5  }
0x132: {  	vm7 =	vmand vm3, vm15;
	vm15 =	vmand vm2, vm14;
	vm8 =	vmand vm3, vm8  }
0x133: {  	vm6 =	vmand vm3, vm6;
	vm5 =	vmand vm3, vm5;
	v58 =	vsel vm10, $0x1, v0  }
0x134: {  	v59 =	vsel vm11, $0x1, v0;
	v60 =	vsel vm12, $0x1, v0;
	v61 =	vsel vm13, $0x1, v0  }
0x135: {  	v62 =	vsel vm7, $0x1, v0;
	v63 =	vsel vm15, $0x1, v0;
	vm12 =	vmand vm1, vm9  }
0x136: {  	vm7 =	veq.s32 v57, v8;
	vm10 =	vmand vm4, vm14;
	v19 =	vsel vm8, $0x1, v0  }
0x137: {  	vm14 =	veq.s32 v56, v7;
	vm11 =	veq.s32 v57, v7;
	vm9 =	vmand vm4, vm9  }
0x138: {  	v24 =	vsel vm6, $0x1, v0;
	v29 =	vsel vm5, $0x1, v0;
	v11 =	vadd.s32 v1, v58  }
0x139: {  	v16 =	vsel vm12, $0x1, v0;
	vm13 =	vmand vm0, vm7;
	v20 =	vsel vm10, $0x1, v0  }
0x13a: {  	vm15 =	vmand vm1, vm14;
	vm12 =	vmand vm0, vm11;
	v11 =	vadd.s32 v59, v11  }
0x13b: {  	v25 =	vsel vm9, $0x1, v0;
	vm14 =	vmand vm2, vm14;
	v11 =	vadd.s32 v60, v11  }
0x13c: {  	vm10 =	vmand vm4, vm7;
	v17 =	vsel vm13, $0x1, v0;
	v11 =	vadd.s32 v61, v11  }
0x13d: {  	v12 =	vadd.s32 v4, v20;
	v21 =	vsel vm15, $0x1, v0;
	v11 =	vshll.u32 v11, $0xA  }
0x13e: {  	v22 =	vsel vm12, $0x1, v0;
	v6 =	vsub.s32 v11, v6;
	v11 =	vadd.s32 v2, v62  }
0x13f: {  	vm15 =	veq.s32 v57, v56;
	v26 =	vsel vm14, $0x1, v0;
	v11 =	vadd.s32 v63, v11  }
0x140: {  	v28 =	vsel vm10, $0x1, v0;
	vm12 =	vmand vm2, vm11;
	v11 =	vadd.s32 v16, v11  }
0x141: {  	vm9 =	vmand vm0, vm15;
	v6 =	vadd.s32 $0x3FF, v6;
	v11 =	vadd.s32 v17, v11  }
0x142: {  	v30 =	vsel vm12, $0x1, v0;
	v18 =	vshra.s32 v6, $0x1F;
	v11 =	vshll.u32 v11, $0xA  }
0x143: {  	v6 =	vor.u32 v18, v6;
	v8 =	vsub.s32 v11, v8;
	v11 =	vadd.s32 v19, v12  }
0x144: {  	v6 =	vnsel vm3, $0xFFFFFFFF, v6;
	v8 =	vadd.s32 $0x3FF, v8;
	v11 =	vadd.s32 v21, v11  }
0x145: {  	v27 =	vsel vm9, $0x1, v0;
	vm13 =	vgt.s32 v6, v8;
	v11 =	vadd.s32 v22, v11  }
0x146: {  	v8 =	vsel vm13, v6, v8;
	v23 =	vshll.u32 v11, $0xA;
	v11 =	vadd.s32 v3, v25  }
0x147: {  	vm13 =	vmand vm1, vm15;
	v6 =	vsel vm4, v8, v6;
	v8 =	vadd.s32 v24, v11  }
0x148: {  	v7 =	vsub.s32 v23, v7;
	v11 =	vadd.s32 v5, v28;
	v8 =	vadd.s32 v26, v8  }
0x149: {  	v31 =	vsel vm13, $0x1, v0;
	v11 =	vadd.s32 v29, v11;
	v8 =	vadd.s32 v27, v8  }
0x14a: {  	v7 =	vadd.s32 $0x3FF, v7;
	v11 =	vadd.s32 v30, v11;
	v8 =	vshll.u32 v8, $0xA  }
0x14b: {  	v7 =	vnsel vm2, $0xFFFFFFFF, v7;
	v32 =	vadd.s32 v31, v11;
	v8 =	vsub.s32 v8, v56  }
0x14c: {  	vm14 =	vgt.s32 v6, v7;
	v9 =	vshll.u32 v32, $0xA;
	v8 =	vadd.s32 $0x3FF, v8  }
0x14d: {  	v6 =	vsel vm14, v6, v7;
	v34 =	vsub.s32 v9, v57;
	v33 =	vnsel vm1, $0xFFFFFFFF, v8  }
0x14e: {  	v35 =	vld [tilespmem:$0x70];
	v8 =	vadd.s32 $0x3FF, v34;
	vm5 =	vgt.s32 v6, v33  }
0x14f: {  	v37 =	vld [tilespmem:$0xF0];
	v36 =	vnsel vm0, $0xFFFFFFFF, v8;
	v6 =	vsel vm5, v6, v33  }
0x150: {  	v38 =	vld [tilespmem:$0x170];
	vm5 =	vgt.s32 v6, v36  }
0x151: {  	v39 =	vld [tilespmem:$0x1F0];
	v6 =	vsel vm5, v6, v36  }
0x152: {  	v40 =	vld [tilespmem:$0x270];
	v6 =	vandn.u32 $0x3FF, v6  }
0x153: {  	v6 =	vcvt.s32.f32 v6;
	_ =	sdelay $0x1  }
0x154: {  	[tilespmem:$0x44E0] =	vst v6  }
0x155: {  	v6 =	vld.idx.msk [tilespmem:v35+s8+$0x0], $0xffff  }
0x156: {  	v8 =	vld.idx.msk [tilespmem:v37+s8+$0x0], $0xffff  }
0x157: {  	v7 =	vld.idx.msk [tilespmem:v38+s8+$0x0], $0xffff  }
0x158: {  	v41 =	vld.idx.msk [tilespmem:v39+s8+$0x0], $0xffff  }
0x159: {  	v42 =	vld.idx.msk [tilespmem:v40+s8+$0x0], $0xffff;
	_ =	sdelay $0x3  }
0x15a: {  	vm15 =	veq.s32 v8, v6  }
0x15b: {  	vm8 =	veq.s32 v7, v6;
	vm6 =	veq.s32 v41, v6;
	vm5 =	veq.s32 v42, v6  }
0x15c: {  	vm9 =	veq.s32 v41, v8;
	vm11 =	vmand vm4, vm15;
	vm12 =	vmand vm2, vm8  }
0x15d: {  	vm13 =	vmand vm1, vm6;
	vm14 =	vmand vm0, vm5;
	vm7 =	vmand vm3, vm15  }
0x15e: {  	vm15 =	veq.s32 v7, v8;
	vm8 =	vmand vm3, vm8;
	vm6 =	vmand vm3, vm6  }
0x15f: {  	v43 =	vsel vm11, $0x1, v0;
	v44 =	vsel vm12, $0x1, v0;
	v45 =	vsel vm13, $0x1, v0  }
0x160: {  	v46 =	vsel vm14, $0x1, v0;
	v47 =	vsel vm7, $0x1, v0;
	vm12 =	vmand vm2, vm15  }
0x161: {  	vm13 =	vmand vm1, vm9;
	vm7 =	veq.s32 v42, v8;
	vm10 =	vmand vm4, vm15  }
0x162: {  	v52 =	vsel vm8, $0x1, v0;
	vm15 =	veq.s32 v41, v7;
	vm11 =	veq.s32 v42, v7  }
0x163: {  	vm9 =	vmand vm4, vm9;
	v56 =	vsel vm6, $0x1, v0;
	v1 =	vadd.s32 v1, v43  }
0x164: {  	v2 =	vadd.s32 v2, v47;
	v48 =	vsel vm12, $0x1, v0;
	v49 =	vsel vm13, $0x1, v0  }
0x165: {  	vm14 =	vmand vm0, vm7;
	v53 =	vsel vm10, $0x1, v0;
	vm12 =	vmand vm1, vm15  }
0x166: {  	vm13 =	vmand vm0, vm11;
	v57 =	vsel vm9, $0x1, v0;
	vm15 =	vmand vm2, vm15  }
0x167: {  	v1 =	vadd.s32 v44, v1;
	v2 =	vadd.s32 v48, v2;
	v50 =	vsel vm14, $0x1, v0  }
0x168: {  	v4 =	vadd.s32 v4, v53;
	v54 =	vsel vm12, $0x1, v0;
	v1 =	vadd.s32 v45, v1  }
0x169: {  	v55 =	vsel vm13, $0x1, v0;
	vm12 =	veq.s32 v42, v41;
	v1 =	vadd.s32 v46, v1  }
0x16a: {  	v3 =	vadd.s32 v3, v57;
	v58 =	vsel vm15, $0x1, v0;
	v1 =	vshll.u32 v1, $0xA  }
0x16b: {  	v2 =	vadd.s32 v49, v2;
	v4 =	vadd.s32 v52, v4;
	v1 =	vsub.s32 v1, v6  }
0x16c: {  	vm13 =	vmand vm0, vm12;
	v2 =	vadd.s32 v50, v2;
	v1 =	vadd.s32 $0x3FF, v1  }
0x16d: {  	v3 =	vadd.s32 v56, v3;
	v2 =	vshll.u32 v2, $0xA;
	v51 =	vshra.s32 v1, $0x1F  }
0x16e: {  	vm15 =	vmand vm1, vm12;
	v2 =	vsub.s32 v2, v8;
	v1 =	vor.u32 v51, v1  }
0x16f: {  	v4 =	vadd.s32 v54, v4;
	v2 =	vadd.s32 $0x3FF, v2;
	v1 =	vnsel vm3, $0xFFFFFFFF, v1  }
0x170: {  	v59 =	vsel vm13, $0x1, v0;
	v3 =	vadd.s32 v58, v3;
	vm14 =	vgt.s32 v1, v2  }
0x171: {  	v63 =	vsel vm15, $0x1, v0;
	v4 =	vadd.s32 v55, v4;
	v2 =	vsel vm14, v1, v2  }
0x172: {  	vm3 =	vmand vm3, vm5;
	v1 =	vsel vm4, v2, v1;
	vm4 =	vmand vm4, vm7  }
0x173: {  	v3 =	vadd.s32 v59, v3;
	v61 =	vsel vm3, $0x1, v0;
	v60 =	vsel vm4, $0x1, v0  }
0x174: {  	vm14 =	vmand vm2, vm11;
	v2 =	vshll.u32 v4, $0xA;
	v4 =	vadd.s32 v5, v60  }
0x175: {  	v62 =	vsel vm14, $0x1, v0;
	v2 =	vsub.s32 v2, v7;
	v4 =	vadd.s32 v61, v4  }
0x176: {  	v3 =	vshll.u32 v3, $0xA;
	v2 =	vadd.s32 $0x3FF, v2;
	v4 =	vadd.s32 v62, v4  }
0x177: {  	v3 =	vsub.s32 v3, v41;
	v2 =	vnsel vm2, $0xFFFFFFFF, v2;
	v4 =	vadd.s32 v63, v4  }
0x178: {  	v3 =	vadd.s32 $0x3FF, v3;
	vm2 =	vgt.s32 v1, v2;
	v4 =	vshll.u32 v4, $0xA  }
0x179: {  	v1 =	vsel vm2, v1, v2;
	v2 =	vnsel vm1, $0xFFFFFFFF, v3;
	v3 =	vsub.s32 v4, v42  }
0x17a: {  	vm1 =	vgt.s32 v1, v2;
	v3 =	vadd.s32 $0x3FF, v3  }
0x17b: {  	v1 =	vsel vm1, v1, v2;
	v2 =	vnsel vm0, $0xFFFFFFFF, v3  }
0x17c: {  	vm0 =	vgt.s32 v1, v2  }
0x17d: {  	v1 =	vsel vm0, v1, v2  }
0x17e: {  	v1 =	vandn.u32 $0x3FF, v1  }
0x17f: {  	v1 =	vcvt.s32.f32 v1  }
0x180: {  	p0 =	sne.s32 s7, $0x1  }
.Ltmp0:
0x181: {  	[tilespmem:$0x44F0] =	vst v1;
	(pc) =	sbr.rel @p0 .LBB2_1-.Ltmp0, $4  }
0x182: {  	[hbm4b:s6+s3] =	stream.linear.scatter [tilespmem:s11], [sflag:$0x1], $0x80, $0x38;
	[tilespmem:$0x4500] =	vst v63  }
0x183: {  	_ =	swait.ge [sflag:s9], $0x80  }
0x184: {  	[sflag:s9] =	ssyncset.done $0x0  }
0x185: {  	s7 =	sadd.s32 $0xFFFFFFFF, s7;
	[sflag:s9] =	ssyncadd.s32 $0xFFFFFF80  }
0x186: {  	_ =	sfence.sel $0x180000  }
0x187: {  	[bflag:$0x0] =	sbarrier.arrive $0xFFFF  }
0x188: {  	p0 =	sne.s32 s1, $0x0;
	_ =	strace $0x90000047  }
0x189: {  	s0 =	sadd.s32 @!p0 $0x100000, s0;
	[bflag:$0x2] =	sbarrier.arrive $0xFFFF  }
0x18a: {  	[sflag:s0] =	ssyncadd.tile.s32 @!p0 $0x1;
	_ =	shalt  }
.Lfunc_end2:
_tile_overlayer_lowered:
.L_overlay_start_2:
0x18b: {  	(tag) =	ssettag $0x2  }
0x18c: {  	s0 =	rddreg [dreg:$0x0];
	s2 =	stileid.u32  }
0x18d: {  	s1 =	rddreg [dreg:$0x1];
	p0 =	sne.s32 s2, $0x0  }
0x18e: {  	s3 =	rddreg [dreg:$0x2];
	[bflag:$0x3] =	sbarrier.arrive $0xFFFF;
	s2 =	simm.s32 @!p0 $0x1C01  }
0x18f: {  	[timem:s3], [sflag:s2] =	dma.local @!p0 [hbm:s0], s1  }
0x190: {  	s0 =	simm.s32 @!p0 $0x1  }
0x191: {  	_ =	swait.ge @!p0 [sflag:s0], s1  }
0x192: {  	s1 =	ssub.s32 @!p0 $0x0, s1;
	[sflag:s0] =	ssyncset.done @!p0 $0x0  }
0x193: {  	[sflag:s0] =	ssyncadd.s32 @!p0 s1  }
0x194: {  	[bflag:$0x3] =	sbarrier.arrive $0xFFFF  }
0x195: {  	_ =	shalt  }

</sc_bundles>
